<compile_context>
chip_gen: v7x
topology: tpu7x:2x2x1
jax: 0.10.2.dev20260603
libtpu: 0.0.44.dev20260713+nightly
codegen_flags: <defaults>
</compile_context>

<pallas_src>
import functools

import jax
import jax.numpy as jnp
from jax import lax
from jax.experimental import pallas as pl
from jax.experimental.pallas import tpu as pltpu
from jax.experimental.pallas import tpu_sc as plsc

N_NODES = 10000
N_EDGES = 320000
D_FEAT = 128
NHID = 128
NCLASS = 16

NC = 2
NS = 16
DH = NHID // 2
CHUNK = 128
CHUNK2 = 128
CH1 = 160
CH2 = 80
E_PAD = CHUNK * CH1 * NS
NROWS = 10240
RPS = NROWS // NS

_SC_PARAMS = pltpu.CompilerParams(use_tc_tiling_on_sc=False)
_MESH = plsc.VectorSubcoreMesh(core_axis_name="c", subcore_axis_name="s")


def _zero_acc(zeros_v, acc, sid, d, sem):
  def zrow(r, _):
    for t in range(d // 16):
      zeros_v[r, pl.ds(t * 16, 16)] = jnp.zeros((16,), jnp.float32)
    return 0
  lax.fori_loop(0, CHUNK, zrow, 0)
  base = sid * RPS
  for i in range(RPS // CHUNK):
    pltpu.async_copy(zeros_v, acc.at[pl.ds(base + i * CHUNK, CHUNK)], sem)
  for i in range(RPS // CHUNK):
    pltpu.make_async_copy(zeros_v, acc.at[pl.ds(base, CHUNK)], sem).wait()
  return base


NBUF1 = 6
NBUF2 = 8


def _edge_pipeline(n_chunks, nbuf, table, src_v, dst_v, rows_v, acc,
                   gsems, ssems):
  for k in range(nbuf - 2):
    pltpu.async_copy(table.at[src_v.at[k]], rows_v.at[k], gsems[k])

  unroll = nbuf if nbuf % 2 == 0 else 2 * nbuf

  def body(j, _):
    for b2 in range(unroll):
      @pl.when(j % unroll == b2)
      def _():
        b = b2 % nbuf
        bn = (b + nbuf - 2) % nbuf
        sp = b2 % 2

        @pl.when(j >= 2)
        def _():
          pltpu.make_async_copy(
              rows_v.at[bn], acc.at[dst_v.at[j - 2]], ssems[sp]).wait()

        @pl.when(j + nbuf - 2 < n_chunks)
        def _():
          pltpu.async_copy(table.at[src_v.at[j + nbuf - 2]], rows_v.at[bn],
                           gsems[bn])

        pltpu.make_async_copy(table.at[src_v.at[j]], rows_v.at[b],
                              gsems[b]).wait()
        pltpu.async_copy(rows_v.at[b], acc.at[dst_v.at[j]], ssems[sp],
                         add=True)
    return 0

  lax.fori_loop(0, n_chunks, body, 0)
  pltpu.make_async_copy(rows_v.at[(n_chunks - 2) % nbuf],
                        acc.at[dst_v.at[n_chunks - 2]],
                        ssems[n_chunks % 2]).wait()
  pltpu.make_async_copy(rows_v.at[(n_chunks - 1) % nbuf],
                        acc.at[dst_v.at[n_chunks - 1]],
                        ssems[(n_chunks + 1) % 2]).wait()


@functools.partial(
    pl.kernel,
    out_type=jax.ShapeDtypeStruct((NC, NROWS, DH), jnp.float32),
    mesh=_MESH,
    compiler_params=_SC_PARAMS,
    scratch_types=[
        pltpu.VMEM((CH1, CHUNK), jnp.int32),
        pltpu.VMEM((CH1, CHUNK), jnp.int32),
        pltpu.VMEM((NBUF1, CHUNK, DH), jnp.float32),
        pltpu.VMEM_SHARED((NROWS, DH), jnp.float32),
    ] + [pltpu.SemaphoreType.DMA] * (NBUF1 + 2),
)
def _agg_l1(h_hbm, src_hbm, dst_hbm, out_hbm,
            src_v, dst_v, rows_v, acc,
            *sems):
  cid = lax.axis_index("c")
  sid = lax.axis_index("s")
  pltpu.sync_copy(src_hbm.at[sid], src_v)
  pltpu.sync_copy(dst_hbm.at[sid], dst_v)

  def fix(j, _):
    for t in range(CHUNK // 16):
      sl = pl.ds(t * 16, 16)
      src_v[j, sl] = src_v[j, sl] * 2 + cid
    return 0
  lax.fori_loop(0, CH1, fix, 0)

  base = _zero_acc(rows_v.at[0], acc, sid, DH, sems[NBUF1])
  plsc.subcore_barrier()
  _edge_pipeline(CH1, NBUF1, h_hbm, src_v, dst_v, rows_v, acc,
                 sems[:NBUF1], sems[NBUF1:])
  plsc.subcore_barrier()
  pltpu.sync_copy(acc.at[pl.ds(base, RPS)], out_hbm.at[cid, pl.ds(base, RPS)])


@functools.partial(
    pl.kernel,
    out_type=jax.ShapeDtypeStruct((NC, NROWS, NCLASS), jnp.float32),
    mesh=_MESH,
    compiler_params=_SC_PARAMS,
    scratch_types=[
        pltpu.VMEM((CH2, CHUNK2), jnp.int32),
        pltpu.VMEM((CH2, CHUNK2), jnp.int32),
        pltpu.VMEM((NBUF2, CHUNK2, NCLASS), jnp.float32),
        pltpu.VMEM_SHARED((NROWS, NCLASS), jnp.float32),
    ] + [pltpu.SemaphoreType.DMA] * (NBUF2 + 2),
)
def _agg_l2(h_hbm, src_hbm, dst_hbm, out_hbm,
            src_v, dst_v, rows_v, acc,
            *sems):
  cid = lax.axis_index("c")
  sid = lax.axis_index("s")
  pltpu.sync_copy(src_hbm.at[cid, sid], src_v)
  pltpu.sync_copy(dst_hbm.at[cid, sid], dst_v)
  base = _zero_acc(rows_v.at[0], acc, sid, NCLASS, sems[NBUF2])
  plsc.subcore_barrier()
  _edge_pipeline(CH2, NBUF2, h_hbm, src_v, dst_v, rows_v, acc,
                 sems[:NBUF2], sems[NBUF2:])
  plsc.subcore_barrier()
  pltpu.sync_copy(acc.at[pl.ds(base, RPS)], out_hbm.at[cid, pl.ds(base, RPS)])


def _mm1(feats, W1):
  def body(x_ref, w_ref, o_ref):
    o_ref[...] = jnp.dot(x_ref[...], w_ref[...],
                         preferred_element_type=jnp.float32)
  return pl.pallas_call(
      body,
      grid=(5,),
      in_specs=[
          pl.BlockSpec((2000, D_FEAT), lambda i: (i, 0)),
          pl.BlockSpec((D_FEAT, NHID), lambda i: (0, 0)),
      ],
      out_specs=pl.BlockSpec((2000, NHID), lambda i: (i, 0)),
      out_shape=jax.ShapeDtypeStruct((N_NODES, NHID), jnp.float32),
  )(feats, W1)


def _layer2_in(p1pk, b1pk, W2bd):
  def body(pa_ref, pb_ref, ba_ref, bb_ref, wa_ref, wb_ref, o_ref):
    xa = jnp.maximum(pa_ref[0] + ba_ref[0], 0.0)
    xb = jnp.maximum(pb_ref[0] + bb_ref[0], 0.0)
    o_ref[...] = (jnp.dot(xa, wa_ref[0], preferred_element_type=jnp.float32)
                  + jnp.dot(xb, wb_ref[0], preferred_element_type=jnp.float32))
  return pl.pallas_call(
      body,
      grid=(5,),
      in_specs=[
          pl.BlockSpec((1, 1024, 128), lambda i: (0, i, 0)),
          pl.BlockSpec((1, 1024, 128), lambda i: (1, i, 0)),
          pl.BlockSpec((1, 1, 128), lambda i: (0, 0, 0)),
          pl.BlockSpec((1, 1, 128), lambda i: (1, 0, 0)),
          pl.BlockSpec((1, 128, 2 * NCLASS), lambda i: (0, 0, 0)),
          pl.BlockSpec((1, 128, 2 * NCLASS), lambda i: (1, 0, 0)),
      ],
      out_specs=pl.BlockSpec((1024, 2 * NCLASS), lambda i: (i, 0)),
      out_shape=jax.ShapeDtypeStruct((NROWS // 2, 2 * NCLASS), jnp.float32),
  )(p1pk, p1pk, b1pk, b1pk, W2bd, W2bd)


def _finish(p2pk, b2pk):
  NEG = -1e30

  def body(p_ref, b_ref, o_ref):
    x = p_ref[0] + p_ref[1] + b_ref[...]
    lpos = lax.broadcasted_iota(jnp.int32, x.shape, 1) % 16
    m = x
    for k in (1, 2, 4, 8):
      sh = pltpu.roll(m, 128 - k, axis=1)
      m = jnp.maximum(m, jnp.where(lpos <= 15 - k, sh, NEG))
    for k in (1, 2, 4, 8):
      sh = pltpu.roll(m, k, axis=1)
      m = jnp.maximum(m, jnp.where(lpos >= k, sh, NEG))
    e = jnp.exp(x - m)
    r = lax.broadcasted_iota(jnp.int32, (128, 128), 0) // 16
    c = lax.broadcasted_iota(jnp.int32, (128, 128), 1) // 16
    bd = (r == c).astype(jnp.float32)
    s = jnp.dot(e, bd, preferred_element_type=jnp.float32)
    o_ref[...] = e / s

  return pl.pallas_call(
      body,
      grid=(1,),
      in_specs=[
          pl.BlockSpec((2, NROWS // 8, 128), lambda i: (0, 0, 0)),
          pl.BlockSpec((1, 128), lambda i: (0, 0)),
      ],
      out_specs=pl.BlockSpec((NROWS // 8, 128), lambda i: (0, 0)),
      out_shape=jax.ShapeDtypeStruct((NROWS // 8, 128), jnp.float32),
  )(p2pk, b2pk)


def kernel(feats, edge_index, W1, b1, W2, b2):
  src = edge_index[0].astype(jnp.int32)
  dst = edge_index[1].astype(jnp.int32)
  pad = E_PAD - N_EDGES
  ar = jnp.arange(pad, dtype=jnp.int32)
  pad_src = ar % N_NODES
  pad_dst = N_NODES + ar % (NROWS - N_NODES)
  src = jnp.concatenate([src, pad_src])
  dst = jnp.concatenate([dst, pad_dst])
  src1 = src.reshape(NS, CH1, CHUNK)
  dst1 = dst.reshape(NS, CH1, CHUNK)
  src2 = src.reshape(NC, NS, CH2, CHUNK2)
  dst2 = dst.reshape(NC, NS, CH2, CHUNK2)

  b1pk = jnp.tile(b1.reshape(NC, 1, DH), (1, 1, 2))
  W2r = W2.reshape(NC, DH, NCLASS)
  zz = jnp.zeros((NC, DH, NCLASS), jnp.float32)
  W2bd = jnp.concatenate([
      jnp.concatenate([W2r, zz], axis=2),
      jnp.concatenate([zz, W2r], axis=2),
  ], axis=1)
  b2pk = jnp.tile(b2, 8).reshape(1, 128)

  h1 = _mm1(feats, W1)
  table1 = h1.reshape(2 * N_NODES, DH)
  p1 = _agg_l1(table1, src1, dst1)
  h2pk = _layer2_in(p1.reshape(NC, NROWS // 2, 128), b1pk, W2bd)
  h2 = h2pk.reshape(NROWS, NCLASS)
  p2 = _agg_l2(h2, src2, dst2)
  out = _finish(p2.reshape(NC, NROWS // 8, 128), b2pk)
  return out.reshape(NROWS, NCLASS)[:N_NODES]

# --- scband reference (transcript-rebuilt; emitter-appended) ---
"""Pipeline reference for scband-gcn-5265629904968 (READ-ONLY COPY).

The authoritative reference and input builder live on the scoring server;
editing this copy changes nothing except your own understanding.
"""

import jax, jax.numpy as jnp
import numpy as np

N_NODES = 10000
N_EDGES = 320000
D_FEAT = 128
NHID = 128
NCLASS = 16


def setup_inputs(seed: int = 0) -> dict:
    key = jax.random.key(seed)
    k1, k2, k3, k4, k5, k6 = jax.random.split(key, 6)
    feats = jax.random.normal(k1, (N_NODES, D_FEAT), dtype=jnp.float32)
    edge_index = jax.random.randint(k2, (2, N_EDGES), 0, N_NODES, dtype=jnp.int64)
    # Glorot-ish init for the two GCNConv layers' weights
    W1 = jax.random.normal(k3, (D_FEAT, NHID), dtype=jnp.float32) * (1.0 / np.sqrt(D_FEAT))
    b1 = jnp.zeros((NHID,), dtype=jnp.float32)
    W2 = jax.random.normal(k4, (NHID, NCLASS), dtype=jnp.float32) * (1.0 / np.sqrt(NHID))
    b2 = jnp.zeros((NCLASS,), dtype=jnp.float32)
    return {"feats": feats, "edge_index": edge_index, "W1": W1, "b1": b1, "W2": W2, "b2": b2}


def _gcn_conv(x, edge_index, W, b):
    # GCNConv: out = A @ (X W) + b  (adjacency applied as gather + scatter-add)
    src = edge_index[0]
    dst = edge_index[1]
    h = x @ W
    msgs = jnp.take(h, src, axis=0)                      # gather (SparseCore)
    agg = jnp.zeros((x.shape[0], W.shape[1]), dtype=h.dtype).at[dst].add(msgs)  # scatter-add
    return agg + b


def reference(feats, edge_index, W1, b1, W2, b2):
    # gcn1 with relu activation
    x1 = jax.nn.relu(_gcn_conv(feats, edge_index, W1, b1))
    # Dropout in inference mode (training=None) is identity
    x1d = x1
    # gcn2 with softmax activation
    x2 = _gcn_conv(x1d, edge_index, W2, b2)
    return jax.nn.softmax(x2, axis=-1)

if __name__ == "__main__":
    import jax
    _d = setup_inputs()
    print(jax.jit(kernel)(*tuple(_d.values())))

</pallas_src>

<mosaic_0001>
#map = affine_map<(d0, d1) -> (0, 0)>
#map1 = affine_map<(d0, d1) -> (0, 0, 0)>
module attributes {stable_mosaic.version = 14 : i64} {
  func.func @_agg_l1(%arg0: i32, %arg1: i32, %arg2: memref<20000x64xf32, #tpu.memory_space<hbm>>, %arg3: memref<16x160x128xi32, #tpu.memory_space<hbm>>, %arg4: memref<16x160x128xi32, #tpu.memory_space<hbm>>, %arg5: memref<2x10240x64xf32, #tpu.memory_space<hbm>>, %arg6: memref<160x128xi32, #tpu.memory_space<vmem>>, %arg7: memref<160x128xi32, #tpu.memory_space<vmem>>, %arg8: memref<6x128x64xf32, #tpu.memory_space<vmem>>, %arg9: memref<10240x64xf32, #tpu.memory_space<vmem_shared>>, %arg10: memref<!tpu.dma_semaphore, #tpu.memory_space<semaphore_mem>>, %arg11: memref<!tpu.dma_semaphore, #tpu.memory_space<semaphore_mem>>, %arg12: memref<!tpu.dma_semaphore, #tpu.memory_space<semaphore_mem>>, %arg13: memref<!tpu.dma_semaphore, #tpu.memory_space<semaphore_mem>>, %arg14: memref<!tpu.dma_semaphore, #tpu.memory_space<semaphore_mem>>, %arg15: memref<!tpu.dma_semaphore, #tpu.memory_space<semaphore_mem>>, %arg16: memref<!tpu.dma_semaphore, #tpu.memory_space<semaphore_mem>>, %arg17: memref<!tpu.dma_semaphore, #tpu.memory_space<semaphore_mem>>) attributes {dimension_semantics = [#tpu.dimension_semantics<core_parallel>, #tpu.dimension_semantics<subcore_parallel>], iteration_bounds = array<i64: 2, 16>, scalar_prefetch = 0 : i64, scratch_operands = 12 : i64, tpu.core_type = #tpu.core_type<sc_vector_subcore>, window_params = [{transform_indices = #map}, {transform_indices = #map1}, {transform_indices = #map1}, {transform_indices = #map1}]} {
    "tpu.region"() ({
      %run_scoped3A = tpu.sem_alloc : memref<!tpu.dma_semaphore, #tpu.memory_space<semaphore_mem>>
      %dma_start3A_232 = arith.constant 0 : i32
      %dma_start3A_233 = arith.constant 0 : i32
      %dma_start3A_234 = tpu.memref_slice %arg3[%arg1, %dma_start3A_232, %dma_start3A_233] : memref<16x160x128xi32, #tpu.memory_space<hbm>> -> memref<1x160x128xi32, #tpu.memory_space<hbm>>
      %dma_start3A_235 = tpu.memref_squeeze %dma_start3A_234 : memref<1x160x128xi32, #tpu.memory_space<hbm>> -> memref<160x128xi32, #tpu.memory_space<hbm>>
      %dma_start3A_236 = arith.constant 0 : i32
      %dma_start3A_237 = arith.constant 0 : i32
      %dma_start3A_238 = tpu.memref_slice %arg3[%arg1, %dma_start3A_236, %dma_start3A_237] : memref<16x160x128xi32, #tpu.memory_space<hbm>> -> memref<1x160x128xi32, #tpu.memory_space<hbm>>
      %dma_start3A_239 = tpu.memref_squeeze %dma_start3A_238 : memref<1x160x128xi32, #tpu.memory_space<hbm>> -> memref<160x128xi32, #tpu.memory_space<hbm>>
      tpu.enqueue_dma source(%dma_start3A_239 : memref<160x128xi32, #tpu.memory_space<hbm>>) target(%arg6 : memref<160x128xi32, #tpu.memory_space<vmem>>) target_semaphore(%run_scoped3A : memref<!tpu.dma_semaphore, #tpu.memory_space<semaphore_mem>>)
      %dma_wait3A_240 = arith.constant 0 : i32
      %dma_wait3A_241 = arith.constant 0 : i32
      %dma_wait3A_242 = tpu.memref_slice %arg3[%arg1, %dma_wait3A_240, %dma_wait3A_241] : memref<16x160x128xi32, #tpu.memory_space<hbm>> -> memref<1x160x128xi32, #tpu.memory_space<hbm>>
      %dma_wait3A_243 = tpu.memref_squeeze %dma_wait3A_242 : memref<1x160x128xi32, #tpu.memory_space<hbm>> -> memref<160x128xi32, #tpu.memory_space<hbm>>
      %dma_wait3A_244 = arith.constant 0 : i32
      %dma_wait3A_245 = arith.constant 0 : i32
      %dma_wait3A_246 = tpu.memref_slice %arg3[%arg1, %dma_wait3A_244, %dma_wait3A_245] : memref<16x160x128xi32, #tpu.memory_space<hbm>> -> memref<1x160x128xi32, #tpu.memory_space<hbm>>
      %dma_wait3A_247 = tpu.memref_squeeze %dma_wait3A_246 : memref<1x160x128xi32, #tpu.memory_space<hbm>> -> memref<160x128xi32, #tpu.memory_space<hbm>>
      tpu.wait_dma2 semaphore(%run_scoped3A : memref<!tpu.dma_semaphore, #tpu.memory_space<semaphore_mem>>) src(%dma_wait3A_247 : memref<160x128xi32, #tpu.memory_space<hbm>>) dst(%arg6 : memref<160x128xi32, #tpu.memory_space<vmem>>)
      tpu.yield
    }) : () -> ()
    "tpu.region"() ({
      %run_scoped3A = tpu.sem_alloc : memref<!tpu.dma_semaphore, #tpu.memory_space<semaphore_mem>>
      %dma_start3A_232 = arith.constant 0 : i32
      %dma_start3A_233 = arith.constant 0 : i32
      %dma_start3A_234 = tpu.memref_slice %arg4[%arg1, %dma_start3A_232, %dma_start3A_233] : memref<16x160x128xi32, #tpu.memory_space<hbm>> -> memref<1x160x128xi32, #tpu.memory_space<hbm>>
      %dma_start3A_235 = tpu.memref_squeeze %dma_start3A_234 : memref<1x160x128xi32, #tpu.memory_space<hbm>> -> memref<160x128xi32, #tpu.memory_space<hbm>>
      %dma_start3A_236 = arith.constant 0 : i32
      %dma_start3A_237 = arith.constant 0 : i32
      %dma_start3A_238 = tpu.memref_slice %arg4[%arg1, %dma_start3A_236, %dma_start3A_237] : memref<16x160x128xi32, #tpu.memory_space<hbm>> -> memref<1x160x128xi32, #tpu.memory_space<hbm>>
      %dma_start3A_239 = tpu.memref_squeeze %dma_start3A_238 : memref<1x160x128xi32, #tpu.memory_space<hbm>> -> memref<160x128xi32, #tpu.memory_space<hbm>>
      tpu.enqueue_dma source(%dma_start3A_239 : memref<160x128xi32, #tpu.memory_space<hbm>>) target(%arg7 : memref<160x128xi32, #tpu.memory_space<vmem>>) target_semaphore(%run_scoped3A : memref<!tpu.dma_semaphore, #tpu.memory_space<semaphore_mem>>)
      %dma_wait3A_240 = arith.constant 0 : i32
      %dma_wait3A_241 = arith.constant 0 : i32
      %dma_wait3A_242 = tpu.memref_slice %arg4[%arg1, %dma_wait3A_240, %dma_wait3A_241] : memref<16x160x128xi32, #tpu.memory_space<hbm>> -> memref<1x160x128xi32, #tpu.memory_space<hbm>>
      %dma_wait3A_243 = tpu.memref_squeeze %dma_wait3A_242 : memref<1x160x128xi32, #tpu.memory_space<hbm>> -> memref<160x128xi32, #tpu.memory_space<hbm>>
      %dma_wait3A_244 = arith.constant 0 : i32
      %dma_wait3A_245 = arith.constant 0 : i32
      %dma_wait3A_246 = tpu.memref_slice %arg4[%arg1, %dma_wait3A_244, %dma_wait3A_245] : memref<16x160x128xi32, #tpu.memory_space<hbm>> -> memref<1x160x128xi32, #tpu.memory_space<hbm>>
      %dma_wait3A_247 = tpu.memref_squeeze %dma_wait3A_246 : memref<1x160x128xi32, #tpu.memory_space<hbm>> -> memref<160x128xi32, #tpu.memory_space<hbm>>
      tpu.wait_dma2 semaphore(%run_scoped3A : memref<!tpu.dma_semaphore, #tpu.memory_space<semaphore_mem>>) src(%dma_wait3A_247 : memref<160x128xi32, #tpu.memory_space<hbm>>) dst(%arg7 : memref<160x128xi32, #tpu.memory_space<vmem>>)
      tpu.yield
    }) : () -> ()
    %scan3A = arith.constant 0 : i32
    %scan3A_0 = arith.constant 0 : i32
    %scan3A_1 = arith.constant 160 : i32
    %scan3A_2 = arith.addi %scan3A_0, %scan3A_1 : i32
    %scan3A_3 = arith.constant 1 : i32
    %scan3A_4 = scf.for %scan3A_232 = %scan3A_0 to %scan3A_2 step %scan3A_3 iter_args(%scan3A_233 = %scan3A) -> (i32)  : i32 {
      %get3A = arith.index_cast %scan3A_232 : i32 to index
      %get3A_234 = arith.constant 0 : index
      %get3A_235 = tpu.vector_load %arg6[%get3A, %get3A_234] {strides = array<i32>} : memref<160x128xi32, #tpu.memory_space<vmem>>, vector<1x16xi32>,
      %get3A_236 = vector.shape_cast %get3A_235 : vector<1x16xi32> to vector<16xi32>
      %mul3A_237 = arith.constant 2 : i32
      %mul3A_238 = vector.broadcast %mul3A_237 : i32 to vector<16xi32>
      %mul3A_239 = arith.muli %get3A_236, %mul3A_238 : vector<16xi32>
      %add3A_240 = vector.broadcast %arg0 : i32 to vector<16xi32>
      %add3A_241 = arith.addi %mul3A_239, %add3A_240 : vector<16xi32>
      %swap3A = arith.index_cast %scan3A_232 : i32 to index
      %swap3A_242 = arith.constant 0 : index
      %swap3A_243 = tpu.vector_load %arg6[%swap3A, %swap3A_242] {strides = array<i32>} : memref<160x128xi32, #tpu.memory_space<vmem>>, vector<1x16xi32>,
      %swap3A_244 = vector.shape_cast %swap3A_243 : vector<1x16xi32> to vector<16xi32>
      %swap3A_245 = vector.shape_cast %add3A_241 : vector<16xi32> to vector<1x16xi32>
      tpu.vector_store %arg6[%swap3A, %swap3A_242], %swap3A_245 {strides = array<i32>} : memref<160x128xi32, #tpu.memory_space<vmem>>, vector<1x16xi32>,
      %get3A_246 = arith.index_cast %scan3A_232 : i32 to index
      %get3A_247 = arith.constant 16 : index
      %get3A_248 = tpu.vector_load %arg6[%get3A_246, %get3A_247] {strides = array<i32>} : memref<160x128xi32, #tpu.memory_space<vmem>>, vector<1x16xi32>,
      %get3A_249 = vector.shape_cast %get3A_248 : vector<1x16xi32> to vector<16xi32>
      %mul3A_250 = arith.constant 2 : i32
      %mul3A_251 = vector.broadcast %mul3A_250 : i32 to vector<16xi32>
      %mul3A_252 = arith.muli %get3A_249, %mul3A_251 : vector<16xi32>
      %add3A_253 = vector.broadcast %arg0 : i32 to vector<16xi32>
      %add3A_254 = arith.addi %mul3A_252, %add3A_253 : vector<16xi32>
      %swap3A_255 = arith.index_cast %scan3A_232 : i32 to index
      %swap3A_256 = arith.constant 16 : index
      %swap3A_257 = tpu.vector_load %arg6[%swap3A_255, %swap3A_256] {strides = array<i32>} : memref<160x128xi32, #tpu.memory_space<vmem>>, vector<1x16xi32>,
      %swap3A_258 = vector.shape_cast %swap3A_257 : vector<1x16xi32> to vector<16xi32>
      %swap3A_259 = vector.shape_cast %add3A_254 : vector<16xi32> to vector<1x16xi32>
      tpu.vector_store %arg6[%swap3A_255, %swap3A_256], %swap3A_259 {strides = array<i32>} : memref<160x128xi32, #tpu.memory_space<vmem>>, vector<1x16xi32>,
      %get3A_260 = arith.index_cast %scan3A_232 : i32 to index
      %get3A_261 = arith.constant 32 : index
      %get3A_262 = tpu.vector_load %arg6[%get3A_260, %get3A_261] {strides = array<i32>} : memref<160x128xi32, #tpu.memory_space<vmem>>, vector<1x16xi32>,
      %get3A_263 = vector.shape_cast %get3A_262 : vector<1x16xi32> to vector<16xi32>
      %mul3A_264 = arith.constant 2 : i32
      %mul3A_265 = vector.broadcast %mul3A_264 : i32 to vector<16xi32>
      %mul3A_266 = arith.muli %get3A_263, %mul3A_265 : vector<16xi32>
      %add3A_267 = vector.broadcast %arg0 : i32 to vector<16xi32>
      %add3A_268 = arith.addi %mul3A_266, %add3A_267 : vector<16xi32>
      %swap3A_269 = arith.index_cast %scan3A_232 : i32 to index
      %swap3A_270 = arith.constant 32 : index
      %swap3A_271 = tpu.vector_load %arg6[%swap3A_269, %swap3A_270] {strides = array<i32>} : memref<160x128xi32, #tpu.memory_space<vmem>>, vector<1x16xi32>,
      %swap3A_272 = vector.shape_cast %swap3A_271 : vector<1x16xi32> to vector<16xi32>
      %swap3A_273 = vector.shape_cast %add3A_268 : vector<16xi32> to vector<1x16xi32>
      tpu.vector_store %arg6[%swap3A_269, %swap3A_270], %swap3A_273 {strides = array<i32>} : memref<160x128xi32, #tpu.memory_space<vmem>>, vector<1x16xi32>,
      %get3A_274 = arith.index_cast %scan3A_232 : i32 to index
      %get3A_275 = arith.constant 48 : index
      %get3A_276 = tpu.vector_load %arg6[%get3A_274, %get3A_275] {strides = array<i32>} : memref<160x128xi32, #tpu.memory_space<vmem>>, vector<1x16xi32>,
      %get3A_277 = vector.shape_cast %get3A_276 : vector<1x16xi32> to vector<16xi32>
      %mul3A_278 = arith.constant 2 : i32
      %mul3A_279 = vector.broadcast %mul3A_278 : i32 to vector<16xi32>
      %mul3A_280 = arith.muli %get3A_277, %mul3A_279 : vector<16xi32>
      %add3A_281 = vector.broadcast %arg0 : i32 to vector<16xi32>
      %add3A_282 = arith.addi %mul3A_280, %add3A_281 : vector<16xi32>
      %swap3A_283 = arith.index_cast %scan3A_232 : i32 to index
      %swap3A_284 = arith.constant 48 : index
      %swap3A_285 = tpu.vector_load %arg6[%swap3A_283, %swap3A_284] {strides = array<i32>} : memref<160x128xi32, #tpu.memory_space<vmem>>, vector<1x16xi32>,
      %swap3A_286 = vector.shape_cast %swap3A_285 : vector<1x16xi32> to vector<16xi32>
      %swap3A_287 = vector.shape_cast %add3A_282 : vector<16xi32> to vector<1x16xi32>
      tpu.vector_store %arg6[%swap3A_283, %swap3A_284], %swap3A_287 {strides = array<i32>} : memref<160x128xi32, #tpu.memory_space<vmem>>, vector<1x16xi32>,
      %get3A_288 = arith.index_cast %scan3A_232 : i32 to index
      %get3A_289 = arith.constant 64 : index
      %get3A_290 = tpu.vector_load %arg6[%get3A_288, %get3A_289] {strides = array<i32>} : memref<160x128xi32, #tpu.memory_space<vmem>>, vector<1x16xi32>,
      %get3A_291 = vector.shape_cast %get3A_290 : vector<1x16xi32> to vector<16xi32>
      %mul3A_292 = arith.constant 2 : i32
      %mul3A_293 = vector.broadcast %mul3A_292 : i32 to vector<16xi32>
      %mul3A_294 = arith.muli %get3A_291, %mul3A_293 : vector<16xi32>
      %add3A_295 = vector.broadcast %arg0 : i32 to vector<16xi32>
      %add3A_296 = arith.addi %mul3A_294, %add3A_295 : vector<16xi32>
      %swap3A_297 = arith.index_cast %scan3A_232 : i32 to index
      %swap3A_298 = arith.constant 64 : index
      %swap3A_299 = tpu.vector_load %arg6[%swap3A_297, %swap3A_298] {strides = array<i32>} : memref<160x128xi32, #tpu.memory_space<vmem>>, vector<1x16xi32>,
      %swap3A_300 = vector.shape_cast %swap3A_299 : vector<1x16xi32> to vector<16xi32>
      %swap3A_301 = vector.shape_cast %add3A_296 : vector<16xi32> to vector<1x16xi32>
      tpu.vector_store %arg6[%swap3A_297, %swap3A_298], %swap3A_301 {strides = array<i32>} : memref<160x128xi32, #tpu.memory_space<vmem>>, vector<1x16xi32>,
      %get3A_302 = arith.index_cast %scan3A_232 : i32 to index
      %get3A_303 = arith.constant 80 : index
      %get3A_304 = tpu.vector_load %arg6[%get3A_302, %get3A_303] {strides = array<i32>} : memref<160x128xi32, #tpu.memory_space<vmem>>, vector<1x16xi32>,
      %get3A_305 = vector.shape_cast %get3A_304 : vector<1x16xi32> to vector<16xi32>
      %mul3A_306 = arith.constant 2 : i32
      %mul3A_307 = vector.broadcast %mul3A_306 : i32 to vector<16xi32>
      %mul3A_308 = arith.muli %get3A_305, %mul3A_307 : vector<16xi32>
      %add3A_309 = vector.broadcast %arg0 : i32 to vector<16xi32>
      %add3A_310 = arith.addi %mul3A_308, %add3A_309 : vector<16xi32>
      %swap3A_311 = arith.index_cast %scan3A_232 : i32 to index
      %swap3A_312 = arith.constant 80 : index
      %swap3A_313 = tpu.vector_load %arg6[%swap3A_311, %swap3A_312] {strides = array<i32>} : memref<160x128xi32, #tpu.memory_space<vmem>>, vector<1x16xi32>,
      %swap3A_314 = vector.shape_cast %swap3A_313 : vector<1x16xi32> to vector<16xi32>
      %swap3A_315 = vector.shape_cast %add3A_310 : vector<16xi32> to vector<1x16xi32>
      tpu.vector_store %arg6[%swap3A_311, %swap3A_312], %swap3A_315 {strides = array<i32>} : memref<160x128xi32, #tpu.memory_space<vmem>>, vector<1x16xi32>,
      %get3A_316 = arith.index_cast %scan3A_232 : i32 to index
      %get3A_317 = arith.constant 96 : index
      %get3A_318 = tpu.vector_load %arg6[%get3A_316, %get3A_317] {strides = array<i32>} : memref<160x128xi32, #tpu.memory_space<vmem>>, vector<1x16xi32>,
      %get3A_319 = vector.shape_cast %get3A_318 : vector<1x16xi32> to vector<16xi32>
      %mul3A_320 = arith.constant 2 : i32
      %mul3A_321 = vector.broadcast %mul3A_320 : i32 to vector<16xi32>
      %mul3A_322 = arith.muli %get3A_319, %mul3A_321 : vector<16xi32>
      %add3A_323 = vector.broadcast %arg0 : i32 to vector<16xi32>
      %add3A_324 = arith.addi %mul3A_322, %add3A_323 : vector<16xi32>
      %swap3A_325 = arith.index_cast %scan3A_232 : i32 to index
      %swap3A_326 = arith.constant 96 : index
      %swap3A_327 = tpu.vector_load %arg6[%swap3A_325, %swap3A_326] {strides = array<i32>} : memref<160x128xi32, #tpu.memory_space<vmem>>, vector<1x16xi32>,
      %swap3A_328 = vector.shape_cast %swap3A_327 : vector<1x16xi32> to vector<16xi32>
      %swap3A_329 = vector.shape_cast %add3A_324 : vector<16xi32> to vector<1x16xi32>
      tpu.vector_store %arg6[%swap3A_325, %swap3A_326], %swap3A_329 {strides = array<i32>} : memref<160x128xi32, #tpu.memory_space<vmem>>, vector<1x16xi32>,
      %get3A_330 = arith.index_cast %scan3A_232 : i32 to index
      %get3A_331 = arith.constant 112 : index
      %get3A_332 = tpu.vector_load %arg6[%get3A_330, %get3A_331] {strides = array<i32>} : memref<160x128xi32, #tpu.memory_space<vmem>>, vector<1x16xi32>,
      %get3A_333 = vector.shape_cast %get3A_332 : vector<1x16xi32> to vector<16xi32>
      %mul3A_334 = arith.constant 2 : i32
      %mul3A_335 = vector.broadcast %mul3A_334 : i32 to vector<16xi32>
      %mul3A_336 = arith.muli %get3A_333, %mul3A_335 : vector<16xi32>
      %add3A_337 = vector.broadcast %arg0 : i32 to vector<16xi32>
      %add3A_338 = arith.addi %mul3A_336, %add3A_337 : vector<16xi32>
      %swap3A_339 = arith.index_cast %scan3A_232 : i32 to index
      %swap3A_340 = arith.constant 112 : index
      %swap3A_341 = tpu.vector_load %arg6[%swap3A_339, %swap3A_340] {strides = array<i32>} : memref<160x128xi32, #tpu.memory_space<vmem>>, vector<1x16xi32>,
      %swap3A_342 = vector.shape_cast %swap3A_341 : vector<1x16xi32> to vector<16xi32>
      %swap3A_343 = vector.shape_cast %add3A_338 : vector<16xi32> to vector<1x16xi32>
      tpu.vector_store %arg6[%swap3A_339, %swap3A_340], %swap3A_343 {strides = array<i32>} : memref<160x128xi32, #tpu.memory_space<vmem>>, vector<1x16xi32>,
      %scan3A_344 = arith.constant 0 : i32
      scf.yield %scan3A_344 : i32
    }
    %scan3A_5 = arith.constant 160 : i32
    %scan3A_6 = arith.constant 0 : i32
    %scan3A_7 = arith.constant 0 : i32
    %scan3A_8 = arith.constant 0 : i32
    %scan3A_9 = arith.constant 128 : i32
    %scan3A_10 = arith.addi %scan3A_8, %scan3A_9 : i32
    %scan3A_11 = arith.constant 1 : i32
    %scan3A_12 = scf.for %scan3A_232 = %scan3A_8 to %scan3A_10 step %scan3A_11 iter_args(%scan3A_233 = %scan3A_7) -> (i32)  : i32 {
      %broadcast_in_dim3A = arith.constant 0.000000e+00 : f32
      %broadcast_in_dim3A_234 = vector.broadcast %broadcast_in_dim3A : f32 to vector<16xf32>
      %swap3A = arith.constant 0 : i32
      %swap3A_235 = arith.constant 0 : i32
      %swap3A_236 = tpu.memref_slice %arg8[%scan3A_6, %swap3A, %swap3A_235] : memref<6x128x64xf32, #tpu.memory_space<vmem>> -> memref<1x128x64xf32, #tpu.memory_space<vmem>>
      %swap3A_237 = tpu.memref_squeeze %swap3A_236 : memref<1x128x64xf32, #tpu.memory_space<vmem>> -> memref<128x64xf32, #tpu.memory_space<vmem>>
      %swap3A_238 = arith.index_cast %scan3A_232 : i32 to index
      %swap3A_239 = arith.constant 0 : index
      %swap3A_240 = tpu.vector_load %swap3A_237[%swap3A_238, %swap3A_239] {strides = array<i32>} : memref<128x64xf32, #tpu.memory_space<vmem>>, vector<1x16xf32>,
      %swap3A_241 = vector.shape_cast %swap3A_240 : vector<1x16xf32> to vector<16xf32>
      %swap3A_242 = vector.shape_cast %broadcast_in_dim3A_234 : vector<16xf32> to vector<1x16xf32>
      tpu.vector_store %swap3A_237[%swap3A_238, %swap3A_239], %swap3A_242 {strides = array<i32>} : memref<128x64xf32, #tpu.memory_space<vmem>>, vector<1x16xf32>,
      %broadcast_in_dim3A_243 = arith.constant 0.000000e+00 : f32
      %broadcast_in_dim3A_244 = vector.broadcast %broadcast_in_dim3A_243 : f32 to vector<16xf32>
      %swap3A_245 = arith.constant 0 : i32
      %swap3A_246 = arith.constant 0 : i32
      %swap3A_247 = tpu.memref_slice %arg8[%scan3A_6, %swap3A_245, %swap3A_246] : memref<6x128x64xf32, #tpu.memory_space<vmem>> -> memref<1x128x64xf32, #tpu.memory_space<vmem>>
      %swap3A_248 = tpu.memref_squeeze %swap3A_247 : memref<1x128x64xf32, #tpu.memory_space<vmem>> -> memref<128x64xf32, #tpu.memory_space<vmem>>
      %swap3A_249 = arith.index_cast %scan3A_232 : i32 to index
      %swap3A_250 = arith.constant 16 : index
      %swap3A_251 = tpu.vector_load %swap3A_248[%swap3A_249, %swap3A_250] {strides = array<i32>} : memref<128x64xf32, #tpu.memory_space<vmem>>, vector<1x16xf32>,
      %swap3A_252 = vector.shape_cast %swap3A_251 : vector<1x16xf32> to vector<16xf32>
      %swap3A_253 = vector.shape_cast %broadcast_in_dim3A_244 : vector<16xf32> to vector<1x16xf32>
      tpu.vector_store %swap3A_248[%swap3A_249, %swap3A_250], %swap3A_253 {strides = array<i32>} : memref<128x64xf32, #tpu.memory_space<vmem>>, vector<1x16xf32>,
      %broadcast_in_dim3A_254 = arith.constant 0.000000e+00 : f32
      %broadcast_in_dim3A_255 = vector.broadcast %broadcast_in_dim3A_254 : f32 to vector<16xf32>
      %swap3A_256 = arith.constant 0 : i32
      %swap3A_257 = arith.constant 0 : i32
      %swap3A_258 = tpu.memref_slice %arg8[%scan3A_6, %swap3A_256, %swap3A_257] : memref<6x128x64xf32, #tpu.memory_space<vmem>> -> memref<1x128x64xf32, #tpu.memory_space<vmem>>
      %swap3A_259 = tpu.memref_squeeze %swap3A_258 : memref<1x128x64xf32, #tpu.memory_space<vmem>> -> memref<128x64xf32, #tpu.memory_space<vmem>>
      %swap3A_260 = arith.index_cast %scan3A_232 : i32 to index
      %swap3A_261 = arith.constant 32 : index
      %swap3A_262 = tpu.vector_load %swap3A_259[%swap3A_260, %swap3A_261] {strides = array<i32>} : memref<128x64xf32, #tpu.memory_space<vmem>>, vector<1x16xf32>,
      %swap3A_263 = vector.shape_cast %swap3A_262 : vector<1x16xf32> to vector<16xf32>
      %swap3A_264 = vector.shape_cast %broadcast_in_dim3A_255 : vector<16xf32> to vector<1x16xf32>
      tpu.vector_store %swap3A_259[%swap3A_260, %swap3A_261], %swap3A_264 {strides = array<i32>} : memref<128x64xf32, #tpu.memory_space<vmem>>, vector<1x16xf32>,
      %broadcast_in_dim3A_265 = arith.constant 0.000000e+00 : f32
      %broadcast_in_dim3A_266 = vector.broadcast %broadcast_in_dim3A_265 : f32 to vector<16xf32>
      %swap3A_267 = arith.constant 0 : i32
      %swap3A_268 = arith.constant 0 : i32
      %swap3A_269 = tpu.memref_slice %arg8[%scan3A_6, %swap3A_267, %swap3A_268] : memref<6x128x64xf32, #tpu.memory_space<vmem>> -> memref<1x128x64xf32, #tpu.memory_space<vmem>>
      %swap3A_270 = tpu.memref_squeeze %swap3A_269 : memref<1x128x64xf32, #tpu.memory_space<vmem>> -> memref<128x64xf32, #tpu.memory_space<vmem>>
      %swap3A_271 = arith.index_cast %scan3A_232 : i32 to index
      %swap3A_272 = arith.constant 48 : index
      %swap3A_273 = tpu.vector_load %swap3A_270[%swap3A_271, %swap3A_272] {strides = array<i32>} : memref<128x64xf32, #tpu.memory_space<vmem>>, vector<1x16xf32>,
      %swap3A_274 = vector.shape_cast %swap3A_273 : vector<1x16xf32> to vector<16xf32>
      %swap3A_275 = vector.shape_cast %broadcast_in_dim3A_266 : vector<16xf32> to vector<1x16xf32>
      tpu.vector_store %swap3A_270[%swap3A_271, %swap3A_272], %swap3A_275 {strides = array<i32>} : memref<128x64xf32, #tpu.memory_space<vmem>>, vector<1x16xf32>,
      %scan3A_276 = arith.constant 0 : i32
      scf.yield %scan3A_276 : i32
    }
    %scan3A_13 = arith.constant 128 : i32
    %mul3A = arith.constant 640 : i32
    %mul3A_14 = arith.muli %arg1, %mul3A : i32
    %add3A = arith.constant 0 : i32
    %add3A_15 = arith.addi %mul3A_14, %add3A : i32
    %dma_start3A = arith.constant 0 : i32
    %dma_start3A_16 = arith.constant 0 : i32
    %dma_start3A_17 = arith.constant 0 : i32
    %dma_start3A_18 = tpu.memref_slice %arg8[%dma_start3A, %dma_start3A_16, %dma_start3A_17] : memref<6x128x64xf32, #tpu.memory_space<vmem>> -> memref<1x128x64xf32, #tpu.memory_space<vmem>>
    %dma_start3A_19 = tpu.memref_squeeze %dma_start3A_18 : memref<1x128x64xf32, #tpu.memory_space<vmem>> -> memref<128x64xf32, #tpu.memory_space<vmem>>
    %dma_start3A_20 = arith.constant 0 : i32
    %dma_start3A_21 = tpu.memref_slice %arg9[%add3A_15, %dma_start3A_20] : memref<10240x64xf32, #tpu.memory_space<vmem_shared>> -> memref<128x64xf32, #tpu.memory_space<vmem_shared>>
    %dma_start3A_22 = arith.constant 0 : i32
    %dma_start3A_23 = tpu.memref_slice %arg9[%add3A_15, %dma_start3A_22] : memref<10240x64xf32, #tpu.memory_space<vmem_shared>> -> memref<128x64xf32, #tpu.memory_space<vmem_shared>>
    %dma_start3A_24 = arith.constant 0 : i32
    %dma_start3A_25 = arith.constant 0 : i32
    %dma_start3A_26 = tpu.memref_slice %arg8[%dma_start3A, %dma_start3A_24, %dma_start3A_25] : memref<6x128x64xf32, #tpu.memory_space<vmem>> -> memref<1x128x64xf32, #tpu.memory_space<vmem>>
    %dma_start3A_27 = tpu.memref_squeeze %dma_start3A_26 : memref<1x128x64xf32, #tpu.memory_space<vmem>> -> memref<128x64xf32, #tpu.memory_space<vmem>>
    tpu.enqueue_dma source(%dma_start3A_27 : memref<128x64xf32, #tpu.memory_space<vmem>>) target(%dma_start3A_23 : memref<128x64xf32, #tpu.memory_space<vmem_shared>>) target_semaphore(%arg16 : memref<!tpu.dma_semaphore, #tpu.memory_space<semaphore_mem>>)
    %add3A_28 = arith.constant 128 : i32
    %add3A_29 = arith.addi %mul3A_14, %add3A_28 : i32
    %dma_start3A_30 = arith.constant 0 : i32
    %dma_start3A_31 = arith.constant 0 : i32
    %dma_start3A_32 = arith.constant 0 : i32
    %dma_start3A_33 = tpu.memref_slice %arg8[%dma_start3A_30, %dma_start3A_31, %dma_start3A_32] : memref<6x128x64xf32, #tpu.memory_space<vmem>> -> memref<1x128x64xf32, #tpu.memory_space<vmem>>
    %dma_start3A_34 = tpu.memref_squeeze %dma_start3A_33 : memref<1x128x64xf32, #tpu.memory_space<vmem>> -> memref<128x64xf32, #tpu.memory_space<vmem>>
    %dma_start3A_35 = arith.constant 0 : i32
    %dma_start3A_36 = tpu.memref_slice %arg9[%add3A_29, %dma_start3A_35] : memref<10240x64xf32, #tpu.memory_space<vmem_shared>> -> memref<128x64xf32, #tpu.memory_space<vmem_shared>>
    %dma_start3A_37 = arith.constant 0 : i32
    %dma_start3A_38 = tpu.memref_slice %arg9[%add3A_29, %dma_start3A_37] : memref<10240x64xf32, #tpu.memory_space<vmem_shared>> -> memref<128x64xf32, #tpu.memory_space<vmem_shared>>
    %dma_start3A_39 = arith.constant 0 : i32
    %dma_start3A_40 = arith.constant 0 : i32
    %dma_start3A_41 = tpu.memref_slice %arg8[%dma_start3A_30, %dma_start3A_39, %dma_start3A_40] : memref<6x128x64xf32, #tpu.memory_space<vmem>> -> memref<1x128x64xf32, #tpu.memory_space<vmem>>
    %dma_start3A_42 = tpu.memref_squeeze %dma_start3A_41 : memref<1x128x64xf32, #tpu.memory_space<vmem>> -> memref<128x64xf32, #tpu.memory_space<vmem>>
    tpu.enqueue_dma source(%dma_start3A_42 : memref<128x64xf32, #tpu.memory_space<vmem>>) target(%dma_start3A_38 : memref<128x64xf32, #tpu.memory_space<vmem_shared>>) target_semaphore(%arg16 : memref<!tpu.dma_semaphore, #tpu.memory_space<semaphore_mem>>)
    %add3A_43 = arith.constant 256 : i32
    %add3A_44 = arith.addi %mul3A_14, %add3A_43 : i32
    %dma_start3A_45 = arith.constant 0 : i32
    %dma_start3A_46 = arith.constant 0 : i32
    %dma_start3A_47 = arith.constant 0 : i32
    %dma_start3A_48 = tpu.memref_slice %arg8[%dma_start3A_45, %dma_start3A_46, %dma_start3A_47] : memref<6x128x64xf32, #tpu.memory_space<vmem>> -> memref<1x128x64xf32, #tpu.memory_space<vmem>>
    %dma_start3A_49 = tpu.memref_squeeze %dma_start3A_48 : memref<1x128x64xf32, #tpu.memory_space<vmem>> -> memref<128x64xf32, #tpu.memory_space<vmem>>
    %dma_start3A_50 = arith.constant 0 : i32
    %dma_start3A_51 = tpu.memref_slice %arg9[%add3A_44, %dma_start3A_50] : memref<10240x64xf32, #tpu.memory_space<vmem_shared>> -> memref<128x64xf32, #tpu.memory_space<vmem_shared>>
    %dma_start3A_52 = arith.constant 0 : i32
    %dma_start3A_53 = tpu.memref_slice %arg9[%add3A_44, %dma_start3A_52] : memref<10240x64xf32, #tpu.memory_space<vmem_shared>> -> memref<128x64xf32, #tpu.memory_space<vmem_shared>>
    %dma_start3A_54 = arith.constant 0 : i32
    %dma_start3A_55 = arith.constant 0 : i32
    %dma_start3A_56 = tpu.memref_slice %arg8[%dma_start3A_45, %dma_start3A_54, %dma_start3A_55] : memref<6x128x64xf32, #tpu.memory_space<vmem>> -> memref<1x128x64xf32, #tpu.memory_space<vmem>>
    %dma_start3A_57 = tpu.memref_squeeze %dma_start3A_56 : memref<1x128x64xf32, #tpu.memory_space<vmem>> -> memref<128x64xf32, #tpu.memory_space<vmem>>
    tpu.enqueue_dma source(%dma_start3A_57 : memref<128x64xf32, #tpu.memory_space<vmem>>) target(%dma_start3A_53 : memref<128x64xf32, #tpu.memory_space<vmem_shared>>) target_semaphore(%arg16 : memref<!tpu.dma_semaphore, #tpu.memory_space<semaphore_mem>>)
    %add3A_58 = arith.constant 384 : i32
    %add3A_59 = arith.addi %mul3A_14, %add3A_58 : i32
    %dma_start3A_60 = arith.constant 0 : i32
    %dma_start3A_61 = arith.constant 0 : i32
    %dma_start3A_62 = arith.constant 0 : i32
    %dma_start3A_63 = tpu.memref_slice %arg8[%dma_start3A_60, %dma_start3A_61, %dma_start3A_62] : memref<6x128x64xf32, #tpu.memory_space<vmem>> -> memref<1x128x64xf32, #tpu.memory_space<vmem>>
    %dma_start3A_64 = tpu.memref_squeeze %dma_start3A_63 : memref<1x128x64xf32, #tpu.memory_space<vmem>> -> memref<128x64xf32, #tpu.memory_space<vmem>>
    %dma_start3A_65 = arith.constant 0 : i32
    %dma_start3A_66 = tpu.memref_slice %arg9[%add3A_59, %dma_start3A_65] : memref<10240x64xf32, #tpu.memory_space<vmem_shared>> -> memref<128x64xf32, #tpu.memory_space<vmem_shared>>
    %dma_start3A_67 = arith.constant 0 : i32
    %dma_start3A_68 = tpu.memref_slice %arg9[%add3A_59, %dma_start3A_67] : memref<10240x64xf32, #tpu.memory_space<vmem_shared>> -> memref<128x64xf32, #tpu.memory_space<vmem_shared>>
    %dma_start3A_69 = arith.constant 0 : i32
    %dma_start3A_70 = arith.constant 0 : i32
    %dma_start3A_71 = tpu.memref_slice %arg8[%dma_start3A_60, %dma_start3A_69, %dma_start3A_70] : memref<6x128x64xf32, #tpu.memory_space<vmem>> -> memref<1x128x64xf32, #tpu.memory_space<vmem>>
    %dma_start3A_72 = tpu.memref_squeeze %dma_start3A_71 : memref<1x128x64xf32, #tpu.memory_space<vmem>> -> memref<128x64xf32, #tpu.memory_space<vmem>>
    tpu.enqueue_dma source(%dma_start3A_72 : memref<128x64xf32, #tpu.memory_space<vmem>>) target(%dma_start3A_68 : memref<128x64xf32, #tpu.memory_space<vmem_shared>>) target_semaphore(%arg16 : memref<!tpu.dma_semaphore, #tpu.memory_space<semaphore_mem>>)
    %add3A_73 = arith.constant 512 : i32
    %add3A_74 = arith.addi %mul3A_14, %add3A_73 : i32
    %dma_start3A_75 = arith.constant 0 : i32
    %dma_start3A_76 = arith.constant 0 : i32
    %dma_start3A_77 = arith.constant 0 : i32
    %dma_start3A_78 = tpu.memref_slice %arg8[%dma_start3A_75, %dma_start3A_76, %dma_start3A_77] : memref<6x128x64xf32, #tpu.memory_space<vmem>> -> memref<1x128x64xf32, #tpu.memory_space<vmem>>
    %dma_start3A_79 = tpu.memref_squeeze %dma_start3A_78 : memref<1x128x64xf32, #tpu.memory_space<vmem>> -> memref<128x64xf32, #tpu.memory_space<vmem>>
    %dma_start3A_80 = arith.constant 0 : i32
    %dma_start3A_81 = tpu.memref_slice %arg9[%add3A_74, %dma_start3A_80] : memref<10240x64xf32, #tpu.memory_space<vmem_shared>> -> memref<128x64xf32, #tpu.memory_space<vmem_shared>>
    %dma_start3A_82 = arith.constant 0 : i32
    %dma_start3A_83 = tpu.memref_slice %arg9[%add3A_74, %dma_start3A_82] : memref<10240x64xf32, #tpu.memory_space<vmem_shared>> -> memref<128x64xf32, #tpu.memory_space<vmem_shared>>
    %dma_start3A_84 = arith.constant 0 : i32
    %dma_start3A_85 = arith.constant 0 : i32
    %dma_start3A_86 = tpu.memref_slice %arg8[%dma_start3A_75, %dma_start3A_84, %dma_start3A_85] : memref<6x128x64xf32, #tpu.memory_space<vmem>> -> memref<1x128x64xf32, #tpu.memory_space<vmem>>
    %dma_start3A_87 = tpu.memref_squeeze %dma_start3A_86 : memref<1x128x64xf32, #tpu.memory_space<vmem>> -> memref<128x64xf32, #tpu.memory_space<vmem>>
    tpu.enqueue_dma source(%dma_start3A_87 : memref<128x64xf32, #tpu.memory_space<vmem>>) target(%dma_start3A_83 : memref<128x64xf32, #tpu.memory_space<vmem_shared>>) target_semaphore(%arg16 : memref<!tpu.dma_semaphore, #tpu.memory_space<semaphore_mem>>)
    %dma_wait3A = arith.constant 0 : i32
    %dma_wait3A_88 = arith.constant 0 : i32
    %dma_wait3A_89 = arith.constant 0 : i32
    %dma_wait3A_90 = tpu.memref_slice %arg8[%dma_wait3A, %dma_wait3A_88, %dma_wait3A_89] : memref<6x128x64xf32, #tpu.memory_space<vmem>> -> memref<1x128x64xf32, #tpu.memory_space<vmem>>
    %dma_wait3A_91 = tpu.memref_squeeze %dma_wait3A_90 : memref<1x128x64xf32, #tpu.memory_space<vmem>> -> memref<128x64xf32, #tpu.memory_space<vmem>>
    %dma_wait3A_92 = arith.constant 0 : i32
    %dma_wait3A_93 = tpu.memref_slice %arg9[%mul3A_14, %dma_wait3A_92] : memref<10240x64xf32, #tpu.memory_space<vmem_shared>> -> memref<128x64xf32, #tpu.memory_space<vmem_shared>>
    %dma_wait3A_94 = arith.constant 0 : i32
    %dma_wait3A_95 = tpu.memref_slice %arg9[%mul3A_14, %dma_wait3A_94] : memref<10240x64xf32, #tpu.memory_space<vmem_shared>> -> memref<128x64xf32, #tpu.memory_space<vmem_shared>>
    %dma_wait3A_96 = arith.constant 0 : i32
    %dma_wait3A_97 = arith.constant 0 : i32
    %dma_wait3A_98 = tpu.memref_slice %arg8[%dma_wait3A, %dma_wait3A_96, %dma_wait3A_97] : memref<6x128x64xf32, #tpu.memory_space<vmem>> -> memref<1x128x64xf32, #tpu.memory_space<vmem>>
    %dma_wait3A_99 = tpu.memref_squeeze %dma_wait3A_98 : memref<1x128x64xf32, #tpu.memory_space<vmem>> -> memref<128x64xf32, #tpu.memory_space<vmem>>
    tpu.wait_dma2 semaphore(%arg16 : memref<!tpu.dma_semaphore, #tpu.memory_space<semaphore_mem>>) src(%dma_wait3A_99 : memref<128x64xf32, #tpu.memory_space<vmem>>) dst(%dma_wait3A_95 : memref<128x64xf32, #tpu.memory_space<vmem_shared>>)
    %dma_wait3A_100 = arith.constant 0 : i32
    %dma_wait3A_101 = arith.constant 0 : i32
    %dma_wait3A_102 = arith.constant 0 : i32
    %dma_wait3A_103 = tpu.memref_slice %arg8[%dma_wait3A_100, %dma_wait3A_101, %dma_wait3A_102] : memref<6x128x64xf32, #tpu.memory_space<vmem>> -> memref<1x128x64xf32, #tpu.memory_space<vmem>>
    %dma_wait3A_104 = tpu.memref_squeeze %dma_wait3A_103 : memref<1x128x64xf32, #tpu.memory_space<vmem>> -> memref<128x64xf32, #tpu.memory_space<vmem>>
    %dma_wait3A_105 = arith.constant 0 : i32
    %dma_wait3A_106 = tpu.memref_slice %arg9[%mul3A_14, %dma_wait3A_105] : memref<10240x64xf32, #tpu.memory_space<vmem_shared>> -> memref<128x64xf32, #tpu.memory_space<vmem_shared>>
    %dma_wait3A_107 = arith.constant 0 : i32
    %dma_wait3A_108 = tpu.memref_slice %arg9[%mul3A_14, %dma_wait3A_107] : memref<10240x64xf32, #tpu.memory_space<vmem_shared>> -> memref<128x64xf32, #tpu.memory_space<vmem_shared>>
    %dma_wait3A_109 = arith.constant 0 : i32
    %dma_wait3A_110 = arith.constant 0 : i32
    %dma_wait3A_111 = tpu.memref_slice %arg8[%dma_wait3A_100, %dma_wait3A_109, %dma_wait3A_110] : memref<6x128x64xf32, #tpu.memory_space<vmem>> -> memref<1x128x64xf32, #tpu.memory_space<vmem>>
    %dma_wait3A_112 = tpu.memref_squeeze %dma_wait3A_111 : memref<1x128x64xf32, #tpu.memory_space<vmem>> -> memref<128x64xf32, #tpu.memory_space<vmem>>
    tpu.wait_dma2 semaphore(%arg16 : memref<!tpu.dma_semaphore, #tpu.memory_space<semaphore_mem>>) src(%dma_wait3A_112 : memref<128x64xf32, #tpu.memory_space<vmem>>) dst(%dma_wait3A_108 : memref<128x64xf32, #tpu.memory_space<vmem_shared>>)
    %dma_wait3A_113 = arith.constant 0 : i32
    %dma_wait3A_114 = arith.constant 0 : i32
    %dma_wait3A_115 = arith.constant 0 : i32
    %dma_wait3A_116 = tpu.memref_slice %arg8[%dma_wait3A_113, %dma_wait3A_114, %dma_wait3A_115] : memref<6x128x64xf32, #tpu.memory_space<vmem>> -> memref<1x128x64xf32, #tpu.memory_space<vmem>>
    %dma_wait3A_117 = tpu.memref_squeeze %dma_wait3A_116 : memref<1x128x64xf32, #tpu.memory_space<vmem>> -> memref<128x64xf32, #tpu.memory_space<vmem>>
    %dma_wait3A_118 = arith.constant 0 : i32
    %dma_wait3A_119 = tpu.memref_slice %arg9[%mul3A_14, %dma_wait3A_118] : memref<10240x64xf32, #tpu.memory_space<vmem_shared>> -> memref<128x64xf32, #tpu.memory_space<vmem_shared>>
    %dma_wait3A_120 = arith.constant 0 : i32
    %dma_wait3A_121 = tpu.memref_slice %arg9[%mul3A_14, %dma_wait3A_120] : memref<10240x64xf32, #tpu.memory_space<vmem_shared>> -> memref<128x64xf32, #tpu.memory_space<vmem_shared>>
    %dma_wait3A_122 = arith.constant 0 : i32
    %dma_wait3A_123 = arith.constant 0 : i32
    %dma_wait3A_124 = tpu.memref_slice %arg8[%dma_wait3A_113, %dma_wait3A_122, %dma_wait3A_123] : memref<6x128x64xf32, #tpu.memory_space<vmem>> -> memref<1x128x64xf32, #tpu.memory_space<vmem>>
    %dma_wait3A_125 = tpu.memref_squeeze %dma_wait3A_124 : memref<1x128x64xf32, #tpu.memory_space<vmem>> -> memref<128x64xf32, #tpu.memory_space<vmem>>
    tpu.wait_dma2 semaphore(%arg16 : memref<!tpu.dma_semaphore, #tpu.memory_space<semaphore_mem>>) src(%dma_wait3A_125 : memref<128x64xf32, #tpu.memory_space<vmem>>) dst(%dma_wait3A_121 : memref<128x64xf32, #tpu.memory_space<vmem_shared>>)
    %dma_wait3A_126 = arith.constant 0 : i32
    %dma_wait3A_127 = arith.constant 0 : i32
    %dma_wait3A_128 = arith.constant 0 : i32
    %dma_wait3A_129 = tpu.memref_slice %arg8[%dma_wait3A_126, %dma_wait3A_127, %dma_wait3A_128] : memref<6x128x64xf32, #tpu.memory_space<vmem>> -> memref<1x128x64xf32, #tpu.memory_space<vmem>>
    %dma_wait3A_130 = tpu.memref_squeeze %dma_wait3A_129 : memref<1x128x64xf32, #tpu.memory_space<vmem>> -> memref<128x64xf32, #tpu.memory_space<vmem>>
    %dma_wait3A_131 = arith.constant 0 : i32
    %dma_wait3A_132 = tpu.memref_slice %arg9[%mul3A_14, %dma_wait3A_131] : memref<10240x64xf32, #tpu.memory_space<vmem_shared>> -> memref<128x64xf32, #tpu.memory_space<vmem_shared>>
    %dma_wait3A_133 = arith.constant 0 : i32
    %dma_wait3A_134 = tpu.memref_slice %arg9[%mul3A_14, %dma_wait3A_133] : memref<10240x64xf32, #tpu.memory_space<vmem_shared>> -> memref<128x64xf32, #tpu.memory_space<vmem_shared>>
    %dma_wait3A_135 = arith.constant 0 : i32
    %dma_wait3A_136 = arith.constant 0 : i32
    %dma_wait3A_137 = tpu.memref_slice %arg8[%dma_wait3A_126, %dma_wait3A_135, %dma_wait3A_136] : memref<6x128x64xf32, #tpu.memory_space<vmem>> -> memref<1x128x64xf32, #tpu.memory_space<vmem>>
    %dma_wait3A_138 = tpu.memref_squeeze %dma_wait3A_137 : memref<1x128x64xf32, #tpu.memory_space<vmem>> -> memref<128x64xf32, #tpu.memory_space<vmem>>
    tpu.wait_dma2 semaphore(%arg16 : memref<!tpu.dma_semaphore, #tpu.memory_space<semaphore_mem>>) src(%dma_wait3A_138 : memref<128x64xf32, #tpu.memory_space<vmem>>) dst(%dma_wait3A_134 : memref<128x64xf32, #tpu.memory_space<vmem_shared>>)
    %dma_wait3A_139 = arith.constant 0 : i32
    %dma_wait3A_140 = arith.constant 0 : i32
    %dma_wait3A_141 = arith.constant 0 : i32
    %dma_wait3A_142 = tpu.memref_slice %arg8[%dma_wait3A_139, %dma_wait3A_140, %dma_wait3A_141] : memref<6x128x64xf32, #tpu.memory_space<vmem>> -> memref<1x128x64xf32, #tpu.memory_space<vmem>>
    %dma_wait3A_143 = tpu.memref_squeeze %dma_wait3A_142 : memref<1x128x64xf32, #tpu.memory_space<vmem>> -> memref<128x64xf32, #tpu.memory_space<vmem>>
    %dma_wait3A_144 = arith.constant 0 : i32
    %dma_wait3A_145 = tpu.memref_slice %arg9[%mul3A_14, %dma_wait3A_144] : memref<10240x64xf32, #tpu.memory_space<vmem_shared>> -> memref<128x64xf32, #tpu.memory_space<vmem_shared>>
    %dma_wait3A_146 = arith.constant 0 : i32
    %dma_wait3A_147 = tpu.memref_slice %arg9[%mul3A_14, %dma_wait3A_146] : memref<10240x64xf32, #tpu.memory_space<vmem_shared>> -> memref<128x64xf32, #tpu.memory_space<vmem_shared>>
    %dma_wait3A_148 = arith.constant 0 : i32
    %dma_wait3A_149 = arith.constant 0 : i32
    %dma_wait3A_150 = tpu.memref_slice %arg8[%dma_wait3A_139, %dma_wait3A_148, %dma_wait3A_149] : memref<6x128x64xf32, #tpu.memory_space<vmem>> -> memref<1x128x64xf32, #tpu.memory_space<vmem>>
    %dma_wait3A_151 = tpu.memref_squeeze %dma_wait3A_150 : memref<1x128x64xf32, #tpu.memory_space<vmem>> -> memref<128x64xf32, #tpu.memory_space<vmem>>
    tpu.wait_dma2 semaphore(%arg16 : memref<!tpu.dma_semaphore, #tpu.memory_space<semaphore_mem>>) src(%dma_wait3A_151 : memref<128x64xf32, #tpu.memory_space<vmem>>) dst(%dma_wait3A_147 : memref<128x64xf32, #tpu.memory_space<vmem_shared>>)
    %barrier3A = arith.constant 0 : index
    tpu.barrier barrier_id(%barrier3A)
    %dma_start3A_152 = arith.constant 0 : i32
    %dma_start3A_153 = arith.constant 0 : i32
    %dma_start3A_154 = arith.constant 0 : i32
    %dma_start3A_155 = arith.constant 0 : i32
    %dma_start3A_156 = tpu.memref_slice %arg8[%dma_start3A_153, %dma_start3A_154, %dma_start3A_155] : memref<6x128x64xf32, #tpu.memory_space<vmem>> -> memref<1x128x64xf32, #tpu.memory_space<vmem>>
    %dma_start3A_157 = tpu.memref_squeeze %dma_start3A_156 : memref<1x128x64xf32, #tpu.memory_space<vmem>> -> memref<128x64xf32, #tpu.memory_space<vmem>>
    %dma_start3A_158 = arith.constant 0 : i32
    %dma_start3A_159 = tpu.memref_slice %arg6[%dma_start3A_152, %dma_start3A_158] : memref<160x128xi32, #tpu.memory_space<vmem>> -> memref<1x128xi32, #tpu.memory_space<vmem>>
    %dma_start3A_160 = tpu.memref_squeeze %dma_start3A_159 : memref<1x128xi32, #tpu.memory_space<vmem>> -> memref<128xi32, #tpu.memory_space<vmem>>
    %dma_start3A_161 = arith.constant 0 : i32
    %dma_start3A_162 = arith.constant 0 : i32
    %dma_start3A_163 = tpu.memref_slice %arg2[%dma_start3A_161, %dma_start3A_162] : memref<20000x64xf32, #tpu.memory_space<hbm>> -> memref<20000x64xf32, #tpu.memory_space<hbm>>
    tpu.enqueue_indirect_dma source(%dma_start3A_163 : memref<20000x64xf32, #tpu.memory_space<hbm>>) target(%dma_start3A_157 : memref<128x64xf32, #tpu.memory_space<vmem>>) offsets(%dma_start3A_160 : memref<128xi32, #tpu.memory_space<vmem>>) semaphore(%arg10 : memref<!tpu.dma_semaphore, #tpu.memory_space<semaphore_mem>>)
    %dma_start3A_164 = arith.constant 1 : i32
    %dma_start3A_165 = arith.constant 1 : i32
    %dma_start3A_166 = arith.constant 0 : i32
    %dma_start3A_167 = arith.constant 0 : i32
    %dma_start3A_168 = tpu.memref_slice %arg8[%dma_start3A_165, %dma_start3A_166, %dma_start3A_167] : memref<6x128x64xf32, #tpu.memory_space<vmem>> -> memref<1x128x64xf32, #tpu.memory_space<vmem>>
    %dma_start3A_169 = tpu.memref_squeeze %dma_start3A_168 : memref<1x128x64xf32, #tpu.memory_space<vmem>> -> memref<128x64xf32, #tpu.memory_space<vmem>>
    %dma_start3A_170 = arith.constant 0 : i32
    %dma_start3A_171 = tpu.memref_slice %arg6[%dma_start3A_164, %dma_start3A_170] : memref<160x128xi32, #tpu.memory_space<vmem>> -> memref<1x128xi32, #tpu.memory_space<vmem>>
    %dma_start3A_172 = tpu.memref_squeeze %dma_start3A_171 : memref<1x128xi32, #tpu.memory_space<vmem>> -> memref<128xi32, #tpu.memory_space<vmem>>
    %dma_start3A_173 = arith.constant 0 : i32
    %dma_start3A_174 = arith.constant 0 : i32
    %dma_start3A_175 = tpu.memref_slice %arg2[%dma_start3A_173, %dma_start3A_174] : memref<20000x64xf32, #tpu.memory_space<hbm>> -> memref<20000x64xf32, #tpu.memory_space<hbm>>
    tpu.enqueue_indirect_dma source(%dma_start3A_175 : memref<20000x64xf32, #tpu.memory_space<hbm>>) target(%dma_start3A_169 : memref<128x64xf32, #tpu.memory_space<vmem>>) offsets(%dma_start3A_172 : memref<128xi32, #tpu.memory_space<vmem>>) semaphore(%arg11 : memref<!tpu.dma_semaphore, #tpu.memory_space<semaphore_mem>>)
    %dma_start3A_176 = arith.constant 2 : i32
    %dma_start3A_177 = arith.constant 2 : i32
    %dma_start3A_178 = arith.constant 0 : i32
    %dma_start3A_179 = arith.constant 0 : i32
    %dma_start3A_180 = tpu.memref_slice %arg8[%dma_start3A_177, %dma_start3A_178, %dma_start3A_179] : memref<6x128x64xf32, #tpu.memory_space<vmem>> -> memref<1x128x64xf32, #tpu.memory_space<vmem>>
    %dma_start3A_181 = tpu.memref_squeeze %dma_start3A_180 : memref<1x128x64xf32, #tpu.memory_space<vmem>> -> memref<128x64xf32, #tpu.memory_space<vmem>>
    %dma_start3A_182 = arith.constant 0 : i32
    %dma_start3A_183 = tpu.memref_slice %arg6[%dma_start3A_176, %dma_start3A_182] : memref<160x128xi32, #tpu.memory_space<vmem>> -> memref<1x128xi32, #tpu.memory_space<vmem>>
    %dma_start3A_184 = tpu.memref_squeeze %dma_start3A_183 : memref<1x128xi32, #tpu.memory_space<vmem>> -> memref<128xi32, #tpu.memory_space<vmem>>
    %dma_start3A_185 = arith.constant 0 : i32
    %dma_start3A_186 = arith.constant 0 : i32
    %dma_start3A_187 = tpu.memref_slice %arg2[%dma_start3A_185, %dma_start3A_186] : memref<20000x64xf32, #tpu.memory_space<hbm>> -> memref<20000x64xf32, #tpu.memory_space<hbm>>
    tpu.enqueue_indirect_dma source(%dma_start3A_187 : memref<20000x64xf32, #tpu.memory_space<hbm>>) target(%dma_start3A_181 : memref<128x64xf32, #tpu.memory_space<vmem>>) offsets(%dma_start3A_184 : memref<128xi32, #tpu.memory_space<vmem>>) semaphore(%arg12 : memref<!tpu.dma_semaphore, #tpu.memory_space<semaphore_mem>>)
    %dma_start3A_188 = arith.constant 3 : i32
    %dma_start3A_189 = arith.constant 3 : i32
    %dma_start3A_190 = arith.constant 0 : i32
    %dma_start3A_191 = arith.constant 0 : i32
    %dma_start3A_192 = tpu.memref_slice %arg8[%dma_start3A_189, %dma_start3A_190, %dma_start3A_191] : memref<6x128x64xf32, #tpu.memory_space<vmem>> -> memref<1x128x64xf32, #tpu.memory_space<vmem>>
    %dma_start3A_193 = tpu.memref_squeeze %dma_start3A_192 : memref<1x128x64xf32, #tpu.memory_space<vmem>> -> memref<128x64xf32, #tpu.memory_space<vmem>>
    %dma_start3A_194 = arith.constant 0 : i32
    %dma_start3A_195 = tpu.memref_slice %arg6[%dma_start3A_188, %dma_start3A_194] : memref<160x128xi32, #tpu.memory_space<vmem>> -> memref<1x128xi32, #tpu.memory_space<vmem>>
    %dma_start3A_196 = tpu.memref_squeeze %dma_start3A_195 : memref<1x128xi32, #tpu.memory_space<vmem>> -> memref<128xi32, #tpu.memory_space<vmem>>
    %dma_start3A_197 = arith.constant 0 : i32
    %dma_start3A_198 = arith.constant 0 : i32
    %dma_start3A_199 = tpu.memref_slice %arg2[%dma_start3A_197, %dma_start3A_198] : memref<20000x64xf32, #tpu.memory_space<hbm>> -> memref<20000x64xf32, #tpu.memory_space<hbm>>
    tpu.enqueue_indirect_dma source(%dma_start3A_199 : memref<20000x64xf32, #tpu.memory_space<hbm>>) target(%dma_start3A_193 : memref<128x64xf32, #tpu.memory_space<vmem>>) offsets(%dma_start3A_196 : memref<128xi32, #tpu.memory_space<vmem>>) semaphore(%arg13 : memref<!tpu.dma_semaphore, #tpu.memory_space<semaphore_mem>>)
    %scan3A_200 = arith.constant 0 : i32
    %scan3A_201 = arith.constant 0 : i32
    %scan3A_202 = arith.constant 160 : i32
    %scan3A_203 = arith.addi %scan3A_201, %scan3A_202 : i32
    %scan3A_204 = arith.constant 1 : i32
    %scan3A_205 = scf.for %scan3A_232 = %scan3A_201 to %scan3A_203 step %scan3A_204 iter_args(%scan3A_233 = %scan3A_200) -> (i32)  : i32 {
      %jit3A = arith.constant 6 : i32
      %eq3A = arith.constant 0 : i32
      %eq3A_234 = arith.cmpi eq, %jit3A, %eq3A : i32
      %jit3A_235 = arith.constant 1 : i32
      %select_n3A = arith.select %eq3A_234, %jit3A_235, %jit3A : i32
      %rem3A = arith.remsi %scan3A_232, %select_n3A : i32
      %ne3A = arith.constant 0 : i32
      %ne3A_236 = arith.cmpi ne, %rem3A, %ne3A : i32
      %lt3A = arith.constant 0 : i32
      %lt3A_237 = arith.cmpi slt, %rem3A, %lt3A : i32
      %lt3A_238 = arith.constant 0 : i32
      %lt3A_239 = arith.cmpi slt, %select_n3A, %lt3A_238 : i32
      %ne3A_240 = arith.xori %lt3A_237, %lt3A_239 : i1
      %and3A = arith.andi %ne3A_240, %ne3A_236 : i1
      %add3A_241 = arith.addi %rem3A, %select_n3A : i32
      %select_n3A_242 = arith.select %and3A, %add3A_241, %rem3A : i32
      %eq3A_243 = arith.constant 0 : i32
      %eq3A_244 = arith.cmpi eq, %select_n3A_242, %eq3A_243 : i32
      %convert_element_type3A = arith.extui %eq3A_244 : i1 to i32
      %cond3A = arith.constant 0 : i32
      %cond3A_245 = arith.cmpi ne, %convert_element_type3A, %cond3A : i32
      scf.if %cond3A_245 {
        %ge3A = arith.constant 2 : i32
        %ge3A_352 = arith.cmpi sge, %scan3A_232, %ge3A : i32
        %convert_element_type3A_353 = arith.extui %ge3A_352 : i1 to i32
        %cond3A_354 = arith.constant 0 : i32
        %cond3A_355 = arith.cmpi ne, %convert_element_type3A_353, %cond3A_354 : i32
        scf.if %cond3A_355 {
          %sub3A_386 = arith.constant 2 : i32
          %sub3A_387 = arith.subi %scan3A_232, %sub3A_386 : i32
          %dma_wait3A_388 = arith.constant 4 : i32
          %dma_wait3A_389 = arith.constant 0 : i32
          %dma_wait3A_390 = arith.constant 0 : i32
          %dma_wait3A_391 = tpu.memref_slice %arg8[%dma_wait3A_388, %dma_wait3A_389, %dma_wait3A_390] : memref<6x128x64xf32, #tpu.memory_space<vmem>> -> memref<1x128x64xf32, #tpu.memory_space<vmem>>
          %dma_wait3A_392 = tpu.memref_squeeze %dma_wait3A_391 : memref<1x128x64xf32, #tpu.memory_space<vmem>> -> memref<128x64xf32, #tpu.memory_space<vmem>>
          %dma_wait3A_393 = arith.constant 0 : i32
          %dma_wait3A_394 = tpu.memref_slice %arg7[%sub3A_387, %dma_wait3A_393] : memref<160x128xi32, #tpu.memory_space<vmem>> -> memref<1x128xi32, #tpu.memory_space<vmem>>
          %dma_wait3A_395 = tpu.memref_squeeze %dma_wait3A_394 : memref<1x128xi32, #tpu.memory_space<vmem>> -> memref<128xi32, #tpu.memory_space<vmem>>
          %dma_wait3A_396 = arith.constant 0 : i32
          %dma_wait3A_397 = arith.constant 0 : i32
          %dma_wait3A_398 = tpu.memref_slice %arg9[%dma_wait3A_396, %dma_wait3A_397] : memref<10240x64xf32, #tpu.memory_space<vmem_shared>> -> memref<10240x64xf32, #tpu.memory_space<vmem_shared>>
          tpu.wait_indirect_dma semaphore(%arg16 : memref<!tpu.dma_semaphore, #tpu.memory_space<semaphore_mem>>) src(%dma_wait3A_392 : memref<128x64xf32, #tpu.memory_space<vmem>>) dst(%dma_wait3A_398 : memref<10240x64xf32, #tpu.memory_space<vmem_shared>>)
        } else {
        }
        %add3A_356 = arith.constant 6 : i32
        %add3A_357 = arith.addi %scan3A_232, %add3A_356 : i32
        %sub3A = arith.constant 2 : i32
        %sub3A_358 = arith.subi %add3A_357, %sub3A : i32
        %lt3A_359 = arith.constant 160 : i32
        %lt3A_360 = arith.cmpi slt, %sub3A_358, %lt3A_359 : i32
        %convert_element_type3A_361 = arith.extui %lt3A_360 : i1 to i32
        %cond3A_362 = arith.constant 0 : i32
        %cond3A_363 = arith.cmpi ne, %convert_element_type3A_361, %cond3A_362 : i32
        scf.if %cond3A_363 {
          %add3A_386 = arith.constant 6 : i32
          %add3A_387 = arith.addi %scan3A_232, %add3A_386 : i32
          %sub3A_388 = arith.constant 2 : i32
          %sub3A_389 = arith.subi %add3A_387, %sub3A_388 : i32
          %dma_start3A_390 = arith.constant 4 : i32
          %dma_start3A_391 = arith.constant 0 : i32
          %dma_start3A_392 = arith.constant 0 : i32
          %dma_start3A_393 = tpu.memref_slice %arg8[%dma_start3A_390, %dma_start3A_391, %dma_start3A_392] : memref<6x128x64xf32, #tpu.memory_space<vmem>> -> memref<1x128x64xf32, #tpu.memory_space<vmem>>
          %dma_start3A_394 = tpu.memref_squeeze %dma_start3A_393 : memref<1x128x64xf32, #tpu.memory_space<vmem>> -> memref<128x64xf32, #tpu.memory_space<vmem>>
          %dma_start3A_395 = arith.constant 0 : i32
          %dma_start3A_396 = tpu.memref_slice %arg6[%sub3A_389, %dma_start3A_395] : memref<160x128xi32, #tpu.memory_space<vmem>> -> memref<1x128xi32, #tpu.memory_space<vmem>>
          %dma_start3A_397 = tpu.memref_squeeze %dma_start3A_396 : memref<1x128xi32, #tpu.memory_space<vmem>> -> memref<128xi32, #tpu.memory_space<vmem>>
          %dma_start3A_398 = arith.constant 0 : i32
          %dma_start3A_399 = arith.constant 0 : i32
          %dma_start3A_400 = tpu.memref_slice %arg2[%dma_start3A_398, %dma_start3A_399] : memref<20000x64xf32, #tpu.memory_space<hbm>> -> memref<20000x64xf32, #tpu.memory_space<hbm>>
          tpu.enqueue_indirect_dma source(%dma_start3A_400 : memref<20000x64xf32, #tpu.memory_space<hbm>>) target(%dma_start3A_394 : memref<128x64xf32, #tpu.memory_space<vmem>>) offsets(%dma_start3A_397 : memref<128xi32, #tpu.memory_space<vmem>>) semaphore(%arg14 : memref<!tpu.dma_semaphore, #tpu.memory_space<semaphore_mem>>)
        } else {
        }
        %dma_wait3A_364 = arith.constant 0 : i32
        %dma_wait3A_365 = arith.constant 0 : i32
        %dma_wait3A_366 = arith.constant 0 : i32
        %dma_wait3A_367 = tpu.memref_slice %arg8[%dma_wait3A_364, %dma_wait3A_365, %dma_wait3A_366] : memref<6x128x64xf32, #tpu.memory_space<vmem>> -> memref<1x128x64xf32, #tpu.memory_space<vmem>>
        %dma_wait3A_368 = tpu.memref_squeeze %dma_wait3A_367 : memref<1x128x64xf32, #tpu.memory_space<vmem>> -> memref<128x64xf32, #tpu.memory_space<vmem>>
        %dma_wait3A_369 = arith.constant 0 : i32
        %dma_wait3A_370 = tpu.memref_slice %arg6[%scan3A_232, %dma_wait3A_369] : memref<160x128xi32, #tpu.memory_space<vmem>> -> memref<1x128xi32, #tpu.memory_space<vmem>>
        %dma_wait3A_371 = tpu.memref_squeeze %dma_wait3A_370 : memref<1x128xi32, #tpu.memory_space<vmem>> -> memref<128xi32, #tpu.memory_space<vmem>>
        %dma_wait3A_372 = arith.constant 0 : i32
        %dma_wait3A_373 = arith.constant 0 : i32
        %dma_wait3A_374 = tpu.memref_slice %arg2[%dma_wait3A_372, %dma_wait3A_373] : memref<20000x64xf32, #tpu.memory_space<hbm>> -> memref<20000x64xf32, #tpu.memory_space<hbm>>
        tpu.wait_indirect_dma semaphore(%arg10 : memref<!tpu.dma_semaphore, #tpu.memory_space<semaphore_mem>>) src(%dma_wait3A_374 : memref<20000x64xf32, #tpu.memory_space<hbm>>) dst(%dma_wait3A_368 : memref<128x64xf32, #tpu.memory_space<vmem>>)
        %dma_start3A_375 = arith.constant 0 : i32
        %dma_start3A_376 = arith.constant 0 : i32
        %dma_start3A_377 = arith.constant 0 : i32
        %dma_start3A_378 = tpu.memref_slice %arg8[%dma_start3A_375, %dma_start3A_376, %dma_start3A_377] : memref<6x128x64xf32, #tpu.memory_space<vmem>> -> memref<1x128x64xf32, #tpu.memory_space<vmem>>
        %dma_start3A_379 = tpu.memref_squeeze %dma_start3A_378 : memref<1x128x64xf32, #tpu.memory_space<vmem>> -> memref<128x64xf32, #tpu.memory_space<vmem>>
        %dma_start3A_380 = arith.constant 0 : i32
        %dma_start3A_381 = tpu.memref_slice %arg7[%scan3A_232, %dma_start3A_380] : memref<160x128xi32, #tpu.memory_space<vmem>> -> memref<1x128xi32, #tpu.memory_space<vmem>>
        %dma_start3A_382 = tpu.memref_squeeze %dma_start3A_381 : memref<1x128xi32, #tpu.memory_space<vmem>> -> memref<128xi32, #tpu.memory_space<vmem>>
        %dma_start3A_383 = arith.constant 0 : i32
        %dma_start3A_384 = arith.constant 0 : i32
        %dma_start3A_385 = tpu.memref_slice %arg9[%dma_start3A_383, %dma_start3A_384] : memref<10240x64xf32, #tpu.memory_space<vmem_shared>> -> memref<10240x64xf32, #tpu.memory_space<vmem_shared>>
        tpu.enqueue_indirect_dma source(%dma_start3A_379 : memref<128x64xf32, #tpu.memory_space<vmem>>) target(%dma_start3A_385 : memref<10240x64xf32, #tpu.memory_space<vmem_shared>>) offsets(%dma_start3A_382 : memref<128xi32, #tpu.memory_space<vmem>>) semaphore(%arg16 : memref<!tpu.dma_semaphore, #tpu.memory_space<semaphore_mem>>) {add = true}
      } else {
      }
      %jit3A_246 = arith.constant 6 : i32
      %eq3A_247 = arith.constant 0 : i32
      %eq3A_248 = arith.cmpi eq, %jit3A_246, %eq3A_247 : i32
      %jit3A_249 = arith.constant 1 : i32
      %select_n3A_250 = arith.select %eq3A_248, %jit3A_249, %jit3A_246 : i32
      %rem3A_251 = arith.remsi %scan3A_232, %select_n3A_250 : i32
      %ne3A_252 = arith.constant 0 : i32
      %ne3A_253 = arith.cmpi ne, %rem3A_251, %ne3A_252 : i32
      %lt3A_254 = arith.constant 0 : i32
      %lt3A_255 = arith.cmpi slt, %rem3A_251, %lt3A_254 : i32
      %lt3A_256 = arith.constant 0 : i32
      %lt3A_257 = arith.cmpi slt, %select_n3A_250, %lt3A_256 : i32
      %ne3A_258 = arith.xori %lt3A_255, %lt3A_257 : i1
      %and3A_259 = arith.andi %ne3A_258, %ne3A_253 : i1
      %add3A_260 = arith.addi %rem3A_251, %select_n3A_250 : i32
      %select_n3A_261 = arith.select %and3A_259, %add3A_260, %rem3A_251 : i32
      %eq3A_262 = arith.constant 1 : i32
      %eq3A_263 = arith.cmpi eq, %select_n3A_261, %eq3A_262 : i32
      %convert_element_type3A_264 = arith.extui %eq3A_263 : i1 to i32
      %cond3A_265 = arith.constant 0 : i32
      %cond3A_266 = arith.cmpi ne, %convert_element_type3A_264, %cond3A_265 : i32
      scf.if %cond3A_266 {
        %ge3A = arith.constant 2 : i32
        %ge3A_352 = arith.cmpi sge, %scan3A_232, %ge3A : i32
        %convert_element_type3A_353 = arith.extui %ge3A_352 : i1 to i32
        %cond3A_354 = arith.constant 0 : i32
        %cond3A_355 = arith.cmpi ne, %convert_element_type3A_353, %cond3A_354 : i32
        scf.if %cond3A_355 {
          %sub3A_386 = arith.constant 2 : i32
          %sub3A_387 = arith.subi %scan3A_232, %sub3A_386 : i32
          %dma_wait3A_388 = arith.constant 5 : i32
          %dma_wait3A_389 = arith.constant 0 : i32
          %dma_wait3A_390 = arith.constant 0 : i32
          %dma_wait3A_391 = tpu.memref_slice %arg8[%dma_wait3A_388, %dma_wait3A_389, %dma_wait3A_390] : memref<6x128x64xf32, #tpu.memory_space<vmem>> -> memref<1x128x64xf32, #tpu.memory_space<vmem>>
          %dma_wait3A_392 = tpu.memref_squeeze %dma_wait3A_391 : memref<1x128x64xf32, #tpu.memory_space<vmem>> -> memref<128x64xf32, #tpu.memory_space<vmem>>
          %dma_wait3A_393 = arith.constant 0 : i32
          %dma_wait3A_394 = tpu.memref_slice %arg7[%sub3A_387, %dma_wait3A_393] : memref<160x128xi32, #tpu.memory_space<vmem>> -> memref<1x128xi32, #tpu.memory_space<vmem>>
          %dma_wait3A_395 = tpu.memref_squeeze %dma_wait3A_394 : memref<1x128xi32, #tpu.memory_space<vmem>> -> memref<128xi32, #tpu.memory_space<vmem>>
          %dma_wait3A_396 = arith.constant 0 : i32
          %dma_wait3A_397 = arith.constant 0 : i32
          %dma_wait3A_398 = tpu.memref_slice %arg9[%dma_wait3A_396, %dma_wait3A_397] : memref<10240x64xf32, #tpu.memory_space<vmem_shared>> -> memref<10240x64xf32, #tpu.memory_space<vmem_shared>>
          tpu.wait_indirect_dma semaphore(%arg17 : memref<!tpu.dma_semaphore, #tpu.memory_space<semaphore_mem>>) src(%dma_wait3A_392 : memref<128x64xf32, #tpu.memory_space<vmem>>) dst(%dma_wait3A_398 : memref<10240x64xf32, #tpu.memory_space<vmem_shared>>)
        } else {
        }
        %add3A_356 = arith.constant 6 : i32
        %add3A_357 = arith.addi %scan3A_232, %add3A_356 : i32
        %sub3A = arith.constant 2 : i32
        %sub3A_358 = arith.subi %add3A_357, %sub3A : i32
        %lt3A_359 = arith.constant 160 : i32
        %lt3A_360 = arith.cmpi slt, %sub3A_358, %lt3A_359 : i32
        %convert_element_type3A_361 = arith.extui %lt3A_360 : i1 to i32
        %cond3A_362 = arith.constant 0 : i32
        %cond3A_363 = arith.cmpi ne, %convert_element_type3A_361, %cond3A_362 : i32
        scf.if %cond3A_363 {
          %add3A_386 = arith.constant 6 : i32
          %add3A_387 = arith.addi %scan3A_232, %add3A_386 : i32
          %sub3A_388 = arith.constant 2 : i32
          %sub3A_389 = arith.subi %add3A_387, %sub3A_388 : i32
          %dma_start3A_390 = arith.constant 5 : i32
          %dma_start3A_391 = arith.constant 0 : i32
          %dma_start3A_392 = arith.constant 0 : i32
          %dma_start3A_393 = tpu.memref_slice %arg8[%dma_start3A_390, %dma_start3A_391, %dma_start3A_392] : memref<6x128x64xf32, #tpu.memory_space<vmem>> -> memref<1x128x64xf32, #tpu.memory_space<vmem>>
          %dma_start3A_394 = tpu.memref_squeeze %dma_start3A_393 : memref<1x128x64xf32, #tpu.memory_space<vmem>> -> memref<128x64xf32, #tpu.memory_space<vmem>>
          %dma_start3A_395 = arith.constant 0 : i32
          %dma_start3A_396 = tpu.memref_slice %arg6[%sub3A_389, %dma_start3A_395] : memref<160x128xi32, #tpu.memory_space<vmem>> -> memref<1x128xi32, #tpu.memory_space<vmem>>
          %dma_start3A_397 = tpu.memref_squeeze %dma_start3A_396 : memref<1x128xi32, #tpu.memory_space<vmem>> -> memref<128xi32, #tpu.memory_space<vmem>>
          %dma_start3A_398 = arith.constant 0 : i32
          %dma_start3A_399 = arith.constant 0 : i32
          %dma_start3A_400 = tpu.memref_slice %arg2[%dma_start3A_398, %dma_start3A_399] : memref<20000x64xf32, #tpu.memory_space<hbm>> -> memref<20000x64xf32, #tpu.memory_space<hbm>>
          tpu.enqueue_indirect_dma source(%dma_start3A_400 : memref<20000x64xf32, #tpu.memory_space<hbm>>) target(%dma_start3A_394 : memref<128x64xf32, #tpu.memory_space<vmem>>) offsets(%dma_start3A_397 : memref<128xi32, #tpu.memory_space<vmem>>) semaphore(%arg15 : memref<!tpu.dma_semaphore, #tpu.memory_space<semaphore_mem>>)
        } else {
        }
        %dma_wait3A_364 = arith.constant 1 : i32
        %dma_wait3A_365 = arith.constant 0 : i32
        %dma_wait3A_366 = arith.constant 0 : i32
        %dma_wait3A_367 = tpu.memref_slice %arg8[%dma_wait3A_364, %dma_wait3A_365, %dma_wait3A_366] : memref<6x128x64xf32, #tpu.memory_space<vmem>> -> memref<1x128x64xf32, #tpu.memory_space<vmem>>
        %dma_wait3A_368 = tpu.memref_squeeze %dma_wait3A_367 : memref<1x128x64xf32, #tpu.memory_space<vmem>> -> memref<128x64xf32, #tpu.memory_space<vmem>>
        %dma_wait3A_369 = arith.constant 0 : i32
        %dma_wait3A_370 = tpu.memref_slice %arg6[%scan3A_232, %dma_wait3A_369] : memref<160x128xi32, #tpu.memory_space<vmem>> -> memref<1x128xi32, #tpu.memory_space<vmem>>
        %dma_wait3A_371 = tpu.memref_squeeze %dma_wait3A_370 : memref<1x128xi32, #tpu.memory_space<vmem>> -> memref<128xi32, #tpu.memory_space<vmem>>
        %dma_wait3A_372 = arith.constant 0 : i32
        %dma_wait3A_373 = arith.constant 0 : i32
        %dma_wait3A_374 = tpu.memref_slice %arg2[%dma_wait3A_372, %dma_wait3A_373] : memref<20000x64xf32, #tpu.memory_space<hbm>> -> memref<20000x64xf32, #tpu.memory_space<hbm>>
        tpu.wait_indirect_dma semaphore(%arg11 : memref<!tpu.dma_semaphore, #tpu.memory_space<semaphore_mem>>) src(%dma_wait3A_374 : memref<20000x64xf32, #tpu.memory_space<hbm>>) dst(%dma_wait3A_368 : memref<128x64xf32, #tpu.memory_space<vmem>>)
        %dma_start3A_375 = arith.constant 1 : i32
        %dma_start3A_376 = arith.constant 0 : i32
        %dma_start3A_377 = arith.constant 0 : i32
        %dma_start3A_378 = tpu.memref_slice %arg8[%dma_start3A_375, %dma_start3A_376, %dma_start3A_377] : memref<6x128x64xf32, #tpu.memory_space<vmem>> -> memref<1x128x64xf32, #tpu.memory_space<vmem>>
        %dma_start3A_379 = tpu.memref_squeeze %dma_start3A_378 : memref<1x128x64xf32, #tpu.memory_space<vmem>> -> memref<128x64xf32, #tpu.memory_space<vmem>>
        %dma_start3A_380 = arith.constant 0 : i32
        %dma_start3A_381 = tpu.memref_slice %arg7[%scan3A_232, %dma_start3A_380] : memref<160x128xi32, #tpu.memory_space<vmem>> -> memref<1x128xi32, #tpu.memory_space<vmem>>
        %dma_start3A_382 = tpu.memref_squeeze %dma_start3A_381 : memref<1x128xi32, #tpu.memory_space<vmem>> -> memref<128xi32, #tpu.memory_space<vmem>>
        %dma_start3A_383 = arith.constant 0 : i32
        %dma_start3A_384 = arith.constant 0 : i32
        %dma_start3A_385 = tpu.memref_slice %arg9[%dma_start3A_383, %dma_start3A_384] : memref<10240x64xf32, #tpu.memory_space<vmem_shared>> -> memref<10240x64xf32, #tpu.memory_space<vmem_shared>>
        tpu.enqueue_indirect_dma source(%dma_start3A_379 : memref<128x64xf32, #tpu.memory_space<vmem>>) target(%dma_start3A_385 : memref<10240x64xf32, #tpu.memory_space<vmem_shared>>) offsets(%dma_start3A_382 : memref<128xi32, #tpu.memory_space<vmem>>) semaphore(%arg17 : memref<!tpu.dma_semaphore, #tpu.memory_space<semaphore_mem>>) {add = true}
      } else {
      }
      %jit3A_267 = arith.constant 6 : i32
      %eq3A_268 = arith.constant 0 : i32
      %eq3A_269 = arith.cmpi eq, %jit3A_267, %eq3A_268 : i32
      %jit3A_270 = arith.constant 1 : i32
      %select_n3A_271 = arith.select %eq3A_269, %jit3A_270, %jit3A_267 : i32
      %rem3A_272 = arith.remsi %scan3A_232, %select_n3A_271 : i32
      %ne3A_273 = arith.constant 0 : i32
      %ne3A_274 = arith.cmpi ne, %rem3A_272, %ne3A_273 : i32
      %lt3A_275 = arith.constant 0 : i32
      %lt3A_276 = arith.cmpi slt, %rem3A_272, %lt3A_275 : i32
      %lt3A_277 = arith.constant 0 : i32
      %lt3A_278 = arith.cmpi slt, %select_n3A_271, %lt3A_277 : i32
      %ne3A_279 = arith.xori %lt3A_276, %lt3A_278 : i1
      %and3A_280 = arith.andi %ne3A_279, %ne3A_274 : i1
      %add3A_281 = arith.addi %rem3A_272, %select_n3A_271 : i32
      %select_n3A_282 = arith.select %and3A_280, %add3A_281, %rem3A_272 : i32
      %eq3A_283 = arith.constant 2 : i32
      %eq3A_284 = arith.cmpi eq, %select_n3A_282, %eq3A_283 : i32
      %convert_element_type3A_285 = arith.extui %eq3A_284 : i1 to i32
      %cond3A_286 = arith.constant 0 : i32
      %cond3A_287 = arith.cmpi ne, %convert_element_type3A_285, %cond3A_286 : i32
      scf.if %cond3A_287 {
        %ge3A = arith.constant 2 : i32
        %ge3A_352 = arith.cmpi sge, %scan3A_232, %ge3A : i32
        %convert_element_type3A_353 = arith.extui %ge3A_352 : i1 to i32
        %cond3A_354 = arith.constant 0 : i32
        %cond3A_355 = arith.cmpi ne, %convert_element_type3A_353, %cond3A_354 : i32
        scf.if %cond3A_355 {
          %sub3A_386 = arith.constant 2 : i32
          %sub3A_387 = arith.subi %scan3A_232, %sub3A_386 : i32
          %dma_wait3A_388 = arith.constant 0 : i32
          %dma_wait3A_389 = arith.constant 0 : i32
          %dma_wait3A_390 = arith.constant 0 : i32
          %dma_wait3A_391 = tpu.memref_slice %arg8[%dma_wait3A_388, %dma_wait3A_389, %dma_wait3A_390] : memref<6x128x64xf32, #tpu.memory_space<vmem>> -> memref<1x128x64xf32, #tpu.memory_space<vmem>>
          %dma_wait3A_392 = tpu.memref_squeeze %dma_wait3A_391 : memref<1x128x64xf32, #tpu.memory_space<vmem>> -> memref<128x64xf32, #tpu.memory_space<vmem>>
          %dma_wait3A_393 = arith.constant 0 : i32
          %dma_wait3A_394 = tpu.memref_slice %arg7[%sub3A_387, %dma_wait3A_393] : memref<160x128xi32, #tpu.memory_space<vmem>> -> memref<1x128xi32, #tpu.memory_space<vmem>>
          %dma_wait3A_395 = tpu.memref_squeeze %dma_wait3A_394 : memref<1x128xi32, #tpu.memory_space<vmem>> -> memref<128xi32, #tpu.memory_space<vmem>>
          %dma_wait3A_396 = arith.constant 0 : i32
          %dma_wait3A_397 = arith.constant 0 : i32
          %dma_wait3A_398 = tpu.memref_slice %arg9[%dma_wait3A_396, %dma_wait3A_397] : memref<10240x64xf32, #tpu.memory_space<vmem_shared>> -> memref<10240x64xf32, #tpu.memory_space<vmem_shared>>
          tpu.wait_indirect_dma semaphore(%arg16 : memref<!tpu.dma_semaphore, #tpu.memory_space<semaphore_mem>>) src(%dma_wait3A_392 : memref<128x64xf32, #tpu.memory_space<vmem>>) dst(%dma_wait3A_398 : memref<10240x64xf32, #tpu.memory_space<vmem_shared>>)
        } else {
        }
        %add3A_356 = arith.constant 6 : i32
        %add3A_357 = arith.addi %scan3A_232, %add3A_356 : i32
        %sub3A = arith.constant 2 : i32
        %sub3A_358 = arith.subi %add3A_357, %sub3A : i32
        %lt3A_359 = arith.constant 160 : i32
        %lt3A_360 = arith.cmpi slt, %sub3A_358, %lt3A_359 : i32
        %convert_element_type3A_361 = arith.extui %lt3A_360 : i1 to i32
        %cond3A_362 = arith.constant 0 : i32
        %cond3A_363 = arith.cmpi ne, %convert_element_type3A_361, %cond3A_362 : i32
        scf.if %cond3A_363 {
          %add3A_386 = arith.constant 6 : i32
          %add3A_387 = arith.addi %scan3A_232, %add3A_386 : i32
          %sub3A_388 = arith.constant 2 : i32
          %sub3A_389 = arith.subi %add3A_387, %sub3A_388 : i32
          %dma_start3A_390 = arith.constant 0 : i32
          %dma_start3A_391 = arith.constant 0 : i32
          %dma_start3A_392 = arith.constant 0 : i32
          %dma_start3A_393 = tpu.memref_slice %arg8[%dma_start3A_390, %dma_start3A_391, %dma_start3A_392] : memref<6x128x64xf32, #tpu.memory_space<vmem>> -> memref<1x128x64xf32, #tpu.memory_space<vmem>>
          %dma_start3A_394 = tpu.memref_squeeze %dma_start3A_393 : memref<1x128x64xf32, #tpu.memory_space<vmem>> -> memref<128x64xf32, #tpu.memory_space<vmem>>
          %dma_start3A_395 = arith.constant 0 : i32
          %dma_start3A_396 = tpu.memref_slice %arg6[%sub3A_389, %dma_start3A_395] : memref<160x128xi32, #tpu.memory_space<vmem>> -> memref<1x128xi32, #tpu.memory_space<vmem>>
          %dma_start3A_397 = tpu.memref_squeeze %dma_start3A_396 : memref<1x128xi32, #tpu.memory_space<vmem>> -> memref<128xi32, #tpu.memory_space<vmem>>
          %dma_start3A_398 = arith.constant 0 : i32
          %dma_start3A_399 = arith.constant 0 : i32
          %dma_start3A_400 = tpu.memref_slice %arg2[%dma_start3A_398, %dma_start3A_399] : memref<20000x64xf32, #tpu.memory_space<hbm>> -> memref<20000x64xf32, #tpu.memory_space<hbm>>
          tpu.enqueue_indirect_dma source(%dma_start3A_400 : memref<20000x64xf32, #tpu.memory_space<hbm>>) target(%dma_start3A_394 : memref<128x64xf32, #tpu.memory_space<vmem>>) offsets(%dma_start3A_397 : memref<128xi32, #tpu.memory_space<vmem>>) semaphore(%arg10 : memref<!tpu.dma_semaphore, #tpu.memory_space<semaphore_mem>>)
        } else {
        }
        %dma_wait3A_364 = arith.constant 2 : i32
        %dma_wait3A_365 = arith.constant 0 : i32
        %dma_wait3A_366 = arith.constant 0 : i32
        %dma_wait3A_367 = tpu.memref_slice %arg8[%dma_wait3A_364, %dma_wait3A_365, %dma_wait3A_366] : memref<6x128x64xf32, #tpu.memory_space<vmem>> -> memref<1x128x64xf32, #tpu.memory_space<vmem>>
        %dma_wait3A_368 = tpu.memref_squeeze %dma_wait3A_367 : memref<1x128x64xf32, #tpu.memory_space<vmem>> -> memref<128x64xf32, #tpu.memory_space<vmem>>
        %dma_wait3A_369 = arith.constant 0 : i32
        %dma_wait3A_370 = tpu.memref_slice %arg6[%scan3A_232, %dma_wait3A_369] : memref<160x128xi32, #tpu.memory_space<vmem>> -> memref<1x128xi32, #tpu.memory_space<vmem>>
        %dma_wait3A_371 = tpu.memref_squeeze %dma_wait3A_370 : memref<1x128xi32, #tpu.memory_space<vmem>> -> memref<128xi32, #tpu.memory_space<vmem>>
        %dma_wait3A_372 = arith.constant 0 : i32
        %dma_wait3A_373 = arith.constant 0 : i32
        %dma_wait3A_374 = tpu.memref_slice %arg2[%dma_wait3A_372, %dma_wait3A_373] : memref<20000x64xf32, #tpu.memory_space<hbm>> -> memref<20000x64xf32, #tpu.memory_space<hbm>>
        tpu.wait_indirect_dma semaphore(%arg12 : memref<!tpu.dma_semaphore, #tpu.memory_space<semaphore_mem>>) src(%dma_wait3A_374 : memref<20000x64xf32, #tpu.memory_space<hbm>>) dst(%dma_wait3A_368 : memref<128x64xf32, #tpu.memory_space<vmem>>)
        %dma_start3A_375 = arith.constant 2 : i32
        %dma_start3A_376 = arith.constant 0 : i32
        %dma_start3A_377 = arith.constant 0 : i32
        %dma_start3A_378 = tpu.memref_slice %arg8[%dma_start3A_375, %dma_start3A_376, %dma_start3A_377] : memref<6x128x64xf32, #tpu.memory_space<vmem>> -> memref<1x128x64xf32, #tpu.memory_space<vmem>>
        %dma_start3A_379 = tpu.memref_squeeze %dma_start3A_378 : memref<1x128x64xf32, #tpu.memory_space<vmem>> -> memref<128x64xf32, #tpu.memory_space<vmem>>
        %dma_start3A_380 = arith.constant 0 : i32
        %dma_start3A_381 = tpu.memref_slice %arg7[%scan3A_232, %dma_start3A_380] : memref<160x128xi32, #tpu.memory_space<vmem>> -> memref<1x128xi32, #tpu.memory_space<vmem>>
        %dma_start3A_382 = tpu.memref_squeeze %dma_start3A_381 : memref<1x128xi32, #tpu.memory_space<vmem>> -> memref<128xi32, #tpu.memory_space<vmem>>
        %dma_start3A_383 = arith.constant 0 : i32
        %dma_start3A_384 = arith.constant 0 : i32
        %dma_start3A_385 = tpu.memref_slice %arg9[%dma_start3A_383, %dma_start3A_384] : memref<10240x64xf32, #tpu.memory_space<vmem_shared>> -> memref<10240x64xf32, #tpu.memory_space<vmem_shared>>
        tpu.enqueue_indirect_dma source(%dma_start3A_379 : memref<128x64xf32, #tpu.memory_space<vmem>>) target(%dma_start3A_385 : memref<10240x64xf32, #tpu.memory_space<vmem_shared>>) offsets(%dma_start3A_382 : memref<128xi32, #tpu.memory_space<vmem>>) semaphore(%arg16 : memref<!tpu.dma_semaphore, #tpu.memory_space<semaphore_mem>>) {add = true}
      } else {
      }
      %jit3A_288 = arith.constant 6 : i32
      %eq3A_289 = arith.constant 0 : i32
      %eq3A_290 = arith.cmpi eq, %jit3A_288, %eq3A_289 : i32
      %jit3A_291 = arith.constant 1 : i32
      %select_n3A_292 = arith.select %eq3A_290, %jit3A_291, %jit3A_288 : i32
      %rem3A_293 = arith.remsi %scan3A_232, %select_n3A_292 : i32
      %ne3A_294 = arith.constant 0 : i32
      %ne3A_295 = arith.cmpi ne, %rem3A_293, %ne3A_294 : i32
      %lt3A_296 = arith.constant 0 : i32
      %lt3A_297 = arith.cmpi slt, %rem3A_293, %lt3A_296 : i32
      %lt3A_298 = arith.constant 0 : i32
      %lt3A_299 = arith.cmpi slt, %select_n3A_292, %lt3A_298 : i32
      %ne3A_300 = arith.xori %lt3A_297, %lt3A_299 : i1
      %and3A_301 = arith.andi %ne3A_300, %ne3A_295 : i1
      %add3A_302 = arith.addi %rem3A_293, %select_n3A_292 : i32
      %select_n3A_303 = arith.select %and3A_301, %add3A_302, %rem3A_293 : i32
      %eq3A_304 = arith.constant 3 : i32
      %eq3A_305 = arith.cmpi eq, %select_n3A_303, %eq3A_304 : i32
      %convert_element_type3A_306 = arith.extui %eq3A_305 : i1 to i32
      %cond3A_307 = arith.constant 0 : i32
      %cond3A_308 = arith.cmpi ne, %convert_element_type3A_306, %cond3A_307 : i32
      scf.if %cond3A_308 {
        %ge3A = arith.constant 2 : i32
        %ge3A_352 = arith.cmpi sge, %scan3A_232, %ge3A : i32
        %convert_element_type3A_353 = arith.extui %ge3A_352 : i1 to i32
        %cond3A_354 = arith.constant 0 : i32
        %cond3A_355 = arith.cmpi ne, %convert_element_type3A_353, %cond3A_354 : i32
        scf.if %cond3A_355 {
          %sub3A_386 = arith.constant 2 : i32
          %sub3A_387 = arith.subi %scan3A_232, %sub3A_386 : i32
          %dma_wait3A_388 = arith.constant 1 : i32
          %dma_wait3A_389 = arith.constant 0 : i32
          %dma_wait3A_390 = arith.constant 0 : i32
          %dma_wait3A_391 = tpu.memref_slice %arg8[%dma_wait3A_388, %dma_wait3A_389, %dma_wait3A_390] : memref<6x128x64xf32, #tpu.memory_space<vmem>> -> memref<1x128x64xf32, #tpu.memory_space<vmem>>
          %dma_wait3A_392 = tpu.memref_squeeze %dma_wait3A_391 : memref<1x128x64xf32, #tpu.memory_space<vmem>> -> memref<128x64xf32, #tpu.memory_space<vmem>>
          %dma_wait3A_393 = arith.constant 0 : i32
          %dma_wait3A_394 = tpu.memref_slice %arg7[%sub3A_387, %dma_wait3A_393] : memref<160x128xi32, #tpu.memory_space<vmem>> -> memref<1x128xi32, #tpu.memory_space<vmem>>
          %dma_wait3A_395 = tpu.memref_squeeze %dma_wait3A_394 : memref<1x128xi32, #tpu.memory_space<vmem>> -> memref<128xi32, #tpu.memory_space<vmem>>
          %dma_wait3A_396 = arith.constant 0 : i32
          %dma_wait3A_397 = arith.constant 0 : i32
          %dma_wait3A_398 = tpu.memref_slice %arg9[%dma_wait3A_396, %dma_wait3A_397] : memref<10240x64xf32, #tpu.memory_space<vmem_shared>> -> memref<10240x64xf32, #tpu.memory_space<vmem_shared>>
          tpu.wait_indirect_dma semaphore(%arg17 : memref<!tpu.dma_semaphore, #tpu.memory_space<semaphore_mem>>) src(%dma_wait3A_392 : memref<128x64xf32, #tpu.memory_space<vmem>>) dst(%dma_wait3A_398 : memref<10240x64xf32, #tpu.memory_space<vmem_shared>>)
        } else {
        }
        %add3A_356 = arith.constant 6 : i32
        %add3A_357 = arith.addi %scan3A_232, %add3A_356 : i32
        %sub3A = arith.constant 2 : i32
        %sub3A_358 = arith.subi %add3A_357, %sub3A : i32
        %lt3A_359 = arith.constant 160 : i32
        %lt3A_360 = arith.cmpi slt, %sub3A_358, %lt3A_359 : i32
        %convert_element_type3A_361 = arith.extui %lt3A_360 : i1 to i32
        %cond3A_362 = arith.constant 0 : i32
        %cond3A_363 = arith.cmpi ne, %convert_element_type3A_361, %cond3A_362 : i32
        scf.if %cond3A_363 {
          %add3A_386 = arith.constant 6 : i32
          %add3A_387 = arith.addi %scan3A_232, %add3A_386 : i32
          %sub3A_388 = arith.constant 2 : i32
          %sub3A_389 = arith.subi %add3A_387, %sub3A_388 : i32
          %dma_start3A_390 = arith.constant 1 : i32
          %dma_start3A_391 = arith.constant 0 : i32
          %dma_start3A_392 = arith.constant 0 : i32
          %dma_start3A_393 = tpu.memref_slice %arg8[%dma_start3A_390, %dma_start3A_391, %dma_start3A_392] : memref<6x128x64xf32, #tpu.memory_space<vmem>> -> memref<1x128x64xf32, #tpu.memory_space<vmem>>
          %dma_start3A_394 = tpu.memref_squeeze %dma_start3A_393 : memref<1x128x64xf32, #tpu.memory_space<vmem>> -> memref<128x64xf32, #tpu.memory_space<vmem>>
          %dma_start3A_395 = arith.constant 0 : i32
          %dma_start3A_396 = tpu.memref_slice %arg6[%sub3A_389, %dma_start3A_395] : memref<160x128xi32, #tpu.memory_space<vmem>> -> memref<1x128xi32, #tpu.memory_space<vmem>>
          %dma_start3A_397 = tpu.memref_squeeze %dma_start3A_396 : memref<1x128xi32, #tpu.memory_space<vmem>> -> memref<128xi32, #tpu.memory_space<vmem>>
          %dma_start3A_398 = arith.constant 0 : i32
          %dma_start3A_399 = arith.constant 0 : i32
          %dma_start3A_400 = tpu.memref_slice %arg2[%dma_start3A_398, %dma_start3A_399] : memref<20000x64xf32, #tpu.memory_space<hbm>> -> memref<20000x64xf32, #tpu.memory_space<hbm>>
          tpu.enqueue_indirect_dma source(%dma_start3A_400 : memref<20000x64xf32, #tpu.memory_space<hbm>>) target(%dma_start3A_394 : memref<128x64xf32, #tpu.memory_space<vmem>>) offsets(%dma_start3A_397 : memref<128xi32, #tpu.memory_space<vmem>>) semaphore(%arg11 : memref<!tpu.dma_semaphore, #tpu.memory_space<semaphore_mem>>)
        } else {
        }
        %dma_wait3A_364 = arith.constant 3 : i32
        %dma_wait3A_365 = arith.constant 0 : i32
        %dma_wait3A_366 = arith.constant 0 : i32
        %dma_wait3A_367 = tpu.memref_slice %arg8[%dma_wait3A_364, %dma_wait3A_365, %dma_wait3A_366] : memref<6x128x64xf32, #tpu.memory_space<vmem>> -> memref<1x128x64xf32, #tpu.memory_space<vmem>>
        %dma_wait3A_368 = tpu.memref_squeeze %dma_wait3A_367 : memref<1x128x64xf32, #tpu.memory_space<vmem>> -> memref<128x64xf32, #tpu.memory_space<vmem>>
        %dma_wait3A_369 = arith.constant 0 : i32
        %dma_wait3A_370 = tpu.memref_slice %arg6[%scan3A_232, %dma_wait3A_369] : memref<160x128xi32, #tpu.memory_space<vmem>> -> memref<1x128xi32, #tpu.memory_space<vmem>>
        %dma_wait3A_371 = tpu.memref_squeeze %dma_wait3A_370 : memref<1x128xi32, #tpu.memory_space<vmem>> -> memref<128xi32, #tpu.memory_space<vmem>>
        %dma_wait3A_372 = arith.constant 0 : i32
        %dma_wait3A_373 = arith.constant 0 : i32
        %dma_wait3A_374 = tpu.memref_slice %arg2[%dma_wait3A_372, %dma_wait3A_373] : memref<20000x64xf32, #tpu.memory_space<hbm>> -> memref<20000x64xf32, #tpu.memory_space<hbm>>
        tpu.wait_indirect_dma semaphore(%arg13 : memref<!tpu.dma_semaphore, #tpu.memory_space<semaphore_mem>>) src(%dma_wait3A_374 : memref<20000x64xf32, #tpu.memory_space<hbm>>) dst(%dma_wait3A_368 : memref<128x64xf32, #tpu.memory_space<vmem>>)
        %dma_start3A_375 = arith.constant 3 : i32
        %dma_start3A_376 = arith.constant 0 : i32
        %dma_start3A_377 = arith.constant 0 : i32
        %dma_start3A_378 = tpu.memref_slice %arg8[%dma_start3A_375, %dma_start3A_376, %dma_start3A_377] : memref<6x128x64xf32, #tpu.memory_space<vmem>> -> memref<1x128x64xf32, #tpu.memory_space<vmem>>
        %dma_start3A_379 = tpu.memref_squeeze %dma_start3A_378 : memref<1x128x64xf32, #tpu.memory_space<vmem>> -> memref<128x64xf32, #tpu.memory_space<vmem>>
        %dma_start3A_380 = arith.constant 0 : i32
        %dma_start3A_381 = tpu.memref_slice %arg7[%scan3A_232, %dma_start3A_380] : memref<160x128xi32, #tpu.memory_space<vmem>> -> memref<1x128xi32, #tpu.memory_space<vmem>>
        %dma_start3A_382 = tpu.memref_squeeze %dma_start3A_381 : memref<1x128xi32, #tpu.memory_space<vmem>> -> memref<128xi32, #tpu.memory_space<vmem>>
        %dma_start3A_383 = arith.constant 0 : i32
        %dma_start3A_384 = arith.constant 0 : i32
        %dma_start3A_385 = tpu.memref_slice %arg9[%dma_start3A_383, %dma_start3A_384] : memref<10240x64xf32, #tpu.memory_space<vmem_shared>> -> memref<10240x64xf32, #tpu.memory_space<vmem_shared>>
        tpu.enqueue_indirect_dma source(%dma_start3A_379 : memref<128x64xf32, #tpu.memory_space<vmem>>) target(%dma_start3A_385 : memref<10240x64xf32, #tpu.memory_space<vmem_shared>>) offsets(%dma_start3A_382 : memref<128xi32, #tpu.memory_space<vmem>>) semaphore(%arg17 : memref<!tpu.dma_semaphore, #tpu.memory_space<semaphore_mem>>) {add = true}
      } else {
      }
      %jit3A_309 = arith.constant 6 : i32
      %eq3A_310 = arith.constant 0 : i32
      %eq3A_311 = arith.cmpi eq, %jit3A_309, %eq3A_310 : i32
      %jit3A_312 = arith.constant 1 : i32
      %select_n3A_313 = arith.select %eq3A_311, %jit3A_312, %jit3A_309 : i32
      %rem3A_314 = arith.remsi %scan3A_232, %select_n3A_313 : i32
      %ne3A_315 = arith.constant 0 : i32
      %ne3A_316 = arith.cmpi ne, %rem3A_314, %ne3A_315 : i32
      %lt3A_317 = arith.constant 0 : i32
      %lt3A_318 = arith.cmpi slt, %rem3A_314, %lt3A_317 : i32
      %lt3A_319 = arith.constant 0 : i32
      %lt3A_320 = arith.cmpi slt, %select_n3A_313, %lt3A_319 : i32
      %ne3A_321 = arith.xori %lt3A_318, %lt3A_320 : i1
      %and3A_322 = arith.andi %ne3A_321, %ne3A_316 : i1
      %add3A_323 = arith.addi %rem3A_314, %select_n3A_313 : i32
      %select_n3A_324 = arith.select %and3A_322, %add3A_323, %rem3A_314 : i32
      %eq3A_325 = arith.constant 4 : i32
      %eq3A_326 = arith.cmpi eq, %select_n3A_324, %eq3A_325 : i32
      %convert_element_type3A_327 = arith.extui %eq3A_326 : i1 to i32
      %cond3A_328 = arith.constant 0 : i32
      %cond3A_329 = arith.cmpi ne, %convert_element_type3A_327, %cond3A_328 : i32
      scf.if %cond3A_329 {
        %ge3A = arith.constant 2 : i32
        %ge3A_352 = arith.cmpi sge, %scan3A_232, %ge3A : i32
        %convert_element_type3A_353 = arith.extui %ge3A_352 : i1 to i32
        %cond3A_354 = arith.constant 0 : i32
        %cond3A_355 = arith.cmpi ne, %convert_element_type3A_353, %cond3A_354 : i32
        scf.if %cond3A_355 {
          %sub3A_386 = arith.constant 2 : i32
          %sub3A_387 = arith.subi %scan3A_232, %sub3A_386 : i32
          %dma_wait3A_388 = arith.constant 2 : i32
          %dma_wait3A_389 = arith.constant 0 : i32
          %dma_wait3A_390 = arith.constant 0 : i32
          %dma_wait3A_391 = tpu.memref_slice %arg8[%dma_wait3A_388, %dma_wait3A_389, %dma_wait3A_390] : memref<6x128x64xf32, #tpu.memory_space<vmem>> -> memref<1x128x64xf32, #tpu.memory_space<vmem>>
          %dma_wait3A_392 = tpu.memref_squeeze %dma_wait3A_391 : memref<1x128x64xf32, #tpu.memory_space<vmem>> -> memref<128x64xf32, #tpu.memory_space<vmem>>
          %dma_wait3A_393 = arith.constant 0 : i32
          %dma_wait3A_394 = tpu.memref_slice %arg7[%sub3A_387, %dma_wait3A_393] : memref<160x128xi32, #tpu.memory_space<vmem>> -> memref<1x128xi32, #tpu.memory_space<vmem>>
          %dma_wait3A_395 = tpu.memref_squeeze %dma_wait3A_394 : memref<1x128xi32, #tpu.memory_space<vmem>> -> memref<128xi32, #tpu.memory_space<vmem>>
          %dma_wait3A_396 = arith.constant 0 : i32
          %dma_wait3A_397 = arith.constant 0 : i32
          %dma_wait3A_398 = tpu.memref_slice %arg9[%dma_wait3A_396, %dma_wait3A_397] : memref<10240x64xf32, #tpu.memory_space<vmem_shared>> -> memref<10240x64xf32, #tpu.memory_space<vmem_shared>>
          tpu.wait_indirect_dma semaphore(%arg16 : memref<!tpu.dma_semaphore, #tpu.memory_space<semaphore_mem>>) src(%dma_wait3A_392 : memref<128x64xf32, #tpu.memory_space<vmem>>) dst(%dma_wait3A_398 : memref<10240x64xf32, #tpu.memory_space<vmem_shared>>)
        } else {
        }
        %add3A_356 = arith.constant 6 : i32
        %add3A_357 = arith.addi %scan3A_232, %add3A_356 : i32
        %sub3A = arith.constant 2 : i32
        %sub3A_358 = arith.subi %add3A_357, %sub3A : i32
        %lt3A_359 = arith.constant 160 : i32
        %lt3A_360 = arith.cmpi slt, %sub3A_358, %lt3A_359 : i32
        %convert_element_type3A_361 = arith.extui %lt3A_360 : i1 to i32
        %cond3A_362 = arith.constant 0 : i32
        %cond3A_363 = arith.cmpi ne, %convert_element_type3A_361, %cond3A_362 : i32
        scf.if %cond3A_363 {
          %add3A_386 = arith.constant 6 : i32
          %add3A_387 = arith.addi %scan3A_232, %add3A_386 : i32
          %sub3A_388 = arith.constant 2 : i32
          %sub3A_389 = arith.subi %add3A_387, %sub3A_388 : i32
          %dma_start3A_390 = arith.constant 2 : i32
          %dma_start3A_391 = arith.constant 0 : i32
          %dma_start3A_392 = arith.constant 0 : i32
          %dma_start3A_393 = tpu.memref_slice %arg8[%dma_start3A_390, %dma_start3A_391, %dma_start3A_392] : memref<6x128x64xf32, #tpu.memory_space<vmem>> -> memref<1x128x64xf32, #tpu.memory_space<vmem>>
          %dma_start3A_394 = tpu.memref_squeeze %dma_start3A_393 : memref<1x128x64xf32, #tpu.memory_space<vmem>> -> memref<128x64xf32, #tpu.memory_space<vmem>>
          %dma_start3A_395 = arith.constant 0 : i32
          %dma_start3A_396 = tpu.memref_slice %arg6[%sub3A_389, %dma_start3A_395] : memref<160x128xi32, #tpu.memory_space<vmem>> -> memref<1x128xi32, #tpu.memory_space<vmem>>
          %dma_start3A_397 = tpu.memref_squeeze %dma_start3A_396 : memref<1x128xi32, #tpu.memory_space<vmem>> -> memref<128xi32, #tpu.memory_space<vmem>>
          %dma_start3A_398 = arith.constant 0 : i32
          %dma_start3A_399 = arith.constant 0 : i32
          %dma_start3A_400 = tpu.memref_slice %arg2[%dma_start3A_398, %dma_start3A_399] : memref<20000x64xf32, #tpu.memory_space<hbm>> -> memref<20000x64xf32, #tpu.memory_space<hbm>>
          tpu.enqueue_indirect_dma source(%dma_start3A_400 : memref<20000x64xf32, #tpu.memory_space<hbm>>) target(%dma_start3A_394 : memref<128x64xf32, #tpu.memory_space<vmem>>) offsets(%dma_start3A_397 : memref<128xi32, #tpu.memory_space<vmem>>) semaphore(%arg12 : memref<!tpu.dma_semaphore, #tpu.memory_space<semaphore_mem>>)
        } else {
        }
        %dma_wait3A_364 = arith.constant 4 : i32
        %dma_wait3A_365 = arith.constant 0 : i32
        %dma_wait3A_366 = arith.constant 0 : i32
        %dma_wait3A_367 = tpu.memref_slice %arg8[%dma_wait3A_364, %dma_wait3A_365, %dma_wait3A_366] : memref<6x128x64xf32, #tpu.memory_space<vmem>> -> memref<1x128x64xf32, #tpu.memory_space<vmem>>
        %dma_wait3A_368 = tpu.memref_squeeze %dma_wait3A_367 : memref<1x128x64xf32, #tpu.memory_space<vmem>> -> memref<128x64xf32, #tpu.memory_space<vmem>>
        %dma_wait3A_369 = arith.constant 0 : i32
        %dma_wait3A_370 = tpu.memref_slice %arg6[%scan3A_232, %dma_wait3A_369] : memref<160x128xi32, #tpu.memory_space<vmem>> -> memref<1x128xi32, #tpu.memory_space<vmem>>
        %dma_wait3A_371 = tpu.memref_squeeze %dma_wait3A_370 : memref<1x128xi32, #tpu.memory_space<vmem>> -> memref<128xi32, #tpu.memory_space<vmem>>
        %dma_wait3A_372 = arith.constant 0 : i32
        %dma_wait3A_373 = arith.constant 0 : i32
        %dma_wait3A_374 = tpu.memref_slice %arg2[%dma_wait3A_372, %dma_wait3A_373] : memref<20000x64xf32, #tpu.memory_space<hbm>> -> memref<20000x64xf32, #tpu.memory_space<hbm>>
        tpu.wait_indirect_dma semaphore(%arg14 : memref<!tpu.dma_semaphore, #tpu.memory_space<semaphore_mem>>) src(%dma_wait3A_374 : memref<20000x64xf32, #tpu.memory_space<hbm>>) dst(%dma_wait3A_368 : memref<128x64xf32, #tpu.memory_space<vmem>>)
        %dma_start3A_375 = arith.constant 4 : i32
        %dma_start3A_376 = arith.constant 0 : i32
        %dma_start3A_377 = arith.constant 0 : i32
        %dma_start3A_378 = tpu.memref_slice %arg8[%dma_start3A_375, %dma_start3A_376, %dma_start3A_377] : memref<6x128x64xf32, #tpu.memory_space<vmem>> -> memref<1x128x64xf32, #tpu.memory_space<vmem>>
        %dma_start3A_379 = tpu.memref_squeeze %dma_start3A_378 : memref<1x128x64xf32, #tpu.memory_space<vmem>> -> memref<128x64xf32, #tpu.memory_space<vmem>>
        %dma_start3A_380 = arith.constant 0 : i32
        %dma_start3A_381 = tpu.memref_slice %arg7[%scan3A_232, %dma_start3A_380] : memref<160x128xi32, #tpu.memory_space<vmem>> -> memref<1x128xi32, #tpu.memory_space<vmem>>
        %dma_start3A_382 = tpu.memref_squeeze %dma_start3A_381 : memref<1x128xi32, #tpu.memory_space<vmem>> -> memref<128xi32, #tpu.memory_space<vmem>>
        %dma_start3A_383 = arith.constant 0 : i32
        %dma_start3A_384 = arith.constant 0 : i32
        %dma_start3A_385 = tpu.memref_slice %arg9[%dma_start3A_383, %dma_start3A_384] : memref<10240x64xf32, #tpu.memory_space<vmem_shared>> -> memref<10240x64xf32, #tpu.memory_space<vmem_shared>>
        tpu.enqueue_indirect_dma source(%dma_start3A_379 : memref<128x64xf32, #tpu.memory_space<vmem>>) target(%dma_start3A_385 : memref<10240x64xf32, #tpu.memory_space<vmem_shared>>) offsets(%dma_start3A_382 : memref<128xi32, #tpu.memory_space<vmem>>) semaphore(%arg16 : memref<!tpu.dma_semaphore, #tpu.memory_space<semaphore_mem>>) {add = true}
      } else {
      }
      %jit3A_330 = arith.constant 6 : i32
      %eq3A_331 = arith.constant 0 : i32
      %eq3A_332 = arith.cmpi eq, %jit3A_330, %eq3A_331 : i32
      %jit3A_333 = arith.constant 1 : i32
      %select_n3A_334 = arith.select %eq3A_332, %jit3A_333, %jit3A_330 : i32
      %rem3A_335 = arith.remsi %scan3A_232, %select_n3A_334 : i32
      %ne3A_336 = arith.constant 0 : i32
      %ne3A_337 = arith.cmpi ne, %rem3A_335, %ne3A_336 : i32
      %lt3A_338 = arith.constant 0 : i32
      %lt3A_339 = arith.cmpi slt, %rem3A_335, %lt3A_338 : i32
      %lt3A_340 = arith.constant 0 : i32
      %lt3A_341 = arith.cmpi slt, %select_n3A_334, %lt3A_340 : i32
      %ne3A_342 = arith.xori %lt3A_339, %lt3A_341 : i1
      %and3A_343 = arith.andi %ne3A_342, %ne3A_337 : i1
      %add3A_344 = arith.addi %rem3A_335, %select_n3A_334 : i32
      %select_n3A_345 = arith.select %and3A_343, %add3A_344, %rem3A_335 : i32
      %eq3A_346 = arith.constant 5 : i32
      %eq3A_347 = arith.cmpi eq, %select_n3A_345, %eq3A_346 : i32
      %convert_element_type3A_348 = arith.extui %eq3A_347 : i1 to i32
      %cond3A_349 = arith.constant 0 : i32
      %cond3A_350 = arith.cmpi ne, %convert_element_type3A_348, %cond3A_349 : i32
      scf.if %cond3A_350 {
        %ge3A = arith.constant 2 : i32
        %ge3A_352 = arith.cmpi sge, %scan3A_232, %ge3A : i32
        %convert_element_type3A_353 = arith.extui %ge3A_352 : i1 to i32
        %cond3A_354 = arith.constant 0 : i32
        %cond3A_355 = arith.cmpi ne, %convert_element_type3A_353, %cond3A_354 : i32
        scf.if %cond3A_355 {
          %sub3A_386 = arith.constant 2 : i32
          %sub3A_387 = arith.subi %scan3A_232, %sub3A_386 : i32
          %dma_wait3A_388 = arith.constant 3 : i32
          %dma_wait3A_389 = arith.constant 0 : i32
          %dma_wait3A_390 = arith.constant 0 : i32
          %dma_wait3A_391 = tpu.memref_slice %arg8[%dma_wait3A_388, %dma_wait3A_389, %dma_wait3A_390] : memref<6x128x64xf32, #tpu.memory_space<vmem>> -> memref<1x128x64xf32, #tpu.memory_space<vmem>>
          %dma_wait3A_392 = tpu.memref_squeeze %dma_wait3A_391 : memref<1x128x64xf32, #tpu.memory_space<vmem>> -> memref<128x64xf32, #tpu.memory_space<vmem>>
          %dma_wait3A_393 = arith.constant 0 : i32
          %dma_wait3A_394 = tpu.memref_slice %arg7[%sub3A_387, %dma_wait3A_393] : memref<160x128xi32, #tpu.memory_space<vmem>> -> memref<1x128xi32, #tpu.memory_space<vmem>>
          %dma_wait3A_395 = tpu.memref_squeeze %dma_wait3A_394 : memref<1x128xi32, #tpu.memory_space<vmem>> -> memref<128xi32, #tpu.memory_space<vmem>>
          %dma_wait3A_396 = arith.constant 0 : i32
          %dma_wait3A_397 = arith.constant 0 : i32
          %dma_wait3A_398 = tpu.memref_slice %arg9[%dma_wait3A_396, %dma_wait3A_397] : memref<10240x64xf32, #tpu.memory_space<vmem_shared>> -> memref<10240x64xf32, #tpu.memory_space<vmem_shared>>
          tpu.wait_indirect_dma semaphore(%arg17 : memref<!tpu.dma_semaphore, #tpu.memory_space<semaphore_mem>>) src(%dma_wait3A_392 : memref<128x64xf32, #tpu.memory_space<vmem>>) dst(%dma_wait3A_398 : memref<10240x64xf32, #tpu.memory_space<vmem_shared>>)
        } else {
        }
        %add3A_356 = arith.constant 6 : i32
        %add3A_357 = arith.addi %scan3A_232, %add3A_356 : i32
        %sub3A = arith.constant 2 : i32
        %sub3A_358 = arith.subi %add3A_357, %sub3A : i32
        %lt3A_359 = arith.constant 160 : i32
        %lt3A_360 = arith.cmpi slt, %sub3A_358, %lt3A_359 : i32
        %convert_element_type3A_361 = arith.extui %lt3A_360 : i1 to i32
        %cond3A_362 = arith.constant 0 : i32
        %cond3A_363 = arith.cmpi ne, %convert_element_type3A_361, %cond3A_362 : i32
        scf.if %cond3A_363 {
          %add3A_386 = arith.constant 6 : i32
          %add3A_387 = arith.addi %scan3A_232, %add3A_386 : i32
          %sub3A_388 = arith.constant 2 : i32
          %sub3A_389 = arith.subi %add3A_387, %sub3A_388 : i32
          %dma_start3A_390 = arith.constant 3 : i32
          %dma_start3A_391 = arith.constant 0 : i32
          %dma_start3A_392 = arith.constant 0 : i32
          %dma_start3A_393 = tpu.memref_slice %arg8[%dma_start3A_390, %dma_start3A_391, %dma_start3A_392] : memref<6x128x64xf32, #tpu.memory_space<vmem>> -> memref<1x128x64xf32, #tpu.memory_space<vmem>>
          %dma_start3A_394 = tpu.memref_squeeze %dma_start3A_393 : memref<1x128x64xf32, #tpu.memory_space<vmem>> -> memref<128x64xf32, #tpu.memory_space<vmem>>
          %dma_start3A_395 = arith.constant 0 : i32
          %dma_start3A_396 = tpu.memref_slice %arg6[%sub3A_389, %dma_start3A_395] : memref<160x128xi32, #tpu.memory_space<vmem>> -> memref<1x128xi32, #tpu.memory_space<vmem>>
          %dma_start3A_397 = tpu.memref_squeeze %dma_start3A_396 : memref<1x128xi32, #tpu.memory_space<vmem>> -> memref<128xi32, #tpu.memory_space<vmem>>
          %dma_start3A_398 = arith.constant 0 : i32
          %dma_start3A_399 = arith.constant 0 : i32
          %dma_start3A_400 = tpu.memref_slice %arg2[%dma_start3A_398, %dma_start3A_399] : memref<20000x64xf32, #tpu.memory_space<hbm>> -> memref<20000x64xf32, #tpu.memory_space<hbm>>
          tpu.enqueue_indirect_dma source(%dma_start3A_400 : memref<20000x64xf32, #tpu.memory_space<hbm>>) target(%dma_start3A_394 : memref<128x64xf32, #tpu.memory_space<vmem>>) offsets(%dma_start3A_397 : memref<128xi32, #tpu.memory_space<vmem>>) semaphore(%arg13 : memref<!tpu.dma_semaphore, #tpu.memory_space<semaphore_mem>>)
        } else {
        }
        %dma_wait3A_364 = arith.constant 5 : i32
        %dma_wait3A_365 = arith.constant 0 : i32
        %dma_wait3A_366 = arith.constant 0 : i32
        %dma_wait3A_367 = tpu.memref_slice %arg8[%dma_wait3A_364, %dma_wait3A_365, %dma_wait3A_366] : memref<6x128x64xf32, #tpu.memory_space<vmem>> -> memref<1x128x64xf32, #tpu.memory_space<vmem>>
        %dma_wait3A_368 = tpu.memref_squeeze %dma_wait3A_367 : memref<1x128x64xf32, #tpu.memory_space<vmem>> -> memref<128x64xf32, #tpu.memory_space<vmem>>
        %dma_wait3A_369 = arith.constant 0 : i32
        %dma_wait3A_370 = tpu.memref_slice %arg6[%scan3A_232, %dma_wait3A_369] : memref<160x128xi32, #tpu.memory_space<vmem>> -> memref<1x128xi32, #tpu.memory_space<vmem>>
        %dma_wait3A_371 = tpu.memref_squeeze %dma_wait3A_370 : memref<1x128xi32, #tpu.memory_space<vmem>> -> memref<128xi32, #tpu.memory_space<vmem>>
        %dma_wait3A_372 = arith.constant 0 : i32
        %dma_wait3A_373 = arith.constant 0 : i32
        %dma_wait3A_374 = tpu.memref_slice %arg2[%dma_wait3A_372, %dma_wait3A_373] : memref<20000x64xf32, #tpu.memory_space<hbm>> -> memref<20000x64xf32, #tpu.memory_space<hbm>>
        tpu.wait_indirect_dma semaphore(%arg15 : memref<!tpu.dma_semaphore, #tpu.memory_space<semaphore_mem>>) src(%dma_wait3A_374 : memref<20000x64xf32, #tpu.memory_space<hbm>>) dst(%dma_wait3A_368 : memref<128x64xf32, #tpu.memory_space<vmem>>)
        %dma_start3A_375 = arith.constant 5 : i32
        %dma_start3A_376 = arith.constant 0 : i32
        %dma_start3A_377 = arith.constant 0 : i32
        %dma_start3A_378 = tpu.memref_slice %arg8[%dma_start3A_375, %dma_start3A_376, %dma_start3A_377] : memref<6x128x64xf32, #tpu.memory_space<vmem>> -> memref<1x128x64xf32, #tpu.memory_space<vmem>>
        %dma_start3A_379 = tpu.memref_squeeze %dma_start3A_378 : memref<1x128x64xf32, #tpu.memory_space<vmem>> -> memref<128x64xf32, #tpu.memory_space<vmem>>
        %dma_start3A_380 = arith.constant 0 : i32
        %dma_start3A_381 = tpu.memref_slice %arg7[%scan3A_232, %dma_start3A_380] : memref<160x128xi32, #tpu.memory_space<vmem>> -> memref<1x128xi32, #tpu.memory_space<vmem>>
        %dma_start3A_382 = tpu.memref_squeeze %dma_start3A_381 : memref<1x128xi32, #tpu.memory_space<vmem>> -> memref<128xi32, #tpu.memory_space<vmem>>
        %dma_start3A_383 = arith.constant 0 : i32
        %dma_start3A_384 = arith.constant 0 : i32
        %dma_start3A_385 = tpu.memref_slice %arg9[%dma_start3A_383, %dma_start3A_384] : memref<10240x64xf32, #tpu.memory_space<vmem_shared>> -> memref<10240x64xf32, #tpu.memory_space<vmem_shared>>
        tpu.enqueue_indirect_dma source(%dma_start3A_379 : memref<128x64xf32, #tpu.memory_space<vmem>>) target(%dma_start3A_385 : memref<10240x64xf32, #tpu.memory_space<vmem_shared>>) offsets(%dma_start3A_382 : memref<128xi32, #tpu.memory_space<vmem>>) semaphore(%arg17 : memref<!tpu.dma_semaphore, #tpu.memory_space<semaphore_mem>>) {add = true}
      } else {
      }
      %scan3A_351 = arith.constant 0 : i32
      scf.yield %scan3A_351 : i32
    }
    %scan3A_206 = arith.constant 160 : i32
    %dma_wait3A_207 = arith.constant 2 : i32
    %dma_wait3A_208 = arith.constant 158 : i32
    %dma_wait3A_209 = arith.constant 0 : i32
    %dma_wait3A_210 = arith.constant 0 : i32
    %dma_wait3A_211 = tpu.memref_slice %arg8[%dma_wait3A_207, %dma_wait3A_209, %dma_wait3A_210] : memref<6x128x64xf32, #tpu.memory_space<vmem>> -> memref<1x128x64xf32, #tpu.memory_space<vmem>>
    %dma_wait3A_212 = tpu.memref_squeeze %dma_wait3A_211 : memref<1x128x64xf32, #tpu.memory_space<vmem>> -> memref<128x64xf32, #tpu.memory_space<vmem>>
    %dma_wait3A_213 = arith.constant 0 : i32
    %dma_wait3A_214 = tpu.memref_slice %arg7[%dma_wait3A_208, %dma_wait3A_213] : memref<160x128xi32, #tpu.memory_space<vmem>> -> memref<1x128xi32, #tpu.memory_space<vmem>>
    %dma_wait3A_215 = tpu.memref_squeeze %dma_wait3A_214 : memref<1x128xi32, #tpu.memory_space<vmem>> -> memref<128xi32, #tpu.memory_space<vmem>>
    %dma_wait3A_216 = arith.constant 0 : i32
    %dma_wait3A_217 = arith.constant 0 : i32
    %dma_wait3A_218 = tpu.memref_slice %arg9[%dma_wait3A_216, %dma_wait3A_217] : memref<10240x64xf32, #tpu.memory_space<vmem_shared>> -> memref<10240x64xf32, #tpu.memory_space<vmem_shared>>
    tpu.wait_indirect_dma semaphore(%arg16 : memref<!tpu.dma_semaphore, #tpu.memory_space<semaphore_mem>>) src(%dma_wait3A_212 : memref<128x64xf32, #tpu.memory_space<vmem>>) dst(%dma_wait3A_218 : memref<10240x64xf32, #tpu.memory_space<vmem_shared>>)
    %dma_wait3A_219 = arith.constant 3 : i32
    %dma_wait3A_220 = arith.constant 159 : i32
    %dma_wait3A_221 = arith.constant 0 : i32
    %dma_wait3A_222 = arith.constant 0 : i32
    %dma_wait3A_223 = tpu.memref_slice %arg8[%dma_wait3A_219, %dma_wait3A_221, %dma_wait3A_222] : memref<6x128x64xf32, #tpu.memory_space<vmem>> -> memref<1x128x64xf32, #tpu.memory_space<vmem>>
    %dma_wait3A_224 = tpu.memref_squeeze %dma_wait3A_223 : memref<1x128x64xf32, #tpu.memory_space<vmem>> -> memref<128x64xf32, #tpu.memory_space<vmem>>
    %dma_wait3A_225 = arith.constant 0 : i32
    %dma_wait3A_226 = tpu.memref_slice %arg7[%dma_wait3A_220, %dma_wait3A_225] : memref<160x128xi32, #tpu.memory_space<vmem>> -> memref<1x128xi32, #tpu.memory_space<vmem>>
    %dma_wait3A_227 = tpu.memref_squeeze %dma_wait3A_226 : memref<1x128xi32, #tpu.memory_space<vmem>> -> memref<128xi32, #tpu.memory_space<vmem>>
    %dma_wait3A_228 = arith.constant 0 : i32
    %dma_wait3A_229 = arith.constant 0 : i32
    %dma_wait3A_230 = tpu.memref_slice %arg9[%dma_wait3A_228, %dma_wait3A_229] : memref<10240x64xf32, #tpu.memory_space<vmem_shared>> -> memref<10240x64xf32, #tpu.memory_space<vmem_shared>>
    tpu.wait_indirect_dma semaphore(%arg17 : memref<!tpu.dma_semaphore, #tpu.memory_space<semaphore_mem>>) src(%dma_wait3A_224 : memref<128x64xf32, #tpu.memory_space<vmem>>) dst(%dma_wait3A_230 : memref<10240x64xf32, #tpu.memory_space<vmem_shared>>)
    %barrier3A_231 = arith.constant 0 : index
    tpu.barrier barrier_id(%barrier3A_231)
    "tpu.region"() ({
      %run_scoped3A = tpu.sem_alloc : memref<!tpu.dma_semaphore, #tpu.memory_space<semaphore_mem>>
      %dma_start3A_232 = arith.constant 0 : i32
      %dma_start3A_233 = tpu.memref_slice %arg5[%arg0, %mul3A_14, %dma_start3A_232] : memref<2x10240x64xf32, #tpu.memory_space<hbm>> -> memref<1x640x64xf32, #tpu.memory_space<hbm>>
      %dma_start3A_234 = tpu.memref_squeeze %dma_start3A_233 : memref<1x640x64xf32, #tpu.memory_space<hbm>> -> memref<640x64xf32, #tpu.memory_space<hbm>>
      %dma_start3A_235 = arith.constant 0 : i32
      %dma_start3A_236 = tpu.memref_slice %arg9[%mul3A_14, %dma_start3A_235] : memref<10240x64xf32, #tpu.memory_space<vmem_shared>> -> memref<640x64xf32, #tpu.memory_space<vmem_shared>>
      tpu.enqueue_dma source(%dma_start3A_236 : memref<640x64xf32, #tpu.memory_space<vmem_shared>>) target(%dma_start3A_234 : memref<640x64xf32, #tpu.memory_space<hbm>>) target_semaphore(%run_scoped3A : memref<!tpu.dma_semaphore, #tpu.memory_space<semaphore_mem>>)
      %dma_wait3A_237 = arith.constant 0 : i32
      %dma_wait3A_238 = tpu.memref_slice %arg5[%arg0, %mul3A_14, %dma_wait3A_237] : memref<2x10240x64xf32, #tpu.memory_space<hbm>> -> memref<1x640x64xf32, #tpu.memory_space<hbm>>
      %dma_wait3A_239 = tpu.memref_squeeze %dma_wait3A_238 : memref<1x640x64xf32, #tpu.memory_space<hbm>> -> memref<640x64xf32, #tpu.memory_space<hbm>>
      %dma_wait3A_240 = arith.constant 0 : i32
      %dma_wait3A_241 = tpu.memref_slice %arg9[%mul3A_14, %dma_wait3A_240] : memref<10240x64xf32, #tpu.memory_space<vmem_shared>> -> memref<640x64xf32, #tpu.memory_space<vmem_shared>>
      tpu.wait_dma2 semaphore(%run_scoped3A : memref<!tpu.dma_semaphore, #tpu.memory_space<semaphore_mem>>) src(%dma_wait3A_241 : memref<640x64xf32, #tpu.memory_space<vmem_shared>>) dst(%dma_wait3A_239 : memref<640x64xf32, #tpu.memory_space<hbm>>)
      tpu.yield
    }) : () -> ()
    return
  }
}

#map = affine_map<(d0, d1) -> (0, 0)>
#map1 = affine_map<(d0, d1) -> (0, 0, 0, 0)>
#map2 = affine_map<(d0, d1) -> (0, 0, 0)>
module attributes {stable_mosaic.version = 14 : i64} {
  func.func @_agg_l2(%arg0: i32, %arg1: i32, %arg2: memref<10240x16xf32, #tpu.memory_space<hbm>>, %arg3: memref<2x16x80x128xi32, #tpu.memory_space<hbm>>, %arg4: memref<2x16x80x128xi32, #tpu.memory_space<hbm>>, %arg5: memref<2x10240x16xf32, #tpu.memory_space<hbm>>, %arg6: memref<80x128xi32, #tpu.memory_space<vmem>>, %arg7: memref<80x128xi32, #tpu.memory_space<vmem>>, %arg8: memref<8x128x16xf32, #tpu.memory_space<vmem>>, %arg9: memref<10240x16xf32, #tpu.memory_space<vmem_shared>>, %arg10: memref<!tpu.dma_semaphore, #tpu.memory_space<semaphore_mem>>, %arg11: memref<!tpu.dma_semaphore, #tpu.memory_space<semaphore_mem>>, %arg12: memref<!tpu.dma_semaphore, #tpu.memory_space<semaphore_mem>>, %arg13: memref<!tpu.dma_semaphore, #tpu.memory_space<semaphore_mem>>, %arg14: memref<!tpu.dma_semaphore, #tpu.memory_space<semaphore_mem>>, %arg15: memref<!tpu.dma_semaphore, #tpu.memory_space<semaphore_mem>>, %arg16: memref<!tpu.dma_semaphore, #tpu.memory_space<semaphore_mem>>, %arg17: memref<!tpu.dma_semaphore, #tpu.memory_space<semaphore_mem>>, %arg18: memref<!tpu.dma_semaphore, #tpu.memory_space<semaphore_mem>>, %arg19: memref<!tpu.dma_semaphore, #tpu.memory_space<semaphore_mem>>) attributes {dimension_semantics = [#tpu.dimension_semantics<core_parallel>, #tpu.dimension_semantics<subcore_parallel>], iteration_bounds = array<i64: 2, 16>, scalar_prefetch = 0 : i64, scratch_operands = 14 : i64, tpu.core_type = #tpu.core_type<sc_vector_subcore>, window_params = [{transform_indices = #map}, {transform_indices = #map1}, {transform_indices = #map1}, {transform_indices = #map2}]} {
    "tpu.region"() ({
      %run_scoped3A = tpu.sem_alloc : memref<!tpu.dma_semaphore, #tpu.memory_space<semaphore_mem>>
      %dma_start3A_249 = arith.constant 0 : i32
      %dma_start3A_250 = arith.constant 0 : i32
      %dma_start3A_251 = tpu.memref_slice %arg3[%arg0, %arg1, %dma_start3A_249, %dma_start3A_250] : memref<2x16x80x128xi32, #tpu.memory_space<hbm>> -> memref<1x1x80x128xi32, #tpu.memory_space<hbm>>
      %dma_start3A_252 = tpu.memref_squeeze %dma_start3A_251 : memref<1x1x80x128xi32, #tpu.memory_space<hbm>> -> memref<80x128xi32, #tpu.memory_space<hbm>>
      %dma_start3A_253 = arith.constant 0 : i32
      %dma_start3A_254 = arith.constant 0 : i32
      %dma_start3A_255 = tpu.memref_slice %arg3[%arg0, %arg1, %dma_start3A_253, %dma_start3A_254] : memref<2x16x80x128xi32, #tpu.memory_space<hbm>> -> memref<1x1x80x128xi32, #tpu.memory_space<hbm>>
      %dma_start3A_256 = tpu.memref_squeeze %dma_start3A_255 : memref<1x1x80x128xi32, #tpu.memory_space<hbm>> -> memref<80x128xi32, #tpu.memory_space<hbm>>
      tpu.enqueue_dma source(%dma_start3A_256 : memref<80x128xi32, #tpu.memory_space<hbm>>) target(%arg6 : memref<80x128xi32, #tpu.memory_space<vmem>>) target_semaphore(%run_scoped3A : memref<!tpu.dma_semaphore, #tpu.memory_space<semaphore_mem>>)
      %dma_wait3A_257 = arith.constant 0 : i32
      %dma_wait3A_258 = arith.constant 0 : i32
      %dma_wait3A_259 = tpu.memref_slice %arg3[%arg0, %arg1, %dma_wait3A_257, %dma_wait3A_258] : memref<2x16x80x128xi32, #tpu.memory_space<hbm>> -> memref<1x1x80x128xi32, #tpu.memory_space<hbm>>
      %dma_wait3A_260 = tpu.memref_squeeze %dma_wait3A_259 : memref<1x1x80x128xi32, #tpu.memory_space<hbm>> -> memref<80x128xi32, #tpu.memory_space<hbm>>
      %dma_wait3A_261 = arith.constant 0 : i32
      %dma_wait3A_262 = arith.constant 0 : i32
      %dma_wait3A_263 = tpu.memref_slice %arg3[%arg0, %arg1, %dma_wait3A_261, %dma_wait3A_262] : memref<2x16x80x128xi32, #tpu.memory_space<hbm>> -> memref<1x1x80x128xi32, #tpu.memory_space<hbm>>
      %dma_wait3A_264 = tpu.memref_squeeze %dma_wait3A_263 : memref<1x1x80x128xi32, #tpu.memory_space<hbm>> -> memref<80x128xi32, #tpu.memory_space<hbm>>
      tpu.wait_dma2 semaphore(%run_scoped3A : memref<!tpu.dma_semaphore, #tpu.memory_space<semaphore_mem>>) src(%dma_wait3A_264 : memref<80x128xi32, #tpu.memory_space<hbm>>) dst(%arg6 : memref<80x128xi32, #tpu.memory_space<vmem>>)
      tpu.yield
    }) : () -> ()
    "tpu.region"() ({
      %run_scoped3A = tpu.sem_alloc : memref<!tpu.dma_semaphore, #tpu.memory_space<semaphore_mem>>
      %dma_start3A_249 = arith.constant 0 : i32
      %dma_start3A_250 = arith.constant 0 : i32
      %dma_start3A_251 = tpu.memref_slice %arg4[%arg0, %arg1, %dma_start3A_249, %dma_start3A_250] : memref<2x16x80x128xi32, #tpu.memory_space<hbm>> -> memref<1x1x80x128xi32, #tpu.memory_space<hbm>>
      %dma_start3A_252 = tpu.memref_squeeze %dma_start3A_251 : memref<1x1x80x128xi32, #tpu.memory_space<hbm>> -> memref<80x128xi32, #tpu.memory_space<hbm>>
      %dma_start3A_253 = arith.constant 0 : i32
      %dma_start3A_254 = arith.constant 0 : i32
      %dma_start3A_255 = tpu.memref_slice %arg4[%arg0, %arg1, %dma_start3A_253, %dma_start3A_254] : memref<2x16x80x128xi32, #tpu.memory_space<hbm>> -> memref<1x1x80x128xi32, #tpu.memory_space<hbm>>
      %dma_start3A_256 = tpu.memref_squeeze %dma_start3A_255 : memref<1x1x80x128xi32, #tpu.memory_space<hbm>> -> memref<80x128xi32, #tpu.memory_space<hbm>>
      tpu.enqueue_dma source(%dma_start3A_256 : memref<80x128xi32, #tpu.memory_space<hbm>>) target(%arg7 : memref<80x128xi32, #tpu.memory_space<vmem>>) target_semaphore(%run_scoped3A : memref<!tpu.dma_semaphore, #tpu.memory_space<semaphore_mem>>)
      %dma_wait3A_257 = arith.constant 0 : i32
      %dma_wait3A_258 = arith.constant 0 : i32
      %dma_wait3A_259 = tpu.memref_slice %arg4[%arg0, %arg1, %dma_wait3A_257, %dma_wait3A_258] : memref<2x16x80x128xi32, #tpu.memory_space<hbm>> -> memref<1x1x80x128xi32, #tpu.memory_space<hbm>>
      %dma_wait3A_260 = tpu.memref_squeeze %dma_wait3A_259 : memref<1x1x80x128xi32, #tpu.memory_space<hbm>> -> memref<80x128xi32, #tpu.memory_space<hbm>>
      %dma_wait3A_261 = arith.constant 0 : i32
      %dma_wait3A_262 = arith.constant 0 : i32
      %dma_wait3A_263 = tpu.memref_slice %arg4[%arg0, %arg1, %dma_wait3A_261, %dma_wait3A_262] : memref<2x16x80x128xi32, #tpu.memory_space<hbm>> -> memref<1x1x80x128xi32, #tpu.memory_space<hbm>>
      %dma_wait3A_264 = tpu.memref_squeeze %dma_wait3A_263 : memref<1x1x80x128xi32, #tpu.memory_space<hbm>> -> memref<80x128xi32, #tpu.memory_space<hbm>>
      tpu.wait_dma2 semaphore(%run_scoped3A : memref<!tpu.dma_semaphore, #tpu.memory_space<semaphore_mem>>) src(%dma_wait3A_264 : memref<80x128xi32, #tpu.memory_space<hbm>>) dst(%arg7 : memref<80x128xi32, #tpu.memory_space<vmem>>)
      tpu.yield
    }) : () -> ()
    %scan3A = arith.constant 0 : i32
    %scan3A_0 = arith.constant 0 : i32
    %scan3A_1 = arith.constant 0 : i32
    %scan3A_2 = arith.constant 128 : i32
    %scan3A_3 = arith.addi %scan3A_1, %scan3A_2 : i32
    %scan3A_4 = arith.constant 1 : i32
    %scan3A_5 = scf.for %scan3A_249 = %scan3A_1 to %scan3A_3 step %scan3A_4 iter_args(%scan3A_250 = %scan3A_0) -> (i32)  : i32 {
      %broadcast_in_dim3A = arith.constant 0.000000e+00 : f32
      %broadcast_in_dim3A_251 = vector.broadcast %broadcast_in_dim3A : f32 to vector<16xf32>
      %swap3A = arith.constant 0 : i32
      %swap3A_252 = arith.constant 0 : i32
      %swap3A_253 = tpu.memref_slice %arg8[%scan3A, %swap3A, %swap3A_252] : memref<8x128x16xf32, #tpu.memory_space<vmem>> -> memref<1x128x16xf32, #tpu.memory_space<vmem>>
      %swap3A_254 = tpu.memref_squeeze %swap3A_253 : memref<1x128x16xf32, #tpu.memory_space<vmem>> -> memref<128x16xf32, #tpu.memory_space<vmem>>
      %swap3A_255 = arith.index_cast %scan3A_249 : i32 to index
      %swap3A_256 = arith.constant 0 : index
      %swap3A_257 = tpu.vector_load %swap3A_254[%swap3A_255, %swap3A_256] {strides = array<i32>} : memref<128x16xf32, #tpu.memory_space<vmem>>, vector<1x16xf32>,
      %swap3A_258 = vector.shape_cast %swap3A_257 : vector<1x16xf32> to vector<16xf32>
      %swap3A_259 = vector.shape_cast %broadcast_in_dim3A_251 : vector<16xf32> to vector<1x16xf32>
      tpu.vector_store %swap3A_254[%swap3A_255, %swap3A_256], %swap3A_259 {strides = array<i32>} : memref<128x16xf32, #tpu.memory_space<vmem>>, vector<1x16xf32>,
      %scan3A_260 = arith.constant 0 : i32
      scf.yield %scan3A_260 : i32
    }
    %scan3A_6 = arith.constant 128 : i32
    %mul3A = arith.constant 640 : i32
    %mul3A_7 = arith.muli %arg1, %mul3A : i32
    %add3A = arith.constant 0 : i32
    %add3A_8 = arith.addi %mul3A_7, %add3A : i32
    %dma_start3A = arith.constant 0 : i32
    %dma_start3A_9 = arith.constant 0 : i32
    %dma_start3A_10 = arith.constant 0 : i32
    %dma_start3A_11 = tpu.memref_slice %arg8[%dma_start3A, %dma_start3A_9, %dma_start3A_10] : memref<8x128x16xf32, #tpu.memory_space<vmem>> -> memref<1x128x16xf32, #tpu.memory_space<vmem>>
    %dma_start3A_12 = tpu.memref_squeeze %dma_start3A_11 : memref<1x128x16xf32, #tpu.memory_space<vmem>> -> memref<128x16xf32, #tpu.memory_space<vmem>>
    %dma_start3A_13 = arith.constant 0 : i32
    %dma_start3A_14 = tpu.memref_slice %arg9[%add3A_8, %dma_start3A_13] : memref<10240x16xf32, #tpu.memory_space<vmem_shared>> -> memref<128x16xf32, #tpu.memory_space<vmem_shared>>
    %dma_start3A_15 = arith.constant 0 : i32
    %dma_start3A_16 = tpu.memref_slice %arg9[%add3A_8, %dma_start3A_15] : memref<10240x16xf32, #tpu.memory_space<vmem_shared>> -> memref<128x16xf32, #tpu.memory_space<vmem_shared>>
    %dma_start3A_17 = arith.constant 0 : i32
    %dma_start3A_18 = arith.constant 0 : i32
    %dma_start3A_19 = tpu.memref_slice %arg8[%dma_start3A, %dma_start3A_17, %dma_start3A_18] : memref<8x128x16xf32, #tpu.memory_space<vmem>> -> memref<1x128x16xf32, #tpu.memory_space<vmem>>
    %dma_start3A_20 = tpu.memref_squeeze %dma_start3A_19 : memref<1x128x16xf32, #tpu.memory_space<vmem>> -> memref<128x16xf32, #tpu.memory_space<vmem>>
    tpu.enqueue_dma source(%dma_start3A_20 : memref<128x16xf32, #tpu.memory_space<vmem>>) target(%dma_start3A_16 : memref<128x16xf32, #tpu.memory_space<vmem_shared>>) target_semaphore(%arg18 : memref<!tpu.dma_semaphore, #tpu.memory_space<semaphore_mem>>)
    %add3A_21 = arith.constant 128 : i32
    %add3A_22 = arith.addi %mul3A_7, %add3A_21 : i32
    %dma_start3A_23 = arith.constant 0 : i32
    %dma_start3A_24 = arith.constant 0 : i32
    %dma_start3A_25 = arith.constant 0 : i32
    %dma_start3A_26 = tpu.memref_slice %arg8[%dma_start3A_23, %dma_start3A_24, %dma_start3A_25] : memref<8x128x16xf32, #tpu.memory_space<vmem>> -> memref<1x128x16xf32, #tpu.memory_space<vmem>>
    %dma_start3A_27 = tpu.memref_squeeze %dma_start3A_26 : memref<1x128x16xf32, #tpu.memory_space<vmem>> -> memref<128x16xf32, #tpu.memory_space<vmem>>
    %dma_start3A_28 = arith.constant 0 : i32
    %dma_start3A_29 = tpu.memref_slice %arg9[%add3A_22, %dma_start3A_28] : memref<10240x16xf32, #tpu.memory_space<vmem_shared>> -> memref<128x16xf32, #tpu.memory_space<vmem_shared>>
    %dma_start3A_30 = arith.constant 0 : i32
    %dma_start3A_31 = tpu.memref_slice %arg9[%add3A_22, %dma_start3A_30] : memref<10240x16xf32, #tpu.memory_space<vmem_shared>> -> memref<128x16xf32, #tpu.memory_space<vmem_shared>>
    %dma_start3A_32 = arith.constant 0 : i32
    %dma_start3A_33 = arith.constant 0 : i32
    %dma_start3A_34 = tpu.memref_slice %arg8[%dma_start3A_23, %dma_start3A_32, %dma_start3A_33] : memref<8x128x16xf32, #tpu.memory_space<vmem>> -> memref<1x128x16xf32, #tpu.memory_space<vmem>>
    %dma_start3A_35 = tpu.memref_squeeze %dma_start3A_34 : memref<1x128x16xf32, #tpu.memory_space<vmem>> -> memref<128x16xf32, #tpu.memory_space<vmem>>
    tpu.enqueue_dma source(%dma_start3A_35 : memref<128x16xf32, #tpu.memory_space<vmem>>) target(%dma_start3A_31 : memref<128x16xf32, #tpu.memory_space<vmem_shared>>) target_semaphore(%arg18 : memref<!tpu.dma_semaphore, #tpu.memory_space<semaphore_mem>>)
    %add3A_36 = arith.constant 256 : i32
    %add3A_37 = arith.addi %mul3A_7, %add3A_36 : i32
    %dma_start3A_38 = arith.constant 0 : i32
    %dma_start3A_39 = arith.constant 0 : i32
    %dma_start3A_40 = arith.constant 0 : i32
    %dma_start3A_41 = tpu.memref_slice %arg8[%dma_start3A_38, %dma_start3A_39, %dma_start3A_40] : memref<8x128x16xf32, #tpu.memory_space<vmem>> -> memref<1x128x16xf32, #tpu.memory_space<vmem>>
    %dma_start3A_42 = tpu.memref_squeeze %dma_start3A_41 : memref<1x128x16xf32, #tpu.memory_space<vmem>> -> memref<128x16xf32, #tpu.memory_space<vmem>>
    %dma_start3A_43 = arith.constant 0 : i32
    %dma_start3A_44 = tpu.memref_slice %arg9[%add3A_37, %dma_start3A_43] : memref<10240x16xf32, #tpu.memory_space<vmem_shared>> -> memref<128x16xf32, #tpu.memory_space<vmem_shared>>
    %dma_start3A_45 = arith.constant 0 : i32
    %dma_start3A_46 = tpu.memref_slice %arg9[%add3A_37, %dma_start3A_45] : memref<10240x16xf32, #tpu.memory_space<vmem_shared>> -> memref<128x16xf32, #tpu.memory_space<vmem_shared>>
    %dma_start3A_47 = arith.constant 0 : i32
    %dma_start3A_48 = arith.constant 0 : i32
    %dma_start3A_49 = tpu.memref_slice %arg8[%dma_start3A_38, %dma_start3A_47, %dma_start3A_48] : memref<8x128x16xf32, #tpu.memory_space<vmem>> -> memref<1x128x16xf32, #tpu.memory_space<vmem>>
    %dma_start3A_50 = tpu.memref_squeeze %dma_start3A_49 : memref<1x128x16xf32, #tpu.memory_space<vmem>> -> memref<128x16xf32, #tpu.memory_space<vmem>>
    tpu.enqueue_dma source(%dma_start3A_50 : memref<128x16xf32, #tpu.memory_space<vmem>>) target(%dma_start3A_46 : memref<128x16xf32, #tpu.memory_space<vmem_shared>>) target_semaphore(%arg18 : memref<!tpu.dma_semaphore, #tpu.memory_space<semaphore_mem>>)
    %add3A_51 = arith.constant 384 : i32
    %add3A_52 = arith.addi %mul3A_7, %add3A_51 : i32
    %dma_start3A_53 = arith.constant 0 : i32
    %dma_start3A_54 = arith.constant 0 : i32
    %dma_start3A_55 = arith.constant 0 : i32
    %dma_start3A_56 = tpu.memref_slice %arg8[%dma_start3A_53, %dma_start3A_54, %dma_start3A_55] : memref<8x128x16xf32, #tpu.memory_space<vmem>> -> memref<1x128x16xf32, #tpu.memory_space<vmem>>
    %dma_start3A_57 = tpu.memref_squeeze %dma_start3A_56 : memref<1x128x16xf32, #tpu.memory_space<vmem>> -> memref<128x16xf32, #tpu.memory_space<vmem>>
    %dma_start3A_58 = arith.constant 0 : i32
    %dma_start3A_59 = tpu.memref_slice %arg9[%add3A_52, %dma_start3A_58] : memref<10240x16xf32, #tpu.memory_space<vmem_shared>> -> memref<128x16xf32, #tpu.memory_space<vmem_shared>>
    %dma_start3A_60 = arith.constant 0 : i32
    %dma_start3A_61 = tpu.memref_slice %arg9[%add3A_52, %dma_start3A_60] : memref<10240x16xf32, #tpu.memory_space<vmem_shared>> -> memref<128x16xf32, #tpu.memory_space<vmem_shared>>
    %dma_start3A_62 = arith.constant 0 : i32
    %dma_start3A_63 = arith.constant 0 : i32
    %dma_start3A_64 = tpu.memref_slice %arg8[%dma_start3A_53, %dma_start3A_62, %dma_start3A_63] : memref<8x128x16xf32, #tpu.memory_space<vmem>> -> memref<1x128x16xf32, #tpu.memory_space<vmem>>
    %dma_start3A_65 = tpu.memref_squeeze %dma_start3A_64 : memref<1x128x16xf32, #tpu.memory_space<vmem>> -> memref<128x16xf32, #tpu.memory_space<vmem>>
    tpu.enqueue_dma source(%dma_start3A_65 : memref<128x16xf32, #tpu.memory_space<vmem>>) target(%dma_start3A_61 : memref<128x16xf32, #tpu.memory_space<vmem_shared>>) target_semaphore(%arg18 : memref<!tpu.dma_semaphore, #tpu.memory_space<semaphore_mem>>)
    %add3A_66 = arith.constant 512 : i32
    %add3A_67 = arith.addi %mul3A_7, %add3A_66 : i32
    %dma_start3A_68 = arith.constant 0 : i32
    %dma_start3A_69 = arith.constant 0 : i32
    %dma_start3A_70 = arith.constant 0 : i32
    %dma_start3A_71 = tpu.memref_slice %arg8[%dma_start3A_68, %dma_start3A_69, %dma_start3A_70] : memref<8x128x16xf32, #tpu.memory_space<vmem>> -> memref<1x128x16xf32, #tpu.memory_space<vmem>>
    %dma_start3A_72 = tpu.memref_squeeze %dma_start3A_71 : memref<1x128x16xf32, #tpu.memory_space<vmem>> -> memref<128x16xf32, #tpu.memory_space<vmem>>
    %dma_start3A_73 = arith.constant 0 : i32
    %dma_start3A_74 = tpu.memref_slice %arg9[%add3A_67, %dma_start3A_73] : memref<10240x16xf32, #tpu.memory_space<vmem_shared>> -> memref<128x16xf32, #tpu.memory_space<vmem_shared>>
    %dma_start3A_75 = arith.constant 0 : i32
    %dma_start3A_76 = tpu.memref_slice %arg9[%add3A_67, %dma_start3A_75] : memref<10240x16xf32, #tpu.memory_space<vmem_shared>> -> memref<128x16xf32, #tpu.memory_space<vmem_shared>>
    %dma_start3A_77 = arith.constant 0 : i32
    %dma_start3A_78 = arith.constant 0 : i32
    %dma_start3A_79 = tpu.memref_slice %arg8[%dma_start3A_68, %dma_start3A_77, %dma_start3A_78] : memref<8x128x16xf32, #tpu.memory_space<vmem>> -> memref<1x128x16xf32, #tpu.memory_space<vmem>>
    %dma_start3A_80 = tpu.memref_squeeze %dma_start3A_79 : memref<1x128x16xf32, #tpu.memory_space<vmem>> -> memref<128x16xf32, #tpu.memory_space<vmem>>
    tpu.enqueue_dma source(%dma_start3A_80 : memref<128x16xf32, #tpu.memory_space<vmem>>) target(%dma_start3A_76 : memref<128x16xf32, #tpu.memory_space<vmem_shared>>) target_semaphore(%arg18 : memref<!tpu.dma_semaphore, #tpu.memory_space<semaphore_mem>>)
    %dma_wait3A = arith.constant 0 : i32
    %dma_wait3A_81 = arith.constant 0 : i32
    %dma_wait3A_82 = arith.constant 0 : i32
    %dma_wait3A_83 = tpu.memref_slice %arg8[%dma_wait3A, %dma_wait3A_81, %dma_wait3A_82] : memref<8x128x16xf32, #tpu.memory_space<vmem>> -> memref<1x128x16xf32, #tpu.memory_space<vmem>>
    %dma_wait3A_84 = tpu.memref_squeeze %dma_wait3A_83 : memref<1x128x16xf32, #tpu.memory_space<vmem>> -> memref<128x16xf32, #tpu.memory_space<vmem>>
    %dma_wait3A_85 = arith.constant 0 : i32
    %dma_wait3A_86 = tpu.memref_slice %arg9[%mul3A_7, %dma_wait3A_85] : memref<10240x16xf32, #tpu.memory_space<vmem_shared>> -> memref<128x16xf32, #tpu.memory_space<vmem_shared>>
    %dma_wait3A_87 = arith.constant 0 : i32
    %dma_wait3A_88 = tpu.memref_slice %arg9[%mul3A_7, %dma_wait3A_87] : memref<10240x16xf32, #tpu.memory_space<vmem_shared>> -> memref<128x16xf32, #tpu.memory_space<vmem_shared>>
    %dma_wait3A_89 = arith.constant 0 : i32
    %dma_wait3A_90 = arith.constant 0 : i32
    %dma_wait3A_91 = tpu.memref_slice %arg8[%dma_wait3A, %dma_wait3A_89, %dma_wait3A_90] : memref<8x128x16xf32, #tpu.memory_space<vmem>> -> memref<1x128x16xf32, #tpu.memory_space<vmem>>
    %dma_wait3A_92 = tpu.memref_squeeze %dma_wait3A_91 : memref<1x128x16xf32, #tpu.memory_space<vmem>> -> memref<128x16xf32, #tpu.memory_space<vmem>>
    tpu.wait_dma2 semaphore(%arg18 : memref<!tpu.dma_semaphore, #tpu.memory_space<semaphore_mem>>) src(%dma_wait3A_92 : memref<128x16xf32, #tpu.memory_space<vmem>>) dst(%dma_wait3A_88 : memref<128x16xf32, #tpu.memory_space<vmem_shared>>)
    %dma_wait3A_93 = arith.constant 0 : i32
    %dma_wait3A_94 = arith.constant 0 : i32
    %dma_wait3A_95 = arith.constant 0 : i32
    %dma_wait3A_96 = tpu.memref_slice %arg8[%dma_wait3A_93, %dma_wait3A_94, %dma_wait3A_95] : memref<8x128x16xf32, #tpu.memory_space<vmem>> -> memref<1x128x16xf32, #tpu.memory_space<vmem>>
    %dma_wait3A_97 = tpu.memref_squeeze %dma_wait3A_96 : memref<1x128x16xf32, #tpu.memory_space<vmem>> -> memref<128x16xf32, #tpu.memory_space<vmem>>
    %dma_wait3A_98 = arith.constant 0 : i32
    %dma_wait3A_99 = tpu.memref_slice %arg9[%mul3A_7, %dma_wait3A_98] : memref<10240x16xf32, #tpu.memory_space<vmem_shared>> -> memref<128x16xf32, #tpu.memory_space<vmem_shared>>
    %dma_wait3A_100 = arith.constant 0 : i32
    %dma_wait3A_101 = tpu.memref_slice %arg9[%mul3A_7, %dma_wait3A_100] : memref<10240x16xf32, #tpu.memory_space<vmem_shared>> -> memref<128x16xf32, #tpu.memory_space<vmem_shared>>
    %dma_wait3A_102 = arith.constant 0 : i32
    %dma_wait3A_103 = arith.constant 0 : i32
    %dma_wait3A_104 = tpu.memref_slice %arg8[%dma_wait3A_93, %dma_wait3A_102, %dma_wait3A_103] : memref<8x128x16xf32, #tpu.memory_space<vmem>> -> memref<1x128x16xf32, #tpu.memory_space<vmem>>
    %dma_wait3A_105 = tpu.memref_squeeze %dma_wait3A_104 : memref<1x128x16xf32, #tpu.memory_space<vmem>> -> memref<128x16xf32, #tpu.memory_space<vmem>>
    tpu.wait_dma2 semaphore(%arg18 : memref<!tpu.dma_semaphore, #tpu.memory_space<semaphore_mem>>) src(%dma_wait3A_105 : memref<128x16xf32, #tpu.memory_space<vmem>>) dst(%dma_wait3A_101 : memref<128x16xf32, #tpu.memory_space<vmem_shared>>)
    %dma_wait3A_106 = arith.constant 0 : i32
    %dma_wait3A_107 = arith.constant 0 : i32
    %dma_wait3A_108 = arith.constant 0 : i32
    %dma_wait3A_109 = tpu.memref_slice %arg8[%dma_wait3A_106, %dma_wait3A_107, %dma_wait3A_108] : memref<8x128x16xf32, #tpu.memory_space<vmem>> -> memref<1x128x16xf32, #tpu.memory_space<vmem>>
    %dma_wait3A_110 = tpu.memref_squeeze %dma_wait3A_109 : memref<1x128x16xf32, #tpu.memory_space<vmem>> -> memref<128x16xf32, #tpu.memory_space<vmem>>
    %dma_wait3A_111 = arith.constant 0 : i32
    %dma_wait3A_112 = tpu.memref_slice %arg9[%mul3A_7, %dma_wait3A_111] : memref<10240x16xf32, #tpu.memory_space<vmem_shared>> -> memref<128x16xf32, #tpu.memory_space<vmem_shared>>
    %dma_wait3A_113 = arith.constant 0 : i32
    %dma_wait3A_114 = tpu.memref_slice %arg9[%mul3A_7, %dma_wait3A_113] : memref<10240x16xf32, #tpu.memory_space<vmem_shared>> -> memref<128x16xf32, #tpu.memory_space<vmem_shared>>
    %dma_wait3A_115 = arith.constant 0 : i32
    %dma_wait3A_116 = arith.constant 0 : i32
    %dma_wait3A_117 = tpu.memref_slice %arg8[%dma_wait3A_106, %dma_wait3A_115, %dma_wait3A_116] : memref<8x128x16xf32, #tpu.memory_space<vmem>> -> memref<1x128x16xf32, #tpu.memory_space<vmem>>
    %dma_wait3A_118 = tpu.memref_squeeze %dma_wait3A_117 : memref<1x128x16xf32, #tpu.memory_space<vmem>> -> memref<128x16xf32, #tpu.memory_space<vmem>>
    tpu.wait_dma2 semaphore(%arg18 : memref<!tpu.dma_semaphore, #tpu.memory_space<semaphore_mem>>) src(%dma_wait3A_118 : memref<128x16xf32, #tpu.memory_space<vmem>>) dst(%dma_wait3A_114 : memref<128x16xf32, #tpu.memory_space<vmem_shared>>)
    %dma_wait3A_119 = arith.constant 0 : i32
    %dma_wait3A_120 = arith.constant 0 : i32
    %dma_wait3A_121 = arith.constant 0 : i32
    %dma_wait3A_122 = tpu.memref_slice %arg8[%dma_wait3A_119, %dma_wait3A_120, %dma_wait3A_121] : memref<8x128x16xf32, #tpu.memory_space<vmem>> -> memref<1x128x16xf32, #tpu.memory_space<vmem>>
    %dma_wait3A_123 = tpu.memref_squeeze %dma_wait3A_122 : memref<1x128x16xf32, #tpu.memory_space<vmem>> -> memref<128x16xf32, #tpu.memory_space<vmem>>
    %dma_wait3A_124 = arith.constant 0 : i32
    %dma_wait3A_125 = tpu.memref_slice %arg9[%mul3A_7, %dma_wait3A_124] : memref<10240x16xf32, #tpu.memory_space<vmem_shared>> -> memref<128x16xf32, #tpu.memory_space<vmem_shared>>
    %dma_wait3A_126 = arith.constant 0 : i32
    %dma_wait3A_127 = tpu.memref_slice %arg9[%mul3A_7, %dma_wait3A_126] : memref<10240x16xf32, #tpu.memory_space<vmem_shared>> -> memref<128x16xf32, #tpu.memory_space<vmem_shared>>
    %dma_wait3A_128 = arith.constant 0 : i32
    %dma_wait3A_129 = arith.constant 0 : i32
    %dma_wait3A_130 = tpu.memref_slice %arg8[%dma_wait3A_119, %dma_wait3A_128, %dma_wait3A_129] : memref<8x128x16xf32, #tpu.memory_space<vmem>> -> memref<1x128x16xf32, #tpu.memory_space<vmem>>
    %dma_wait3A_131 = tpu.memref_squeeze %dma_wait3A_130 : memref<1x128x16xf32, #tpu.memory_space<vmem>> -> memref<128x16xf32, #tpu.memory_space<vmem>>
    tpu.wait_dma2 semaphore(%arg18 : memref<!tpu.dma_semaphore, #tpu.memory_space<semaphore_mem>>) src(%dma_wait3A_131 : memref<128x16xf32, #tpu.memory_space<vmem>>) dst(%dma_wait3A_127 : memref<128x16xf32, #tpu.memory_space<vmem_shared>>)
    %dma_wait3A_132 = arith.constant 0 : i32
    %dma_wait3A_133 = arith.constant 0 : i32
    %dma_wait3A_134 = arith.constant 0 : i32
    %dma_wait3A_135 = tpu.memref_slice %arg8[%dma_wait3A_132, %dma_wait3A_133, %dma_wait3A_134] : memref<8x128x16xf32, #tpu.memory_space<vmem>> -> memref<1x128x16xf32, #tpu.memory_space<vmem>>
    %dma_wait3A_136 = tpu.memref_squeeze %dma_wait3A_135 : memref<1x128x16xf32, #tpu.memory_space<vmem>> -> memref<128x16xf32, #tpu.memory_space<vmem>>
    %dma_wait3A_137 = arith.constant 0 : i32
    %dma_wait3A_138 = tpu.memref_slice %arg9[%mul3A_7, %dma_wait3A_137] : memref<10240x16xf32, #tpu.memory_space<vmem_shared>> -> memref<128x16xf32, #tpu.memory_space<vmem_shared>>
    %dma_wait3A_139 = arith.constant 0 : i32
    %dma_wait3A_140 = tpu.memref_slice %arg9[%mul3A_7, %dma_wait3A_139] : memref<10240x16xf32, #tpu.memory_space<vmem_shared>> -> memref<128x16xf32, #tpu.memory_space<vmem_shared>>
    %dma_wait3A_141 = arith.constant 0 : i32
    %dma_wait3A_142 = arith.constant 0 : i32
    %dma_wait3A_143 = tpu.memref_slice %arg8[%dma_wait3A_132, %dma_wait3A_141, %dma_wait3A_142] : memref<8x128x16xf32, #tpu.memory_space<vmem>> -> memref<1x128x16xf32, #tpu.memory_space<vmem>>
    %dma_wait3A_144 = tpu.memref_squeeze %dma_wait3A_143 : memref<1x128x16xf32, #tpu.memory_space<vmem>> -> memref<128x16xf32, #tpu.memory_space<vmem>>
    tpu.wait_dma2 semaphore(%arg18 : memref<!tpu.dma_semaphore, #tpu.memory_space<semaphore_mem>>) src(%dma_wait3A_144 : memref<128x16xf32, #tpu.memory_space<vmem>>) dst(%dma_wait3A_140 : memref<128x16xf32, #tpu.memory_space<vmem_shared>>)
    %barrier3A = arith.constant 0 : index
    tpu.barrier barrier_id(%barrier3A)
    %dma_start3A_145 = arith.constant 0 : i32
    %dma_start3A_146 = arith.constant 0 : i32
    %dma_start3A_147 = arith.constant 0 : i32
    %dma_start3A_148 = arith.constant 0 : i32
    %dma_start3A_149 = tpu.memref_slice %arg8[%dma_start3A_146, %dma_start3A_147, %dma_start3A_148] : memref<8x128x16xf32, #tpu.memory_space<vmem>> -> memref<1x128x16xf32, #tpu.memory_space<vmem>>
    %dma_start3A_150 = tpu.memref_squeeze %dma_start3A_149 : memref<1x128x16xf32, #tpu.memory_space<vmem>> -> memref<128x16xf32, #tpu.memory_space<vmem>>
    %dma_start3A_151 = arith.constant 0 : i32
    %dma_start3A_152 = tpu.memref_slice %arg6[%dma_start3A_145, %dma_start3A_151] : memref<80x128xi32, #tpu.memory_space<vmem>> -> memref<1x128xi32, #tpu.memory_space<vmem>>
    %dma_start3A_153 = tpu.memref_squeeze %dma_start3A_152 : memref<1x128xi32, #tpu.memory_space<vmem>> -> memref<128xi32, #tpu.memory_space<vmem>>
    %dma_start3A_154 = arith.constant 0 : i32
    %dma_start3A_155 = arith.constant 0 : i32
    %dma_start3A_156 = tpu.memref_slice %arg2[%dma_start3A_154, %dma_start3A_155] : memref<10240x16xf32, #tpu.memory_space<hbm>> -> memref<10240x16xf32, #tpu.memory_space<hbm>>
    tpu.enqueue_indirect_dma source(%dma_start3A_156 : memref<10240x16xf32, #tpu.memory_space<hbm>>) target(%dma_start3A_150 : memref<128x16xf32, #tpu.memory_space<vmem>>) offsets(%dma_start3A_153 : memref<128xi32, #tpu.memory_space<vmem>>) semaphore(%arg10 : memref<!tpu.dma_semaphore, #tpu.memory_space<semaphore_mem>>)
    %dma_start3A_157 = arith.constant 1 : i32
    %dma_start3A_158 = arith.constant 1 : i32
    %dma_start3A_159 = arith.constant 0 : i32
    %dma_start3A_160 = arith.constant 0 : i32
    %dma_start3A_161 = tpu.memref_slice %arg8[%dma_start3A_158, %dma_start3A_159, %dma_start3A_160] : memref<8x128x16xf32, #tpu.memory_space<vmem>> -> memref<1x128x16xf32, #tpu.memory_space<vmem>>
    %dma_start3A_162 = tpu.memref_squeeze %dma_start3A_161 : memref<1x128x16xf32, #tpu.memory_space<vmem>> -> memref<128x16xf32, #tpu.memory_space<vmem>>
    %dma_start3A_163 = arith.constant 0 : i32
    %dma_start3A_164 = tpu.memref_slice %arg6[%dma_start3A_157, %dma_start3A_163] : memref<80x128xi32, #tpu.memory_space<vmem>> -> memref<1x128xi32, #tpu.memory_space<vmem>>
    %dma_start3A_165 = tpu.memref_squeeze %dma_start3A_164 : memref<1x128xi32, #tpu.memory_space<vmem>> -> memref<128xi32, #tpu.memory_space<vmem>>
    %dma_start3A_166 = arith.constant 0 : i32
    %dma_start3A_167 = arith.constant 0 : i32
    %dma_start3A_168 = tpu.memref_slice %arg2[%dma_start3A_166, %dma_start3A_167] : memref<10240x16xf32, #tpu.memory_space<hbm>> -> memref<10240x16xf32, #tpu.memory_space<hbm>>
    tpu.enqueue_indirect_dma source(%dma_start3A_168 : memref<10240x16xf32, #tpu.memory_space<hbm>>) target(%dma_start3A_162 : memref<128x16xf32, #tpu.memory_space<vmem>>) offsets(%dma_start3A_165 : memref<128xi32, #tpu.memory_space<vmem>>) semaphore(%arg11 : memref<!tpu.dma_semaphore, #tpu.memory_space<semaphore_mem>>)
    %dma_start3A_169 = arith.constant 2 : i32
    %dma_start3A_170 = arith.constant 2 : i32
    %dma_start3A_171 = arith.constant 0 : i32
    %dma_start3A_172 = arith.constant 0 : i32
    %dma_start3A_173 = tpu.memref_slice %arg8[%dma_start3A_170, %dma_start3A_171, %dma_start3A_172] : memref<8x128x16xf32, #tpu.memory_space<vmem>> -> memref<1x128x16xf32, #tpu.memory_space<vmem>>
    %dma_start3A_174 = tpu.memref_squeeze %dma_start3A_173 : memref<1x128x16xf32, #tpu.memory_space<vmem>> -> memref<128x16xf32, #tpu.memory_space<vmem>>
    %dma_start3A_175 = arith.constant 0 : i32
    %dma_start3A_176 = tpu.memref_slice %arg6[%dma_start3A_169, %dma_start3A_175] : memref<80x128xi32, #tpu.memory_space<vmem>> -> memref<1x128xi32, #tpu.memory_space<vmem>>
    %dma_start3A_177 = tpu.memref_squeeze %dma_start3A_176 : memref<1x128xi32, #tpu.memory_space<vmem>> -> memref<128xi32, #tpu.memory_space<vmem>>
    %dma_start3A_178 = arith.constant 0 : i32
    %dma_start3A_179 = arith.constant 0 : i32
    %dma_start3A_180 = tpu.memref_slice %arg2[%dma_start3A_178, %dma_start3A_179] : memref<10240x16xf32, #tpu.memory_space<hbm>> -> memref<10240x16xf32, #tpu.memory_space<hbm>>
    tpu.enqueue_indirect_dma source(%dma_start3A_180 : memref<10240x16xf32, #tpu.memory_space<hbm>>) target(%dma_start3A_174 : memref<128x16xf32, #tpu.memory_space<vmem>>) offsets(%dma_start3A_177 : memref<128xi32, #tpu.memory_space<vmem>>) semaphore(%arg12 : memref<!tpu.dma_semaphore, #tpu.memory_space<semaphore_mem>>)
    %dma_start3A_181 = arith.constant 3 : i32
    %dma_start3A_182 = arith.constant 3 : i32
    %dma_start3A_183 = arith.constant 0 : i32
    %dma_start3A_184 = arith.constant 0 : i32
    %dma_start3A_185 = tpu.memref_slice %arg8[%dma_start3A_182, %dma_start3A_183, %dma_start3A_184] : memref<8x128x16xf32, #tpu.memory_space<vmem>> -> memref<1x128x16xf32, #tpu.memory_space<vmem>>
    %dma_start3A_186 = tpu.memref_squeeze %dma_start3A_185 : memref<1x128x16xf32, #tpu.memory_space<vmem>> -> memref<128x16xf32, #tpu.memory_space<vmem>>
    %dma_start3A_187 = arith.constant 0 : i32
    %dma_start3A_188 = tpu.memref_slice %arg6[%dma_start3A_181, %dma_start3A_187] : memref<80x128xi32, #tpu.memory_space<vmem>> -> memref<1x128xi32, #tpu.memory_space<vmem>>
    %dma_start3A_189 = tpu.memref_squeeze %dma_start3A_188 : memref<1x128xi32, #tpu.memory_space<vmem>> -> memref<128xi32, #tpu.memory_space<vmem>>
    %dma_start3A_190 = arith.constant 0 : i32
    %dma_start3A_191 = arith.constant 0 : i32
    %dma_start3A_192 = tpu.memref_slice %arg2[%dma_start3A_190, %dma_start3A_191] : memref<10240x16xf32, #tpu.memory_space<hbm>> -> memref<10240x16xf32, #tpu.memory_space<hbm>>
    tpu.enqueue_indirect_dma source(%dma_start3A_192 : memref<10240x16xf32, #tpu.memory_space<hbm>>) target(%dma_start3A_186 : memref<128x16xf32, #tpu.memory_space<vmem>>) offsets(%dma_start3A_189 : memref<128xi32, #tpu.memory_space<vmem>>) semaphore(%arg13 : memref<!tpu.dma_semaphore, #tpu.memory_space<semaphore_mem>>)
    %dma_start3A_193 = arith.constant 4 : i32
    %dma_start3A_194 = arith.constant 4 : i32
    %dma_start3A_195 = arith.constant 0 : i32
    %dma_start3A_196 = arith.constant 0 : i32
    %dma_start3A_197 = tpu.memref_slice %arg8[%dma_start3A_194, %dma_start3A_195, %dma_start3A_196] : memref<8x128x16xf32, #tpu.memory_space<vmem>> -> memref<1x128x16xf32, #tpu.memory_space<vmem>>
    %dma_start3A_198 = tpu.memref_squeeze %dma_start3A_197 : memref<1x128x16xf32, #tpu.memory_space<vmem>> -> memref<128x16xf32, #tpu.memory_space<vmem>>
    %dma_start3A_199 = arith.constant 0 : i32
    %dma_start3A_200 = tpu.memref_slice %arg6[%dma_start3A_193, %dma_start3A_199] : memref<80x128xi32, #tpu.memory_space<vmem>> -> memref<1x128xi32, #tpu.memory_space<vmem>>
    %dma_start3A_201 = tpu.memref_squeeze %dma_start3A_200 : memref<1x128xi32, #tpu.memory_space<vmem>> -> memref<128xi32, #tpu.memory_space<vmem>>
    %dma_start3A_202 = arith.constant 0 : i32
    %dma_start3A_203 = arith.constant 0 : i32
    %dma_start3A_204 = tpu.memref_slice %arg2[%dma_start3A_202, %dma_start3A_203] : memref<10240x16xf32, #tpu.memory_space<hbm>> -> memref<10240x16xf32, #tpu.memory_space<hbm>>
    tpu.enqueue_indirect_dma source(%dma_start3A_204 : memref<10240x16xf32, #tpu.memory_space<hbm>>) target(%dma_start3A_198 : memref<128x16xf32, #tpu.memory_space<vmem>>) offsets(%dma_start3A_201 : memref<128xi32, #tpu.memory_space<vmem>>) semaphore(%arg14 : memref<!tpu.dma_semaphore, #tpu.memory_space<semaphore_mem>>)
    %dma_start3A_205 = arith.constant 5 : i32
    %dma_start3A_206 = arith.constant 5 : i32
    %dma_start3A_207 = arith.constant 0 : i32
    %dma_start3A_208 = arith.constant 0 : i32
    %dma_start3A_209 = tpu.memref_slice %arg8[%dma_start3A_206, %dma_start3A_207, %dma_start3A_208] : memref<8x128x16xf32, #tpu.memory_space<vmem>> -> memref<1x128x16xf32, #tpu.memory_space<vmem>>
    %dma_start3A_210 = tpu.memref_squeeze %dma_start3A_209 : memref<1x128x16xf32, #tpu.memory_space<vmem>> -> memref<128x16xf32, #tpu.memory_space<vmem>>
    %dma_start3A_211 = arith.constant 0 : i32
    %dma_start3A_212 = tpu.memref_slice %arg6[%dma_start3A_205, %dma_start3A_211] : memref<80x128xi32, #tpu.memory_space<vmem>> -> memref<1x128xi32, #tpu.memory_space<vmem>>
    %dma_start3A_213 = tpu.memref_squeeze %dma_start3A_212 : memref<1x128xi32, #tpu.memory_space<vmem>> -> memref<128xi32, #tpu.memory_space<vmem>>
    %dma_start3A_214 = arith.constant 0 : i32
    %dma_start3A_215 = arith.constant 0 : i32
    %dma_start3A_216 = tpu.memref_slice %arg2[%dma_start3A_214, %dma_start3A_215] : memref<10240x16xf32, #tpu.memory_space<hbm>> -> memref<10240x16xf32, #tpu.memory_space<hbm>>
    tpu.enqueue_indirect_dma source(%dma_start3A_216 : memref<10240x16xf32, #tpu.memory_space<hbm>>) target(%dma_start3A_210 : memref<128x16xf32, #tpu.memory_space<vmem>>) offsets(%dma_start3A_213 : memref<128xi32, #tpu.memory_space<vmem>>) semaphore(%arg15 : memref<!tpu.dma_semaphore, #tpu.memory_space<semaphore_mem>>)
    %scan3A_217 = arith.constant 0 : i32
    %scan3A_218 = arith.constant 0 : i32
    %scan3A_219 = arith.constant 80 : i32
    %scan3A_220 = arith.addi %scan3A_218, %scan3A_219 : i32
    %scan3A_221 = arith.constant 1 : i32
    %scan3A_222 = scf.for %scan3A_249 = %scan3A_218 to %scan3A_220 step %scan3A_221 iter_args(%scan3A_250 = %scan3A_217) -> (i32)  : i32 {
      %jit3A = arith.constant 8 : i32
      %eq3A = arith.constant 0 : i32
      %eq3A_251 = arith.cmpi eq, %jit3A, %eq3A : i32
      %jit3A_252 = arith.constant 1 : i32
      %select_n3A = arith.select %eq3A_251, %jit3A_252, %jit3A : i32
      %rem3A = arith.remsi %scan3A_249, %select_n3A : i32
      %ne3A = arith.constant 0 : i32
      %ne3A_253 = arith.cmpi ne, %rem3A, %ne3A : i32
      %lt3A = arith.constant 0 : i32
      %lt3A_254 = arith.cmpi slt, %rem3A, %lt3A : i32
      %lt3A_255 = arith.constant 0 : i32
      %lt3A_256 = arith.cmpi slt, %select_n3A, %lt3A_255 : i32
      %ne3A_257 = arith.xori %lt3A_254, %lt3A_256 : i1
      %and3A = arith.andi %ne3A_257, %ne3A_253 : i1
      %add3A_258 = arith.addi %rem3A, %select_n3A : i32
      %select_n3A_259 = arith.select %and3A, %add3A_258, %rem3A : i32
      %eq3A_260 = arith.constant 0 : i32
      %eq3A_261 = arith.cmpi eq, %select_n3A_259, %eq3A_260 : i32
      %convert_element_type3A = arith.extui %eq3A_261 : i1 to i32
      %cond3A = arith.constant 0 : i32
      %cond3A_262 = arith.cmpi ne, %convert_element_type3A, %cond3A : i32
      scf.if %cond3A_262 {
        %ge3A = arith.constant 2 : i32
        %ge3A_411 = arith.cmpi sge, %scan3A_249, %ge3A : i32
        %convert_element_type3A_412 = arith.extui %ge3A_411 : i1 to i32
        %cond3A_413 = arith.constant 0 : i32
        %cond3A_414 = arith.cmpi ne, %convert_element_type3A_412, %cond3A_413 : i32
        scf.if %cond3A_414 {
          %sub3A_445 = arith.constant 2 : i32
          %sub3A_446 = arith.subi %scan3A_249, %sub3A_445 : i32
          %dma_wait3A_447 = arith.constant 6 : i32
          %dma_wait3A_448 = arith.constant 0 : i32
          %dma_wait3A_449 = arith.constant 0 : i32
          %dma_wait3A_450 = tpu.memref_slice %arg8[%dma_wait3A_447, %dma_wait3A_448, %dma_wait3A_449] : memref<8x128x16xf32, #tpu.memory_space<vmem>> -> memref<1x128x16xf32, #tpu.memory_space<vmem>>
          %dma_wait3A_451 = tpu.memref_squeeze %dma_wait3A_450 : memref<1x128x16xf32, #tpu.memory_space<vmem>> -> memref<128x16xf32, #tpu.memory_space<vmem>>
          %dma_wait3A_452 = arith.constant 0 : i32
          %dma_wait3A_453 = tpu.memref_slice %arg7[%sub3A_446, %dma_wait3A_452] : memref<80x128xi32, #tpu.memory_space<vmem>> -> memref<1x128xi32, #tpu.memory_space<vmem>>
          %dma_wait3A_454 = tpu.memref_squeeze %dma_wait3A_453 : memref<1x128xi32, #tpu.memory_space<vmem>> -> memref<128xi32, #tpu.memory_space<vmem>>
          %dma_wait3A_455 = arith.constant 0 : i32
          %dma_wait3A_456 = arith.constant 0 : i32
          %dma_wait3A_457 = tpu.memref_slice %arg9[%dma_wait3A_455, %dma_wait3A_456] : memref<10240x16xf32, #tpu.memory_space<vmem_shared>> -> memref<10240x16xf32, #tpu.memory_space<vmem_shared>>
          tpu.wait_indirect_dma semaphore(%arg18 : memref<!tpu.dma_semaphore, #tpu.memory_space<semaphore_mem>>) src(%dma_wait3A_451 : memref<128x16xf32, #tpu.memory_space<vmem>>) dst(%dma_wait3A_457 : memref<10240x16xf32, #tpu.memory_space<vmem_shared>>)
        } else {
        }
        %add3A_415 = arith.constant 8 : i32
        %add3A_416 = arith.addi %scan3A_249, %add3A_415 : i32
        %sub3A = arith.constant 2 : i32
        %sub3A_417 = arith.subi %add3A_416, %sub3A : i32
        %lt3A_418 = arith.constant 80 : i32
        %lt3A_419 = arith.cmpi slt, %sub3A_417, %lt3A_418 : i32
        %convert_element_type3A_420 = arith.extui %lt3A_419 : i1 to i32
        %cond3A_421 = arith.constant 0 : i32
        %cond3A_422 = arith.cmpi ne, %convert_element_type3A_420, %cond3A_421 : i32
        scf.if %cond3A_422 {
          %add3A_445 = arith.constant 8 : i32
          %add3A_446 = arith.addi %scan3A_249, %add3A_445 : i32
          %sub3A_447 = arith.constant 2 : i32
          %sub3A_448 = arith.subi %add3A_446, %sub3A_447 : i32
          %dma_start3A_449 = arith.constant 6 : i32
          %dma_start3A_450 = arith.constant 0 : i32
          %dma_start3A_451 = arith.constant 0 : i32
          %dma_start3A_452 = tpu.memref_slice %arg8[%dma_start3A_449, %dma_start3A_450, %dma_start3A_451] : memref<8x128x16xf32, #tpu.memory_space<vmem>> -> memref<1x128x16xf32, #tpu.memory_space<vmem>>
          %dma_start3A_453 = tpu.memref_squeeze %dma_start3A_452 : memref<1x128x16xf32, #tpu.memory_space<vmem>> -> memref<128x16xf32, #tpu.memory_space<vmem>>
          %dma_start3A_454 = arith.constant 0 : i32
          %dma_start3A_455 = tpu.memref_slice %arg6[%sub3A_448, %dma_start3A_454] : memref<80x128xi32, #tpu.memory_space<vmem>> -> memref<1x128xi32, #tpu.memory_space<vmem>>
          %dma_start3A_456 = tpu.memref_squeeze %dma_start3A_455 : memref<1x128xi32, #tpu.memory_space<vmem>> -> memref<128xi32, #tpu.memory_space<vmem>>
          %dma_start3A_457 = arith.constant 0 : i32
          %dma_start3A_458 = arith.constant 0 : i32
          %dma_start3A_459 = tpu.memref_slice %arg2[%dma_start3A_457, %dma_start3A_458] : memref<10240x16xf32, #tpu.memory_space<hbm>> -> memref<10240x16xf32, #tpu.memory_space<hbm>>
          tpu.enqueue_indirect_dma source(%dma_start3A_459 : memref<10240x16xf32, #tpu.memory_space<hbm>>) target(%dma_start3A_453 : memref<128x16xf32, #tpu.memory_space<vmem>>) offsets(%dma_start3A_456 : memref<128xi32, #tpu.memory_space<vmem>>) semaphore(%arg16 : memref<!tpu.dma_semaphore, #tpu.memory_space<semaphore_mem>>)
        } else {
        }
        %dma_wait3A_423 = arith.constant 0 : i32
        %dma_wait3A_424 = arith.constant 0 : i32
        %dma_wait3A_425 = arith.constant 0 : i32
        %dma_wait3A_426 = tpu.memref_slice %arg8[%dma_wait3A_423, %dma_wait3A_424, %dma_wait3A_425] : memref<8x128x16xf32, #tpu.memory_space<vmem>> -> memref<1x128x16xf32, #tpu.memory_space<vmem>>
        %dma_wait3A_427 = tpu.memref_squeeze %dma_wait3A_426 : memref<1x128x16xf32, #tpu.memory_space<vmem>> -> memref<128x16xf32, #tpu.memory_space<vmem>>
        %dma_wait3A_428 = arith.constant 0 : i32
        %dma_wait3A_429 = tpu.memref_slice %arg6[%scan3A_249, %dma_wait3A_428] : memref<80x128xi32, #tpu.memory_space<vmem>> -> memref<1x128xi32, #tpu.memory_space<vmem>>
        %dma_wait3A_430 = tpu.memref_squeeze %dma_wait3A_429 : memref<1x128xi32, #tpu.memory_space<vmem>> -> memref<128xi32, #tpu.memory_space<vmem>>
        %dma_wait3A_431 = arith.constant 0 : i32
        %dma_wait3A_432 = arith.constant 0 : i32
        %dma_wait3A_433 = tpu.memref_slice %arg2[%dma_wait3A_431, %dma_wait3A_432] : memref<10240x16xf32, #tpu.memory_space<hbm>> -> memref<10240x16xf32, #tpu.memory_space<hbm>>
        tpu.wait_indirect_dma semaphore(%arg10 : memref<!tpu.dma_semaphore, #tpu.memory_space<semaphore_mem>>) src(%dma_wait3A_433 : memref<10240x16xf32, #tpu.memory_space<hbm>>) dst(%dma_wait3A_427 : memref<128x16xf32, #tpu.memory_space<vmem>>)
        %dma_start3A_434 = arith.constant 0 : i32
        %dma_start3A_435 = arith.constant 0 : i32
        %dma_start3A_436 = arith.constant 0 : i32
        %dma_start3A_437 = tpu.memref_slice %arg8[%dma_start3A_434, %dma_start3A_435, %dma_start3A_436] : memref<8x128x16xf32, #tpu.memory_space<vmem>> -> memref<1x128x16xf32, #tpu.memory_space<vmem>>
        %dma_start3A_438 = tpu.memref_squeeze %dma_start3A_437 : memref<1x128x16xf32, #tpu.memory_space<vmem>> -> memref<128x16xf32, #tpu.memory_space<vmem>>
        %dma_start3A_439 = arith.constant 0 : i32
        %dma_start3A_440 = tpu.memref_slice %arg7[%scan3A_249, %dma_start3A_439] : memref<80x128xi32, #tpu.memory_space<vmem>> -> memref<1x128xi32, #tpu.memory_space<vmem>>
        %dma_start3A_441 = tpu.memref_squeeze %dma_start3A_440 : memref<1x128xi32, #tpu.memory_space<vmem>> -> memref<128xi32, #tpu.memory_space<vmem>>
        %dma_start3A_442 = arith.constant 0 : i32
        %dma_start3A_443 = arith.constant 0 : i32
        %dma_start3A_444 = tpu.memref_slice %arg9[%dma_start3A_442, %dma_start3A_443] : memref<10240x16xf32, #tpu.memory_space<vmem_shared>> -> memref<10240x16xf32, #tpu.memory_space<vmem_shared>>
        tpu.enqueue_indirect_dma source(%dma_start3A_438 : memref<128x16xf32, #tpu.memory_space<vmem>>) target(%dma_start3A_444 : memref<10240x16xf32, #tpu.memory_space<vmem_shared>>) offsets(%dma_start3A_441 : memref<128xi32, #tpu.memory_space<vmem>>) semaphore(%arg18 : memref<!tpu.dma_semaphore, #tpu.memory_space<semaphore_mem>>) {add = true}
      } else {
      }
      %jit3A_263 = arith.constant 8 : i32
      %eq3A_264 = arith.constant 0 : i32
      %eq3A_265 = arith.cmpi eq, %jit3A_263, %eq3A_264 : i32
      %jit3A_266 = arith.constant 1 : i32
      %select_n3A_267 = arith.select %eq3A_265, %jit3A_266, %jit3A_263 : i32
      %rem3A_268 = arith.remsi %scan3A_249, %select_n3A_267 : i32
      %ne3A_269 = arith.constant 0 : i32
      %ne3A_270 = arith.cmpi ne, %rem3A_268, %ne3A_269 : i32
      %lt3A_271 = arith.constant 0 : i32
      %lt3A_272 = arith.cmpi slt, %rem3A_268, %lt3A_271 : i32
      %lt3A_273 = arith.constant 0 : i32
      %lt3A_274 = arith.cmpi slt, %select_n3A_267, %lt3A_273 : i32
      %ne3A_275 = arith.xori %lt3A_272, %lt3A_274 : i1
      %and3A_276 = arith.andi %ne3A_275, %ne3A_270 : i1
      %add3A_277 = arith.addi %rem3A_268, %select_n3A_267 : i32
      %select_n3A_278 = arith.select %and3A_276, %add3A_277, %rem3A_268 : i32
      %eq3A_279 = arith.constant 1 : i32
      %eq3A_280 = arith.cmpi eq, %select_n3A_278, %eq3A_279 : i32
      %convert_element_type3A_281 = arith.extui %eq3A_280 : i1 to i32
      %cond3A_282 = arith.constant 0 : i32
      %cond3A_283 = arith.cmpi ne, %convert_element_type3A_281, %cond3A_282 : i32
      scf.if %cond3A_283 {
        %ge3A = arith.constant 2 : i32
        %ge3A_411 = arith.cmpi sge, %scan3A_249, %ge3A : i32
        %convert_element_type3A_412 = arith.extui %ge3A_411 : i1 to i32
        %cond3A_413 = arith.constant 0 : i32
        %cond3A_414 = arith.cmpi ne, %convert_element_type3A_412, %cond3A_413 : i32
        scf.if %cond3A_414 {
          %sub3A_445 = arith.constant 2 : i32
          %sub3A_446 = arith.subi %scan3A_249, %sub3A_445 : i32
          %dma_wait3A_447 = arith.constant 7 : i32
          %dma_wait3A_448 = arith.constant 0 : i32
          %dma_wait3A_449 = arith.constant 0 : i32
          %dma_wait3A_450 = tpu.memref_slice %arg8[%dma_wait3A_447, %dma_wait3A_448, %dma_wait3A_449] : memref<8x128x16xf32, #tpu.memory_space<vmem>> -> memref<1x128x16xf32, #tpu.memory_space<vmem>>
          %dma_wait3A_451 = tpu.memref_squeeze %dma_wait3A_450 : memref<1x128x16xf32, #tpu.memory_space<vmem>> -> memref<128x16xf32, #tpu.memory_space<vmem>>
          %dma_wait3A_452 = arith.constant 0 : i32
          %dma_wait3A_453 = tpu.memref_slice %arg7[%sub3A_446, %dma_wait3A_452] : memref<80x128xi32, #tpu.memory_space<vmem>> -> memref<1x128xi32, #tpu.memory_space<vmem>>
          %dma_wait3A_454 = tpu.memref_squeeze %dma_wait3A_453 : memref<1x128xi32, #tpu.memory_space<vmem>> -> memref<128xi32, #tpu.memory_space<vmem>>
          %dma_wait3A_455 = arith.constant 0 : i32
          %dma_wait3A_456 = arith.constant 0 : i32
          %dma_wait3A_457 = tpu.memref_slice %arg9[%dma_wait3A_455, %dma_wait3A_456] : memref<10240x16xf32, #tpu.memory_space<vmem_shared>> -> memref<10240x16xf32, #tpu.memory_space<vmem_shared>>
          tpu.wait_indirect_dma semaphore(%arg19 : memref<!tpu.dma_semaphore, #tpu.memory_space<semaphore_mem>>) src(%dma_wait3A_451 : memref<128x16xf32, #tpu.memory_space<vmem>>) dst(%dma_wait3A_457 : memref<10240x16xf32, #tpu.memory_space<vmem_shared>>)
        } else {
        }
        %add3A_415 = arith.constant 8 : i32
        %add3A_416 = arith.addi %scan3A_249, %add3A_415 : i32
        %sub3A = arith.constant 2 : i32
        %sub3A_417 = arith.subi %add3A_416, %sub3A : i32
        %lt3A_418 = arith.constant 80 : i32
        %lt3A_419 = arith.cmpi slt, %sub3A_417, %lt3A_418 : i32
        %convert_element_type3A_420 = arith.extui %lt3A_419 : i1 to i32
        %cond3A_421 = arith.constant 0 : i32
        %cond3A_422 = arith.cmpi ne, %convert_element_type3A_420, %cond3A_421 : i32
        scf.if %cond3A_422 {
          %add3A_445 = arith.constant 8 : i32
          %add3A_446 = arith.addi %scan3A_249, %add3A_445 : i32
          %sub3A_447 = arith.constant 2 : i32
          %sub3A_448 = arith.subi %add3A_446, %sub3A_447 : i32
          %dma_start3A_449 = arith.constant 7 : i32
          %dma_start3A_450 = arith.constant 0 : i32
          %dma_start3A_451 = arith.constant 0 : i32
          %dma_start3A_452 = tpu.memref_slice %arg8[%dma_start3A_449, %dma_start3A_450, %dma_start3A_451] : memref<8x128x16xf32, #tpu.memory_space<vmem>> -> memref<1x128x16xf32, #tpu.memory_space<vmem>>
          %dma_start3A_453 = tpu.memref_squeeze %dma_start3A_452 : memref<1x128x16xf32, #tpu.memory_space<vmem>> -> memref<128x16xf32, #tpu.memory_space<vmem>>
          %dma_start3A_454 = arith.constant 0 : i32
          %dma_start3A_455 = tpu.memref_slice %arg6[%sub3A_448, %dma_start3A_454] : memref<80x128xi32, #tpu.memory_space<vmem>> -> memref<1x128xi32, #tpu.memory_space<vmem>>
          %dma_start3A_456 = tpu.memref_squeeze %dma_start3A_455 : memref<1x128xi32, #tpu.memory_space<vmem>> -> memref<128xi32, #tpu.memory_space<vmem>>
          %dma_start3A_457 = arith.constant 0 : i32
          %dma_start3A_458 = arith.constant 0 : i32
          %dma_start3A_459 = tpu.memref_slice %arg2[%dma_start3A_457, %dma_start3A_458] : memref<10240x16xf32, #tpu.memory_space<hbm>> -> memref<10240x16xf32, #tpu.memory_space<hbm>>
          tpu.enqueue_indirect_dma source(%dma_start3A_459 : memref<10240x16xf32, #tpu.memory_space<hbm>>) target(%dma_start3A_453 : memref<128x16xf32, #tpu.memory_space<vmem>>) offsets(%dma_start3A_456 : memref<128xi32, #tpu.memory_space<vmem>>) semaphore(%arg17 : memref<!tpu.dma_semaphore, #tpu.memory_space<semaphore_mem>>)
        } else {
        }
        %dma_wait3A_423 = arith.constant 1 : i32
        %dma_wait3A_424 = arith.constant 0 : i32
        %dma_wait3A_425 = arith.constant 0 : i32
        %dma_wait3A_426 = tpu.memref_slice %arg8[%dma_wait3A_423, %dma_wait3A_424, %dma_wait3A_425] : memref<8x128x16xf32, #tpu.memory_space<vmem>> -> memref<1x128x16xf32, #tpu.memory_space<vmem>>
        %dma_wait3A_427 = tpu.memref_squeeze %dma_wait3A_426 : memref<1x128x16xf32, #tpu.memory_space<vmem>> -> memref<128x16xf32, #tpu.memory_space<vmem>>
        %dma_wait3A_428 = arith.constant 0 : i32
        %dma_wait3A_429 = tpu.memref_slice %arg6[%scan3A_249, %dma_wait3A_428] : memref<80x128xi32, #tpu.memory_space<vmem>> -> memref<1x128xi32, #tpu.memory_space<vmem>>
        %dma_wait3A_430 = tpu.memref_squeeze %dma_wait3A_429 : memref<1x128xi32, #tpu.memory_space<vmem>> -> memref<128xi32, #tpu.memory_space<vmem>>
        %dma_wait3A_431 = arith.constant 0 : i32
        %dma_wait3A_432 = arith.constant 0 : i32
        %dma_wait3A_433 = tpu.memref_slice %arg2[%dma_wait3A_431, %dma_wait3A_432] : memref<10240x16xf32, #tpu.memory_space<hbm>> -> memref<10240x16xf32, #tpu.memory_space<hbm>>
        tpu.wait_indirect_dma semaphore(%arg11 : memref<!tpu.dma_semaphore, #tpu.memory_space<semaphore_mem>>) src(%dma_wait3A_433 : memref<10240x16xf32, #tpu.memory_space<hbm>>) dst(%dma_wait3A_427 : memref<128x16xf32, #tpu.memory_space<vmem>>)
        %dma_start3A_434 = arith.constant 1 : i32
        %dma_start3A_435 = arith.constant 0 : i32
        %dma_start3A_436 = arith.constant 0 : i32
        %dma_start3A_437 = tpu.memref_slice %arg8[%dma_start3A_434, %dma_start3A_435, %dma_start3A_436] : memref<8x128x16xf32, #tpu.memory_space<vmem>> -> memref<1x128x16xf32, #tpu.memory_space<vmem>>
        %dma_start3A_438 = tpu.memref_squeeze %dma_start3A_437 : memref<1x128x16xf32, #tpu.memory_space<vmem>> -> memref<128x16xf32, #tpu.memory_space<vmem>>
        %dma_start3A_439 = arith.constant 0 : i32
        %dma_start3A_440 = tpu.memref_slice %arg7[%scan3A_249, %dma_start3A_439] : memref<80x128xi32, #tpu.memory_space<vmem>> -> memref<1x128xi32, #tpu.memory_space<vmem>>
        %dma_start3A_441 = tpu.memref_squeeze %dma_start3A_440 : memref<1x128xi32, #tpu.memory_space<vmem>> -> memref<128xi32, #tpu.memory_space<vmem>>
        %dma_start3A_442 = arith.constant 0 : i32
        %dma_start3A_443 = arith.constant 0 : i32
        %dma_start3A_444 = tpu.memref_slice %arg9[%dma_start3A_442, %dma_start3A_443] : memref<10240x16xf32, #tpu.memory_space<vmem_shared>> -> memref<10240x16xf32, #tpu.memory_space<vmem_shared>>
        tpu.enqueue_indirect_dma source(%dma_start3A_438 : memref<128x16xf32, #tpu.memory_space<vmem>>) target(%dma_start3A_444 : memref<10240x16xf32, #tpu.memory_space<vmem_shared>>) offsets(%dma_start3A_441 : memref<128xi32, #tpu.memory_space<vmem>>) semaphore(%arg19 : memref<!tpu.dma_semaphore, #tpu.memory_space<semaphore_mem>>) {add = true}
      } else {
      }
      %jit3A_284 = arith.constant 8 : i32
      %eq3A_285 = arith.constant 0 : i32
      %eq3A_286 = arith.cmpi eq, %jit3A_284, %eq3A_285 : i32
      %jit3A_287 = arith.constant 1 : i32
      %select_n3A_288 = arith.select %eq3A_286, %jit3A_287, %jit3A_284 : i32
      %rem3A_289 = arith.remsi %scan3A_249, %select_n3A_288 : i32
      %ne3A_290 = arith.constant 0 : i32
      %ne3A_291 = arith.cmpi ne, %rem3A_289, %ne3A_290 : i32
      %lt3A_292 = arith.constant 0 : i32
      %lt3A_293 = arith.cmpi slt, %rem3A_289, %lt3A_292 : i32
      %lt3A_294 = arith.constant 0 : i32
      %lt3A_295 = arith.cmpi slt, %select_n3A_288, %lt3A_294 : i32
      %ne3A_296 = arith.xori %lt3A_293, %lt3A_295 : i1
      %and3A_297 = arith.andi %ne3A_296, %ne3A_291 : i1
      %add3A_298 = arith.addi %rem3A_289, %select_n3A_288 : i32
      %select_n3A_299 = arith.select %and3A_297, %add3A_298, %rem3A_289 : i32
      %eq3A_300 = arith.constant 2 : i32
      %eq3A_301 = arith.cmpi eq, %select_n3A_299, %eq3A_300 : i32
      %convert_element_type3A_302 = arith.extui %eq3A_301 : i1 to i32
      %cond3A_303 = arith.constant 0 : i32
      %cond3A_304 = arith.cmpi ne, %convert_element_type3A_302, %cond3A_303 : i32
      scf.if %cond3A_304 {
        %ge3A = arith.constant 2 : i32
        %ge3A_411 = arith.cmpi sge, %scan3A_249, %ge3A : i32
        %convert_element_type3A_412 = arith.extui %ge3A_411 : i1 to i32
        %cond3A_413 = arith.constant 0 : i32
        %cond3A_414 = arith.cmpi ne, %convert_element_type3A_412, %cond3A_413 : i32
        scf.if %cond3A_414 {
          %sub3A_445 = arith.constant 2 : i32
          %sub3A_446 = arith.subi %scan3A_249, %sub3A_445 : i32
          %dma_wait3A_447 = arith.constant 0 : i32
          %dma_wait3A_448 = arith.constant 0 : i32
          %dma_wait3A_449 = arith.constant 0 : i32
          %dma_wait3A_450 = tpu.memref_slice %arg8[%dma_wait3A_447, %dma_wait3A_448, %dma_wait3A_449] : memref<8x128x16xf32, #tpu.memory_space<vmem>> -> memref<1x128x16xf32, #tpu.memory_space<vmem>>
          %dma_wait3A_451 = tpu.memref_squeeze %dma_wait3A_450 : memref<1x128x16xf32, #tpu.memory_space<vmem>> -> memref<128x16xf32, #tpu.memory_space<vmem>>
          %dma_wait3A_452 = arith.constant 0 : i32
          %dma_wait3A_453 = tpu.memref_slice %arg7[%sub3A_446, %dma_wait3A_452] : memref<80x128xi32, #tpu.memory_space<vmem>> -> memref<1x128xi32, #tpu.memory_space<vmem>>
          %dma_wait3A_454 = tpu.memref_squeeze %dma_wait3A_453 : memref<1x128xi32, #tpu.memory_space<vmem>> -> memref<128xi32, #tpu.memory_space<vmem>>
          %dma_wait3A_455 = arith.constant 0 : i32
          %dma_wait3A_456 = arith.constant 0 : i32
          %dma_wait3A_457 = tpu.memref_slice %arg9[%dma_wait3A_455, %dma_wait3A_456] : memref<10240x16xf32, #tpu.memory_space<vmem_shared>> -> memref<10240x16xf32, #tpu.memory_space<vmem_shared>>
          tpu.wait_indirect_dma semaphore(%arg18 : memref<!tpu.dma_semaphore, #tpu.memory_space<semaphore_mem>>) src(%dma_wait3A_451 : memref<128x16xf32, #tpu.memory_space<vmem>>) dst(%dma_wait3A_457 : memref<10240x16xf32, #tpu.memory_space<vmem_shared>>)
        } else {
        }
        %add3A_415 = arith.constant 8 : i32
        %add3A_416 = arith.addi %scan3A_249, %add3A_415 : i32
        %sub3A = arith.constant 2 : i32
        %sub3A_417 = arith.subi %add3A_416, %sub3A : i32
        %lt3A_418 = arith.constant 80 : i32
        %lt3A_419 = arith.cmpi slt, %sub3A_417, %lt3A_418 : i32
        %convert_element_type3A_420 = arith.extui %lt3A_419 : i1 to i32
        %cond3A_421 = arith.constant 0 : i32
        %cond3A_422 = arith.cmpi ne, %convert_element_type3A_420, %cond3A_421 : i32
        scf.if %cond3A_422 {
          %add3A_445 = arith.constant 8 : i32
          %add3A_446 = arith.addi %scan3A_249, %add3A_445 : i32
          %sub3A_447 = arith.constant 2 : i32
          %sub3A_448 = arith.subi %add3A_446, %sub3A_447 : i32
          %dma_start3A_449 = arith.constant 0 : i32
          %dma_start3A_450 = arith.constant 0 : i32
          %dma_start3A_451 = arith.constant 0 : i32
          %dma_start3A_452 = tpu.memref_slice %arg8[%dma_start3A_449, %dma_start3A_450, %dma_start3A_451] : memref<8x128x16xf32, #tpu.memory_space<vmem>> -> memref<1x128x16xf32, #tpu.memory_space<vmem>>
          %dma_start3A_453 = tpu.memref_squeeze %dma_start3A_452 : memref<1x128x16xf32, #tpu.memory_space<vmem>> -> memref<128x16xf32, #tpu.memory_space<vmem>>
          %dma_start3A_454 = arith.constant 0 : i32
          %dma_start3A_455 = tpu.memref_slice %arg6[%sub3A_448, %dma_start3A_454] : memref<80x128xi32, #tpu.memory_space<vmem>> -> memref<1x128xi32, #tpu.memory_space<vmem>>
          %dma_start3A_456 = tpu.memref_squeeze %dma_start3A_455 : memref<1x128xi32, #tpu.memory_space<vmem>> -> memref<128xi32, #tpu.memory_space<vmem>>
          %dma_start3A_457 = arith.constant 0 : i32
          %dma_start3A_458 = arith.constant 0 : i32
          %dma_start3A_459 = tpu.memref_slice %arg2[%dma_start3A_457, %dma_start3A_458] : memref<10240x16xf32, #tpu.memory_space<hbm>> -> memref<10240x16xf32, #tpu.memory_space<hbm>>
          tpu.enqueue_indirect_dma source(%dma_start3A_459 : memref<10240x16xf32, #tpu.memory_space<hbm>>) target(%dma_start3A_453 : memref<128x16xf32, #tpu.memory_space<vmem>>) offsets(%dma_start3A_456 : memref<128xi32, #tpu.memory_space<vmem>>) semaphore(%arg10 : memref<!tpu.dma_semaphore, #tpu.memory_space<semaphore_mem>>)
        } else {
        }
        %dma_wait3A_423 = arith.constant 2 : i32
        %dma_wait3A_424 = arith.constant 0 : i32
        %dma_wait3A_425 = arith.constant 0 : i32
        %dma_wait3A_426 = tpu.memref_slice %arg8[%dma_wait3A_423, %dma_wait3A_424, %dma_wait3A_425] : memref<8x128x16xf32, #tpu.memory_space<vmem>> -> memref<1x128x16xf32, #tpu.memory_space<vmem>>
        %dma_wait3A_427 = tpu.memref_squeeze %dma_wait3A_426 : memref<1x128x16xf32, #tpu.memory_space<vmem>> -> memref<128x16xf32, #tpu.memory_space<vmem>>
        %dma_wait3A_428 = arith.constant 0 : i32
        %dma_wait3A_429 = tpu.memref_slice %arg6[%scan3A_249, %dma_wait3A_428] : memref<80x128xi32, #tpu.memory_space<vmem>> -> memref<1x128xi32, #tpu.memory_space<vmem>>
        %dma_wait3A_430 = tpu.memref_squeeze %dma_wait3A_429 : memref<1x128xi32, #tpu.memory_space<vmem>> -> memref<128xi32, #tpu.memory_space<vmem>>
        %dma_wait3A_431 = arith.constant 0 : i32
        %dma_wait3A_432 = arith.constant 0 : i32
        %dma_wait3A_433 = tpu.memref_slice %arg2[%dma_wait3A_431, %dma_wait3A_432] : memref<10240x16xf32, #tpu.memory_space<hbm>> -> memref<10240x16xf32, #tpu.memory_space<hbm>>
        tpu.wait_indirect_dma semaphore(%arg12 : memref<!tpu.dma_semaphore, #tpu.memory_space<semaphore_mem>>) src(%dma_wait3A_433 : memref<10240x16xf32, #tpu.memory_space<hbm>>) dst(%dma_wait3A_427 : memref<128x16xf32, #tpu.memory_space<vmem>>)
        %dma_start3A_434 = arith.constant 2 : i32
        %dma_start3A_435 = arith.constant 0 : i32
        %dma_start3A_436 = arith.constant 0 : i32
        %dma_start3A_437 = tpu.memref_slice %arg8[%dma_start3A_434, %dma_start3A_435, %dma_start3A_436] : memref<8x128x16xf32, #tpu.memory_space<vmem>> -> memref<1x128x16xf32, #tpu.memory_space<vmem>>
        %dma_start3A_438 = tpu.memref_squeeze %dma_start3A_437 : memref<1x128x16xf32, #tpu.memory_space<vmem>> -> memref<128x16xf32, #tpu.memory_space<vmem>>
        %dma_start3A_439 = arith.constant 0 : i32
        %dma_start3A_440 = tpu.memref_slice %arg7[%scan3A_249, %dma_start3A_439] : memref<80x128xi32, #tpu.memory_space<vmem>> -> memref<1x128xi32, #tpu.memory_space<vmem>>
        %dma_start3A_441 = tpu.memref_squeeze %dma_start3A_440 : memref<1x128xi32, #tpu.memory_space<vmem>> -> memref<128xi32, #tpu.memory_space<vmem>>
        %dma_start3A_442 = arith.constant 0 : i32
        %dma_start3A_443 = arith.constant 0 : i32
        %dma_start3A_444 = tpu.memref_slice %arg9[%dma_start3A_442, %dma_start3A_443] : memref<10240x16xf32, #tpu.memory_space<vmem_shared>> -> memref<10240x16xf32, #tpu.memory_space<vmem_shared>>
        tpu.enqueue_indirect_dma source(%dma_start3A_438 : memref<128x16xf32, #tpu.memory_space<vmem>>) target(%dma_start3A_444 : memref<10240x16xf32, #tpu.memory_space<vmem_shared>>) offsets(%dma_start3A_441 : memref<128xi32, #tpu.memory_space<vmem>>) semaphore(%arg18 : memref<!tpu.dma_semaphore, #tpu.memory_space<semaphore_mem>>) {add = true}
      } else {
      }
      %jit3A_305 = arith.constant 8 : i32
      %eq3A_306 = arith.constant 0 : i32
      %eq3A_307 = arith.cmpi eq, %jit3A_305, %eq3A_306 : i32
      %jit3A_308 = arith.constant 1 : i32
      %select_n3A_309 = arith.select %eq3A_307, %jit3A_308, %jit3A_305 : i32
      %rem3A_310 = arith.remsi %scan3A_249, %select_n3A_309 : i32
      %ne3A_311 = arith.constant 0 : i32
      %ne3A_312 = arith.cmpi ne, %rem3A_310, %ne3A_311 : i32
      %lt3A_313 = arith.constant 0 : i32
      %lt3A_314 = arith.cmpi slt, %rem3A_310, %lt3A_313 : i32
      %lt3A_315 = arith.constant 0 : i32
      %lt3A_316 = arith.cmpi slt, %select_n3A_309, %lt3A_315 : i32
      %ne3A_317 = arith.xori %lt3A_314, %lt3A_316 : i1
      %and3A_318 = arith.andi %ne3A_317, %ne3A_312 : i1
      %add3A_319 = arith.addi %rem3A_310, %select_n3A_309 : i32
      %select_n3A_320 = arith.select %and3A_318, %add3A_319, %rem3A_310 : i32
      %eq3A_321 = arith.constant 3 : i32
      %eq3A_322 = arith.cmpi eq, %select_n3A_320, %eq3A_321 : i32
      %convert_element_type3A_323 = arith.extui %eq3A_322 : i1 to i32
      %cond3A_324 = arith.constant 0 : i32
      %cond3A_325 = arith.cmpi ne, %convert_element_type3A_323, %cond3A_324 : i32
      scf.if %cond3A_325 {
        %ge3A = arith.constant 2 : i32
        %ge3A_411 = arith.cmpi sge, %scan3A_249, %ge3A : i32
        %convert_element_type3A_412 = arith.extui %ge3A_411 : i1 to i32
        %cond3A_413 = arith.constant 0 : i32
        %cond3A_414 = arith.cmpi ne, %convert_element_type3A_412, %cond3A_413 : i32
        scf.if %cond3A_414 {
          %sub3A_445 = arith.constant 2 : i32
          %sub3A_446 = arith.subi %scan3A_249, %sub3A_445 : i32
          %dma_wait3A_447 = arith.constant 1 : i32
          %dma_wait3A_448 = arith.constant 0 : i32
          %dma_wait3A_449 = arith.constant 0 : i32
          %dma_wait3A_450 = tpu.memref_slice %arg8[%dma_wait3A_447, %dma_wait3A_448, %dma_wait3A_449] : memref<8x128x16xf32, #tpu.memory_space<vmem>> -> memref<1x128x16xf32, #tpu.memory_space<vmem>>
          %dma_wait3A_451 = tpu.memref_squeeze %dma_wait3A_450 : memref<1x128x16xf32, #tpu.memory_space<vmem>> -> memref<128x16xf32, #tpu.memory_space<vmem>>
          %dma_wait3A_452 = arith.constant 0 : i32
          %dma_wait3A_453 = tpu.memref_slice %arg7[%sub3A_446, %dma_wait3A_452] : memref<80x128xi32, #tpu.memory_space<vmem>> -> memref<1x128xi32, #tpu.memory_space<vmem>>
          %dma_wait3A_454 = tpu.memref_squeeze %dma_wait3A_453 : memref<1x128xi32, #tpu.memory_space<vmem>> -> memref<128xi32, #tpu.memory_space<vmem>>
          %dma_wait3A_455 = arith.constant 0 : i32
          %dma_wait3A_456 = arith.constant 0 : i32
          %dma_wait3A_457 = tpu.memref_slice %arg9[%dma_wait3A_455, %dma_wait3A_456] : memref<10240x16xf32, #tpu.memory_space<vmem_shared>> -> memref<10240x16xf32, #tpu.memory_space<vmem_shared>>
          tpu.wait_indirect_dma semaphore(%arg19 : memref<!tpu.dma_semaphore, #tpu.memory_space<semaphore_mem>>) src(%dma_wait3A_451 : memref<128x16xf32, #tpu.memory_space<vmem>>) dst(%dma_wait3A_457 : memref<10240x16xf32, #tpu.memory_space<vmem_shared>>)
        } else {
        }
        %add3A_415 = arith.constant 8 : i32
        %add3A_416 = arith.addi %scan3A_249, %add3A_415 : i32
        %sub3A = arith.constant 2 : i32
        %sub3A_417 = arith.subi %add3A_416, %sub3A : i32
        %lt3A_418 = arith.constant 80 : i32
        %lt3A_419 = arith.cmpi slt, %sub3A_417, %lt3A_418 : i32
        %convert_element_type3A_420 = arith.extui %lt3A_419 : i1 to i32
        %cond3A_421 = arith.constant 0 : i32
        %cond3A_422 = arith.cmpi ne, %convert_element_type3A_420, %cond3A_421 : i32
        scf.if %cond3A_422 {
          %add3A_445 = arith.constant 8 : i32
          %add3A_446 = arith.addi %scan3A_249, %add3A_445 : i32
          %sub3A_447 = arith.constant 2 : i32
          %sub3A_448 = arith.subi %add3A_446, %sub3A_447 : i32
          %dma_start3A_449 = arith.constant 1 : i32
          %dma_start3A_450 = arith.constant 0 : i32
          %dma_start3A_451 = arith.constant 0 : i32
          %dma_start3A_452 = tpu.memref_slice %arg8[%dma_start3A_449, %dma_start3A_450, %dma_start3A_451] : memref<8x128x16xf32, #tpu.memory_space<vmem>> -> memref<1x128x16xf32, #tpu.memory_space<vmem>>
          %dma_start3A_453 = tpu.memref_squeeze %dma_start3A_452 : memref<1x128x16xf32, #tpu.memory_space<vmem>> -> memref<128x16xf32, #tpu.memory_space<vmem>>
          %dma_start3A_454 = arith.constant 0 : i32
          %dma_start3A_455 = tpu.memref_slice %arg6[%sub3A_448, %dma_start3A_454] : memref<80x128xi32, #tpu.memory_space<vmem>> -> memref<1x128xi32, #tpu.memory_space<vmem>>
          %dma_start3A_456 = tpu.memref_squeeze %dma_start3A_455 : memref<1x128xi32, #tpu.memory_space<vmem>> -> memref<128xi32, #tpu.memory_space<vmem>>
          %dma_start3A_457 = arith.constant 0 : i32
          %dma_start3A_458 = arith.constant 0 : i32
          %dma_start3A_459 = tpu.memref_slice %arg2[%dma_start3A_457, %dma_start3A_458] : memref<10240x16xf32, #tpu.memory_space<hbm>> -> memref<10240x16xf32, #tpu.memory_space<hbm>>
          tpu.enqueue_indirect_dma source(%dma_start3A_459 : memref<10240x16xf32, #tpu.memory_space<hbm>>) target(%dma_start3A_453 : memref<128x16xf32, #tpu.memory_space<vmem>>) offsets(%dma_start3A_456 : memref<128xi32, #tpu.memory_space<vmem>>) semaphore(%arg11 : memref<!tpu.dma_semaphore, #tpu.memory_space<semaphore_mem>>)
        } else {
        }
        %dma_wait3A_423 = arith.constant 3 : i32
        %dma_wait3A_424 = arith.constant 0 : i32
        %dma_wait3A_425 = arith.constant 0 : i32
        %dma_wait3A_426 = tpu.memref_slice %arg8[%dma_wait3A_423, %dma_wait3A_424, %dma_wait3A_425] : memref<8x128x16xf32, #tpu.memory_space<vmem>> -> memref<1x128x16xf32, #tpu.memory_space<vmem>>
        %dma_wait3A_427 = tpu.memref_squeeze %dma_wait3A_426 : memref<1x128x16xf32, #tpu.memory_space<vmem>> -> memref<128x16xf32, #tpu.memory_space<vmem>>
        %dma_wait3A_428 = arith.constant 0 : i32
        %dma_wait3A_429 = tpu.memref_slice %arg6[%scan3A_249, %dma_wait3A_428] : memref<80x128xi32, #tpu.memory_space<vmem>> -> memref<1x128xi32, #tpu.memory_space<vmem>>
        %dma_wait3A_430 = tpu.memref_squeeze %dma_wait3A_429 : memref<1x128xi32, #tpu.memory_space<vmem>> -> memref<128xi32, #tpu.memory_space<vmem>>
        %dma_wait3A_431 = arith.constant 0 : i32
        %dma_wait3A_432 = arith.constant 0 : i32
        %dma_wait3A_433 = tpu.memref_slice %arg2[%dma_wait3A_431, %dma_wait3A_432] : memref<10240x16xf32, #tpu.memory_space<hbm>> -> memref<10240x16xf32, #tpu.memory_space<hbm>>
        tpu.wait_indirect_dma semaphore(%arg13 : memref<!tpu.dma_semaphore, #tpu.memory_space<semaphore_mem>>) src(%dma_wait3A_433 : memref<10240x16xf32, #tpu.memory_space<hbm>>) dst(%dma_wait3A_427 : memref<128x16xf32, #tpu.memory_space<vmem>>)
        %dma_start3A_434 = arith.constant 3 : i32
        %dma_start3A_435 = arith.constant 0 : i32
        %dma_start3A_436 = arith.constant 0 : i32
        %dma_start3A_437 = tpu.memref_slice %arg8[%dma_start3A_434, %dma_start3A_435, %dma_start3A_436] : memref<8x128x16xf32, #tpu.memory_space<vmem>> -> memref<1x128x16xf32, #tpu.memory_space<vmem>>
        %dma_start3A_438 = tpu.memref_squeeze %dma_start3A_437 : memref<1x128x16xf32, #tpu.memory_space<vmem>> -> memref<128x16xf32, #tpu.memory_space<vmem>>
        %dma_start3A_439 = arith.constant 0 : i32
        %dma_start3A_440 = tpu.memref_slice %arg7[%scan3A_249, %dma_start3A_439] : memref<80x128xi32, #tpu.memory_space<vmem>> -> memref<1x128xi32, #tpu.memory_space<vmem>>
        %dma_start3A_441 = tpu.memref_squeeze %dma_start3A_440 : memref<1x128xi32, #tpu.memory_space<vmem>> -> memref<128xi32, #tpu.memory_space<vmem>>
        %dma_start3A_442 = arith.constant 0 : i32
        %dma_start3A_443 = arith.constant 0 : i32
        %dma_start3A_444 = tpu.memref_slice %arg9[%dma_start3A_442, %dma_start3A_443] : memref<10240x16xf32, #tpu.memory_space<vmem_shared>> -> memref<10240x16xf32, #tpu.memory_space<vmem_shared>>
        tpu.enqueue_indirect_dma source(%dma_start3A_438 : memref<128x16xf32, #tpu.memory_space<vmem>>) target(%dma_start3A_444 : memref<10240x16xf32, #tpu.memory_space<vmem_shared>>) offsets(%dma_start3A_441 : memref<128xi32, #tpu.memory_space<vmem>>) semaphore(%arg19 : memref<!tpu.dma_semaphore, #tpu.memory_space<semaphore_mem>>) {add = true}
      } else {
      }
      %jit3A_326 = arith.constant 8 : i32
      %eq3A_327 = arith.constant 0 : i32
      %eq3A_328 = arith.cmpi eq, %jit3A_326, %eq3A_327 : i32
      %jit3A_329 = arith.constant 1 : i32
      %select_n3A_330 = arith.select %eq3A_328, %jit3A_329, %jit3A_326 : i32
      %rem3A_331 = arith.remsi %scan3A_249, %select_n3A_330 : i32
      %ne3A_332 = arith.constant 0 : i32
      %ne3A_333 = arith.cmpi ne, %rem3A_331, %ne3A_332 : i32
      %lt3A_334 = arith.constant 0 : i32
      %lt3A_335 = arith.cmpi slt, %rem3A_331, %lt3A_334 : i32
      %lt3A_336 = arith.constant 0 : i32
      %lt3A_337 = arith.cmpi slt, %select_n3A_330, %lt3A_336 : i32
      %ne3A_338 = arith.xori %lt3A_335, %lt3A_337 : i1
      %and3A_339 = arith.andi %ne3A_338, %ne3A_333 : i1
      %add3A_340 = arith.addi %rem3A_331, %select_n3A_330 : i32
      %select_n3A_341 = arith.select %and3A_339, %add3A_340, %rem3A_331 : i32
      %eq3A_342 = arith.constant 4 : i32
      %eq3A_343 = arith.cmpi eq, %select_n3A_341, %eq3A_342 : i32
      %convert_element_type3A_344 = arith.extui %eq3A_343 : i1 to i32
      %cond3A_345 = arith.constant 0 : i32
      %cond3A_346 = arith.cmpi ne, %convert_element_type3A_344, %cond3A_345 : i32
      scf.if %cond3A_346 {
        %ge3A = arith.constant 2 : i32
        %ge3A_411 = arith.cmpi sge, %scan3A_249, %ge3A : i32
        %convert_element_type3A_412 = arith.extui %ge3A_411 : i1 to i32
        %cond3A_413 = arith.constant 0 : i32
        %cond3A_414 = arith.cmpi ne, %convert_element_type3A_412, %cond3A_413 : i32
        scf.if %cond3A_414 {
          %sub3A_445 = arith.constant 2 : i32
          %sub3A_446 = arith.subi %scan3A_249, %sub3A_445 : i32
          %dma_wait3A_447 = arith.constant 2 : i32
          %dma_wait3A_448 = arith.constant 0 : i32
          %dma_wait3A_449 = arith.constant 0 : i32
          %dma_wait3A_450 = tpu.memref_slice %arg8[%dma_wait3A_447, %dma_wait3A_448, %dma_wait3A_449] : memref<8x128x16xf32, #tpu.memory_space<vmem>> -> memref<1x128x16xf32, #tpu.memory_space<vmem>>
          %dma_wait3A_451 = tpu.memref_squeeze %dma_wait3A_450 : memref<1x128x16xf32, #tpu.memory_space<vmem>> -> memref<128x16xf32, #tpu.memory_space<vmem>>
          %dma_wait3A_452 = arith.constant 0 : i32
          %dma_wait3A_453 = tpu.memref_slice %arg7[%sub3A_446, %dma_wait3A_452] : memref<80x128xi32, #tpu.memory_space<vmem>> -> memref<1x128xi32, #tpu.memory_space<vmem>>
          %dma_wait3A_454 = tpu.memref_squeeze %dma_wait3A_453 : memref<1x128xi32, #tpu.memory_space<vmem>> -> memref<128xi32, #tpu.memory_space<vmem>>
          %dma_wait3A_455 = arith.constant 0 : i32
          %dma_wait3A_456 = arith.constant 0 : i32
          %dma_wait3A_457 = tpu.memref_slice %arg9[%dma_wait3A_455, %dma_wait3A_456] : memref<10240x16xf32, #tpu.memory_space<vmem_shared>> -> memref<10240x16xf32, #tpu.memory_space<vmem_shared>>
          tpu.wait_indirect_dma semaphore(%arg18 : memref<!tpu.dma_semaphore, #tpu.memory_space<semaphore_mem>>) src(%dma_wait3A_451 : memref<128x16xf32, #tpu.memory_space<vmem>>) dst(%dma_wait3A_457 : memref<10240x16xf32, #tpu.memory_space<vmem_shared>>)
        } else {
        }
        %add3A_415 = arith.constant 8 : i32
        %add3A_416 = arith.addi %scan3A_249, %add3A_415 : i32
        %sub3A = arith.constant 2 : i32
        %sub3A_417 = arith.subi %add3A_416, %sub3A : i32
        %lt3A_418 = arith.constant 80 : i32
        %lt3A_419 = arith.cmpi slt, %sub3A_417, %lt3A_418 : i32
        %convert_element_type3A_420 = arith.extui %lt3A_419 : i1 to i32
        %cond3A_421 = arith.constant 0 : i32
        %cond3A_422 = arith.cmpi ne, %convert_element_type3A_420, %cond3A_421 : i32
        scf.if %cond3A_422 {
          %add3A_445 = arith.constant 8 : i32
          %add3A_446 = arith.addi %scan3A_249, %add3A_445 : i32
          %sub3A_447 = arith.constant 2 : i32
          %sub3A_448 = arith.subi %add3A_446, %sub3A_447 : i32
          %dma_start3A_449 = arith.constant 2 : i32
          %dma_start3A_450 = arith.constant 0 : i32
          %dma_start3A_451 = arith.constant 0 : i32
          %dma_start3A_452 = tpu.memref_slice %arg8[%dma_start3A_449, %dma_start3A_450, %dma_start3A_451] : memref<8x128x16xf32, #tpu.memory_space<vmem>> -> memref<1x128x16xf32, #tpu.memory_space<vmem>>
          %dma_start3A_453 = tpu.memref_squeeze %dma_start3A_452 : memref<1x128x16xf32, #tpu.memory_space<vmem>> -> memref<128x16xf32, #tpu.memory_space<vmem>>
          %dma_start3A_454 = arith.constant 0 : i32
          %dma_start3A_455 = tpu.memref_slice %arg6[%sub3A_448, %dma_start3A_454] : memref<80x128xi32, #tpu.memory_space<vmem>> -> memref<1x128xi32, #tpu.memory_space<vmem>>
          %dma_start3A_456 = tpu.memref_squeeze %dma_start3A_455 : memref<1x128xi32, #tpu.memory_space<vmem>> -> memref<128xi32, #tpu.memory_space<vmem>>
          %dma_start3A_457 = arith.constant 0 : i32
          %dma_start3A_458 = arith.constant 0 : i32
          %dma_start3A_459 = tpu.memref_slice %arg2[%dma_start3A_457, %dma_start3A_458] : memref<10240x16xf32, #tpu.memory_space<hbm>> -> memref<10240x16xf32, #tpu.memory_space<hbm>>
          tpu.enqueue_indirect_dma source(%dma_start3A_459 : memref<10240x16xf32, #tpu.memory_space<hbm>>) target(%dma_start3A_453 : memref<128x16xf32, #tpu.memory_space<vmem>>) offsets(%dma_start3A_456 : memref<128xi32, #tpu.memory_space<vmem>>) semaphore(%arg12 : memref<!tpu.dma_semaphore, #tpu.memory_space<semaphore_mem>>)
        } else {
        }
        %dma_wait3A_423 = arith.constant 4 : i32
        %dma_wait3A_424 = arith.constant 0 : i32
        %dma_wait3A_425 = arith.constant 0 : i32
        %dma_wait3A_426 = tpu.memref_slice %arg8[%dma_wait3A_423, %dma_wait3A_424, %dma_wait3A_425] : memref<8x128x16xf32, #tpu.memory_space<vmem>> -> memref<1x128x16xf32, #tpu.memory_space<vmem>>
        %dma_wait3A_427 = tpu.memref_squeeze %dma_wait3A_426 : memref<1x128x16xf32, #tpu.memory_space<vmem>> -> memref<128x16xf32, #tpu.memory_space<vmem>>
        %dma_wait3A_428 = arith.constant 0 : i32
        %dma_wait3A_429 = tpu.memref_slice %arg6[%scan3A_249, %dma_wait3A_428] : memref<80x128xi32, #tpu.memory_space<vmem>> -> memref<1x128xi32, #tpu.memory_space<vmem>>
        %dma_wait3A_430 = tpu.memref_squeeze %dma_wait3A_429 : memref<1x128xi32, #tpu.memory_space<vmem>> -> memref<128xi32, #tpu.memory_space<vmem>>
        %dma_wait3A_431 = arith.constant 0 : i32
        %dma_wait3A_432 = arith.constant 0 : i32
        %dma_wait3A_433 = tpu.memref_slice %arg2[%dma_wait3A_431, %dma_wait3A_432] : memref<10240x16xf32, #tpu.memory_space<hbm>> -> memref<10240x16xf32, #tpu.memory_space<hbm>>
        tpu.wait_indirect_dma semaphore(%arg14 : memref<!tpu.dma_semaphore, #tpu.memory_space<semaphore_mem>>) src(%dma_wait3A_433 : memref<10240x16xf32, #tpu.memory_space<hbm>>) dst(%dma_wait3A_427 : memref<128x16xf32, #tpu.memory_space<vmem>>)
        %dma_start3A_434 = arith.constant 4 : i32
        %dma_start3A_435 = arith.constant 0 : i32
        %dma_start3A_436 = arith.constant 0 : i32
        %dma_start3A_437 = tpu.memref_slice %arg8[%dma_start3A_434, %dma_start3A_435, %dma_start3A_436] : memref<8x128x16xf32, #tpu.memory_space<vmem>> -> memref<1x128x16xf32, #tpu.memory_space<vmem>>
        %dma_start3A_438 = tpu.memref_squeeze %dma_start3A_437 : memref<1x128x16xf32, #tpu.memory_space<vmem>> -> memref<128x16xf32, #tpu.memory_space<vmem>>
        %dma_start3A_439 = arith.constant 0 : i32
        %dma_start3A_440 = tpu.memref_slice %arg7[%scan3A_249, %dma_start3A_439] : memref<80x128xi32, #tpu.memory_space<vmem>> -> memref<1x128xi32, #tpu.memory_space<vmem>>
        %dma_start3A_441 = tpu.memref_squeeze %dma_start3A_440 : memref<1x128xi32, #tpu.memory_space<vmem>> -> memref<128xi32, #tpu.memory_space<vmem>>
        %dma_start3A_442 = arith.constant 0 : i32
        %dma_start3A_443 = arith.constant 0 : i32
        %dma_start3A_444 = tpu.memref_slice %arg9[%dma_start3A_442, %dma_start3A_443] : memref<10240x16xf32, #tpu.memory_space<vmem_shared>> -> memref<10240x16xf32, #tpu.memory_space<vmem_shared>>
        tpu.enqueue_indirect_dma source(%dma_start3A_438 : memref<128x16xf32, #tpu.memory_space<vmem>>) target(%dma_start3A_444 : memref<10240x16xf32, #tpu.memory_space<vmem_shared>>) offsets(%dma_start3A_441 : memref<128xi32, #tpu.memory_space<vmem>>) semaphore(%arg18 : memref<!tpu.dma_semaphore, #tpu.memory_space<semaphore_mem>>) {add = true}
      } else {
      }
      %jit3A_347 = arith.constant 8 : i32
      %eq3A_348 = arith.constant 0 : i32
      %eq3A_349 = arith.cmpi eq, %jit3A_347, %eq3A_348 : i32
      %jit3A_350 = arith.constant 1 : i32
      %select_n3A_351 = arith.select %eq3A_349, %jit3A_350, %jit3A_347 : i32
      %rem3A_352 = arith.remsi %scan3A_249, %select_n3A_351 : i32
      %ne3A_353 = arith.constant 0 : i32
      %ne3A_354 = arith.cmpi ne, %rem3A_352, %ne3A_353 : i32
      %lt3A_355 = arith.constant 0 : i32
      %lt3A_356 = arith.cmpi slt, %rem3A_352, %lt3A_355 : i32
      %lt3A_357 = arith.constant 0 : i32
      %lt3A_358 = arith.cmpi slt, %select_n3A_351, %lt3A_357 : i32
      %ne3A_359 = arith.xori %lt3A_356, %lt3A_358 : i1
      %and3A_360 = arith.andi %ne3A_359, %ne3A_354 : i1
      %add3A_361 = arith.addi %rem3A_352, %select_n3A_351 : i32
      %select_n3A_362 = arith.select %and3A_360, %add3A_361, %rem3A_352 : i32
      %eq3A_363 = arith.constant 5 : i32
      %eq3A_364 = arith.cmpi eq, %select_n3A_362, %eq3A_363 : i32
      %convert_element_type3A_365 = arith.extui %eq3A_364 : i1 to i32
      %cond3A_366 = arith.constant 0 : i32
      %cond3A_367 = arith.cmpi ne, %convert_element_type3A_365, %cond3A_366 : i32
      scf.if %cond3A_367 {
        %ge3A = arith.constant 2 : i32
        %ge3A_411 = arith.cmpi sge, %scan3A_249, %ge3A : i32
        %convert_element_type3A_412 = arith.extui %ge3A_411 : i1 to i32
        %cond3A_413 = arith.constant 0 : i32
        %cond3A_414 = arith.cmpi ne, %convert_element_type3A_412, %cond3A_413 : i32
        scf.if %cond3A_414 {
          %sub3A_445 = arith.constant 2 : i32
          %sub3A_446 = arith.subi %scan3A_249, %sub3A_445 : i32
          %dma_wait3A_447 = arith.constant 3 : i32
          %dma_wait3A_448 = arith.constant 0 : i32
          %dma_wait3A_449 = arith.constant 0 : i32
          %dma_wait3A_450 = tpu.memref_slice %arg8[%dma_wait3A_447, %dma_wait3A_448, %dma_wait3A_449] : memref<8x128x16xf32, #tpu.memory_space<vmem>> -> memref<1x128x16xf32, #tpu.memory_space<vmem>>
          %dma_wait3A_451 = tpu.memref_squeeze %dma_wait3A_450 : memref<1x128x16xf32, #tpu.memory_space<vmem>> -> memref<128x16xf32, #tpu.memory_space<vmem>>
          %dma_wait3A_452 = arith.constant 0 : i32
          %dma_wait3A_453 = tpu.memref_slice %arg7[%sub3A_446, %dma_wait3A_452] : memref<80x128xi32, #tpu.memory_space<vmem>> -> memref<1x128xi32, #tpu.memory_space<vmem>>
          %dma_wait3A_454 = tpu.memref_squeeze %dma_wait3A_453 : memref<1x128xi32, #tpu.memory_space<vmem>> -> memref<128xi32, #tpu.memory_space<vmem>>
          %dma_wait3A_455 = arith.constant 0 : i32
          %dma_wait3A_456 = arith.constant 0 : i32
          %dma_wait3A_457 = tpu.memref_slice %arg9[%dma_wait3A_455, %dma_wait3A_456] : memref<10240x16xf32, #tpu.memory_space<vmem_shared>> -> memref<10240x16xf32, #tpu.memory_space<vmem_shared>>
          tpu.wait_indirect_dma semaphore(%arg19 : memref<!tpu.dma_semaphore, #tpu.memory_space<semaphore_mem>>) src(%dma_wait3A_451 : memref<128x16xf32, #tpu.memory_space<vmem>>) dst(%dma_wait3A_457 : memref<10240x16xf32, #tpu.memory_space<vmem_shared>>)
        } else {
        }
        %add3A_415 = arith.constant 8 : i32
        %add3A_416 = arith.addi %scan3A_249, %add3A_415 : i32
        %sub3A = arith.constant 2 : i32
        %sub3A_417 = arith.subi %add3A_416, %sub3A : i32
        %lt3A_418 = arith.constant 80 : i32
        %lt3A_419 = arith.cmpi slt, %sub3A_417, %lt3A_418 : i32
        %convert_element_type3A_420 = arith.extui %lt3A_419 : i1 to i32
        %cond3A_421 = arith.constant 0 : i32
        %cond3A_422 = arith.cmpi ne, %convert_element_type3A_420, %cond3A_421 : i32
        scf.if %cond3A_422 {
          %add3A_445 = arith.constant 8 : i32
          %add3A_446 = arith.addi %scan3A_249, %add3A_445 : i32
          %sub3A_447 = arith.constant 2 : i32
          %sub3A_448 = arith.subi %add3A_446, %sub3A_447 : i32
          %dma_start3A_449 = arith.constant 3 : i32
          %dma_start3A_450 = arith.constant 0 : i32
          %dma_start3A_451 = arith.constant 0 : i32
          %dma_start3A_452 = tpu.memref_slice %arg8[%dma_start3A_449, %dma_start3A_450, %dma_start3A_451] : memref<8x128x16xf32, #tpu.memory_space<vmem>> -> memref<1x128x16xf32, #tpu.memory_space<vmem>>
          %dma_start3A_453 = tpu.memref_squeeze %dma_start3A_452 : memref<1x128x16xf32, #tpu.memory_space<vmem>> -> memref<128x16xf32, #tpu.memory_space<vmem>>
          %dma_start3A_454 = arith.constant 0 : i32
          %dma_start3A_455 = tpu.memref_slice %arg6[%sub3A_448, %dma_start3A_454] : memref<80x128xi32, #tpu.memory_space<vmem>> -> memref<1x128xi32, #tpu.memory_space<vmem>>
          %dma_start3A_456 = tpu.memref_squeeze %dma_start3A_455 : memref<1x128xi32, #tpu.memory_space<vmem>> -> memref<128xi32, #tpu.memory_space<vmem>>
          %dma_start3A_457 = arith.constant 0 : i32
          %dma_start3A_458 = arith.constant 0 : i32
          %dma_start3A_459 = tpu.memref_slice %arg2[%dma_start3A_457, %dma_start3A_458] : memref<10240x16xf32, #tpu.memory_space<hbm>> -> memref<10240x16xf32, #tpu.memory_space<hbm>>
          tpu.enqueue_indirect_dma source(%dma_start3A_459 : memref<10240x16xf32, #tpu.memory_space<hbm>>) target(%dma_start3A_453 : memref<128x16xf32, #tpu.memory_space<vmem>>) offsets(%dma_start3A_456 : memref<128xi32, #tpu.memory_space<vmem>>) semaphore(%arg13 : memref<!tpu.dma_semaphore, #tpu.memory_space<semaphore_mem>>)
        } else {
        }
        %dma_wait3A_423 = arith.constant 5 : i32
        %dma_wait3A_424 = arith.constant 0 : i32
        %dma_wait3A_425 = arith.constant 0 : i32
        %dma_wait3A_426 = tpu.memref_slice %arg8[%dma_wait3A_423, %dma_wait3A_424, %dma_wait3A_425] : memref<8x128x16xf32, #tpu.memory_space<vmem>> -> memref<1x128x16xf32, #tpu.memory_space<vmem>>
        %dma_wait3A_427 = tpu.memref_squeeze %dma_wait3A_426 : memref<1x128x16xf32, #tpu.memory_space<vmem>> -> memref<128x16xf32, #tpu.memory_space<vmem>>
        %dma_wait3A_428 = arith.constant 0 : i32
        %dma_wait3A_429 = tpu.memref_slice %arg6[%scan3A_249, %dma_wait3A_428] : memref<80x128xi32, #tpu.memory_space<vmem>> -> memref<1x128xi32, #tpu.memory_space<vmem>>
        %dma_wait3A_430 = tpu.memref_squeeze %dma_wait3A_429 : memref<1x128xi32, #tpu.memory_space<vmem>> -> memref<128xi32, #tpu.memory_space<vmem>>
        %dma_wait3A_431 = arith.constant 0 : i32
        %dma_wait3A_432 = arith.constant 0 : i32
        %dma_wait3A_433 = tpu.memref_slice %arg2[%dma_wait3A_431, %dma_wait3A_432] : memref<10240x16xf32, #tpu.memory_space<hbm>> -> memref<10240x16xf32, #tpu.memory_space<hbm>>
        tpu.wait_indirect_dma semaphore(%arg15 : memref<!tpu.dma_semaphore, #tpu.memory_space<semaphore_mem>>) src(%dma_wait3A_433 : memref<10240x16xf32, #tpu.memory_space<hbm>>) dst(%dma_wait3A_427 : memref<128x16xf32, #tpu.memory_space<vmem>>)
        %dma_start3A_434 = arith.constant 5 : i32
        %dma_start3A_435 = arith.constant 0 : i32
        %dma_start3A_436 = arith.constant 0 : i32
        %dma_start3A_437 = tpu.memref_slice %arg8[%dma_start3A_434, %dma_start3A_435, %dma_start3A_436] : memref<8x128x16xf32, #tpu.memory_space<vmem>> -> memref<1x128x16xf32, #tpu.memory_space<vmem>>
        %dma_start3A_438 = tpu.memref_squeeze %dma_start3A_437 : memref<1x128x16xf32, #tpu.memory_space<vmem>> -> memref<128x16xf32, #tpu.memory_space<vmem>>
        %dma_start3A_439 = arith.constant 0 : i32
        %dma_start3A_440 = tpu.memref_slice %arg7[%scan3A_249, %dma_start3A_439] : memref<80x128xi32, #tpu.memory_space<vmem>> -> memref<1x128xi32, #tpu.memory_space<vmem>>
        %dma_start3A_441 = tpu.memref_squeeze %dma_start3A_440 : memref<1x128xi32, #tpu.memory_space<vmem>> -> memref<128xi32, #tpu.memory_space<vmem>>
        %dma_start3A_442 = arith.constant 0 : i32
        %dma_start3A_443 = arith.constant 0 : i32
        %dma_start3A_444 = tpu.memref_slice %arg9[%dma_start3A_442, %dma_start3A_443] : memref<10240x16xf32, #tpu.memory_space<vmem_shared>> -> memref<10240x16xf32, #tpu.memory_space<vmem_shared>>
        tpu.enqueue_indirect_dma source(%dma_start3A_438 : memref<128x16xf32, #tpu.memory_space<vmem>>) target(%dma_start3A_444 : memref<10240x16xf32, #tpu.memory_space<vmem_shared>>) offsets(%dma_start3A_441 : memref<128xi32, #tpu.memory_space<vmem>>) semaphore(%arg19 : memref<!tpu.dma_semaphore, #tpu.memory_space<semaphore_mem>>) {add = true}
      } else {
      }
      %jit3A_368 = arith.constant 8 : i32
      %eq3A_369 = arith.constant 0 : i32
      %eq3A_370 = arith.cmpi eq, %jit3A_368, %eq3A_369 : i32
      %jit3A_371 = arith.constant 1 : i32
      %select_n3A_372 = arith.select %eq3A_370, %jit3A_371, %jit3A_368 : i32
      %rem3A_373 = arith.remsi %scan3A_249, %select_n3A_372 : i32
      %ne3A_374 = arith.constant 0 : i32
      %ne3A_375 = arith.cmpi ne, %rem3A_373, %ne3A_374 : i32
      %lt3A_376 = arith.constant 0 : i32
      %lt3A_377 = arith.cmpi slt, %rem3A_373, %lt3A_376 : i32
      %lt3A_378 = arith.constant 0 : i32
      %lt3A_379 = arith.cmpi slt, %select_n3A_372, %lt3A_378 : i32
      %ne3A_380 = arith.xori %lt3A_377, %lt3A_379 : i1
      %and3A_381 = arith.andi %ne3A_380, %ne3A_375 : i1
      %add3A_382 = arith.addi %rem3A_373, %select_n3A_372 : i32
      %select_n3A_383 = arith.select %and3A_381, %add3A_382, %rem3A_373 : i32
      %eq3A_384 = arith.constant 6 : i32
      %eq3A_385 = arith.cmpi eq, %select_n3A_383, %eq3A_384 : i32
      %convert_element_type3A_386 = arith.extui %eq3A_385 : i1 to i32
      %cond3A_387 = arith.constant 0 : i32
      %cond3A_388 = arith.cmpi ne, %convert_element_type3A_386, %cond3A_387 : i32
      scf.if %cond3A_388 {
        %ge3A = arith.constant 2 : i32
        %ge3A_411 = arith.cmpi sge, %scan3A_249, %ge3A : i32
        %convert_element_type3A_412 = arith.extui %ge3A_411 : i1 to i32
        %cond3A_413 = arith.constant 0 : i32
        %cond3A_414 = arith.cmpi ne, %convert_element_type3A_412, %cond3A_413 : i32
        scf.if %cond3A_414 {
          %sub3A_445 = arith.constant 2 : i32
          %sub3A_446 = arith.subi %scan3A_249, %sub3A_445 : i32
          %dma_wait3A_447 = arith.constant 4 : i32
          %dma_wait3A_448 = arith.constant 0 : i32
          %dma_wait3A_449 = arith.constant 0 : i32
          %dma_wait3A_450 = tpu.memref_slice %arg8[%dma_wait3A_447, %dma_wait3A_448, %dma_wait3A_449] : memref<8x128x16xf32, #tpu.memory_space<vmem>> -> memref<1x128x16xf32, #tpu.memory_space<vmem>>
          %dma_wait3A_451 = tpu.memref_squeeze %dma_wait3A_450 : memref<1x128x16xf32, #tpu.memory_space<vmem>> -> memref<128x16xf32, #tpu.memory_space<vmem>>
          %dma_wait3A_452 = arith.constant 0 : i32
          %dma_wait3A_453 = tpu.memref_slice %arg7[%sub3A_446, %dma_wait3A_452] : memref<80x128xi32, #tpu.memory_space<vmem>> -> memref<1x128xi32, #tpu.memory_space<vmem>>
          %dma_wait3A_454 = tpu.memref_squeeze %dma_wait3A_453 : memref<1x128xi32, #tpu.memory_space<vmem>> -> memref<128xi32, #tpu.memory_space<vmem>>
          %dma_wait3A_455 = arith.constant 0 : i32
          %dma_wait3A_456 = arith.constant 0 : i32
          %dma_wait3A_457 = tpu.memref_slice %arg9[%dma_wait3A_455, %dma_wait3A_456] : memref<10240x16xf32, #tpu.memory_space<vmem_shared>> -> memref<10240x16xf32, #tpu.memory_space<vmem_shared>>
          tpu.wait_indirect_dma semaphore(%arg18 : memref<!tpu.dma_semaphore, #tpu.memory_space<semaphore_mem>>) src(%dma_wait3A_451 : memref<128x16xf32, #tpu.memory_space<vmem>>) dst(%dma_wait3A_457 : memref<10240x16xf32, #tpu.memory_space<vmem_shared>>)
        } else {
        }
        %add3A_415 = arith.constant 8 : i32
        %add3A_416 = arith.addi %scan3A_249, %add3A_415 : i32
        %sub3A = arith.constant 2 : i32
        %sub3A_417 = arith.subi %add3A_416, %sub3A : i32
        %lt3A_418 = arith.constant 80 : i32
        %lt3A_419 = arith.cmpi slt, %sub3A_417, %lt3A_418 : i32
        %convert_element_type3A_420 = arith.extui %lt3A_419 : i1 to i32
        %cond3A_421 = arith.constant 0 : i32
        %cond3A_422 = arith.cmpi ne, %convert_element_type3A_420, %cond3A_421 : i32
        scf.if %cond3A_422 {
          %add3A_445 = arith.constant 8 : i32
          %add3A_446 = arith.addi %scan3A_249, %add3A_445 : i32
          %sub3A_447 = arith.constant 2 : i32
          %sub3A_448 = arith.subi %add3A_446, %sub3A_447 : i32
          %dma_start3A_449 = arith.constant 4 : i32
          %dma_start3A_450 = arith.constant 0 : i32
          %dma_start3A_451 = arith.constant 0 : i32
          %dma_start3A_452 = tpu.memref_slice %arg8[%dma_start3A_449, %dma_start3A_450, %dma_start3A_451] : memref<8x128x16xf32, #tpu.memory_space<vmem>> -> memref<1x128x16xf32, #tpu.memory_space<vmem>>
          %dma_start3A_453 = tpu.memref_squeeze %dma_start3A_452 : memref<1x128x16xf32, #tpu.memory_space<vmem>> -> memref<128x16xf32, #tpu.memory_space<vmem>>
          %dma_start3A_454 = arith.constant 0 : i32
          %dma_start3A_455 = tpu.memref_slice %arg6[%sub3A_448, %dma_start3A_454] : memref<80x128xi32, #tpu.memory_space<vmem>> -> memref<1x128xi32, #tpu.memory_space<vmem>>
          %dma_start3A_456 = tpu.memref_squeeze %dma_start3A_455 : memref<1x128xi32, #tpu.memory_space<vmem>> -> memref<128xi32, #tpu.memory_space<vmem>>
          %dma_start3A_457 = arith.constant 0 : i32
          %dma_start3A_458 = arith.constant 0 : i32
          %dma_start3A_459 = tpu.memref_slice %arg2[%dma_start3A_457, %dma_start3A_458] : memref<10240x16xf32, #tpu.memory_space<hbm>> -> memref<10240x16xf32, #tpu.memory_space<hbm>>
          tpu.enqueue_indirect_dma source(%dma_start3A_459 : memref<10240x16xf32, #tpu.memory_space<hbm>>) target(%dma_start3A_453 : memref<128x16xf32, #tpu.memory_space<vmem>>) offsets(%dma_start3A_456 : memref<128xi32, #tpu.memory_space<vmem>>) semaphore(%arg14 : memref<!tpu.dma_semaphore, #tpu.memory_space<semaphore_mem>>)
        } else {
        }
        %dma_wait3A_423 = arith.constant 6 : i32
        %dma_wait3A_424 = arith.constant 0 : i32
        %dma_wait3A_425 = arith.constant 0 : i32
        %dma_wait3A_426 = tpu.memref_slice %arg8[%dma_wait3A_423, %dma_wait3A_424, %dma_wait3A_425] : memref<8x128x16xf32, #tpu.memory_space<vmem>> -> memref<1x128x16xf32, #tpu.memory_space<vmem>>
        %dma_wait3A_427 = tpu.memref_squeeze %dma_wait3A_426 : memref<1x128x16xf32, #tpu.memory_space<vmem>> -> memref<128x16xf32, #tpu.memory_space<vmem>>
        %dma_wait3A_428 = arith.constant 0 : i32
        %dma_wait3A_429 = tpu.memref_slice %arg6[%scan3A_249, %dma_wait3A_428] : memref<80x128xi32, #tpu.memory_space<vmem>> -> memref<1x128xi32, #tpu.memory_space<vmem>>
        %dma_wait3A_430 = tpu.memref_squeeze %dma_wait3A_429 : memref<1x128xi32, #tpu.memory_space<vmem>> -> memref<128xi32, #tpu.memory_space<vmem>>
        %dma_wait3A_431 = arith.constant 0 : i32
        %dma_wait3A_432 = arith.constant 0 : i32
        %dma_wait3A_433 = tpu.memref_slice %arg2[%dma_wait3A_431, %dma_wait3A_432] : memref<10240x16xf32, #tpu.memory_space<hbm>> -> memref<10240x16xf32, #tpu.memory_space<hbm>>
        tpu.wait_indirect_dma semaphore(%arg16 : memref<!tpu.dma_semaphore, #tpu.memory_space<semaphore_mem>>) src(%dma_wait3A_433 : memref<10240x16xf32, #tpu.memory_space<hbm>>) dst(%dma_wait3A_427 : memref<128x16xf32, #tpu.memory_space<vmem>>)
        %dma_start3A_434 = arith.constant 6 : i32
        %dma_start3A_435 = arith.constant 0 : i32
        %dma_start3A_436 = arith.constant 0 : i32
        %dma_start3A_437 = tpu.memref_slice %arg8[%dma_start3A_434, %dma_start3A_435, %dma_start3A_436] : memref<8x128x16xf32, #tpu.memory_space<vmem>> -> memref<1x128x16xf32, #tpu.memory_space<vmem>>
        %dma_start3A_438 = tpu.memref_squeeze %dma_start3A_437 : memref<1x128x16xf32, #tpu.memory_space<vmem>> -> memref<128x16xf32, #tpu.memory_space<vmem>>
        %dma_start3A_439 = arith.constant 0 : i32
        %dma_start3A_440 = tpu.memref_slice %arg7[%scan3A_249, %dma_start3A_439] : memref<80x128xi32, #tpu.memory_space<vmem>> -> memref<1x128xi32, #tpu.memory_space<vmem>>
        %dma_start3A_441 = tpu.memref_squeeze %dma_start3A_440 : memref<1x128xi32, #tpu.memory_space<vmem>> -> memref<128xi32, #tpu.memory_space<vmem>>
        %dma_start3A_442 = arith.constant 0 : i32
        %dma_start3A_443 = arith.constant 0 : i32
        %dma_start3A_444 = tpu.memref_slice %arg9[%dma_start3A_442, %dma_start3A_443] : memref<10240x16xf32, #tpu.memory_space<vmem_shared>> -> memref<10240x16xf32, #tpu.memory_space<vmem_shared>>
        tpu.enqueue_indirect_dma source(%dma_start3A_438 : memref<128x16xf32, #tpu.memory_space<vmem>>) target(%dma_start3A_444 : memref<10240x16xf32, #tpu.memory_space<vmem_shared>>) offsets(%dma_start3A_441 : memref<128xi32, #tpu.memory_space<vmem>>) semaphore(%arg18 : memref<!tpu.dma_semaphore, #tpu.memory_space<semaphore_mem>>) {add = true}
      } else {
      }
      %jit3A_389 = arith.constant 8 : i32
      %eq3A_390 = arith.constant 0 : i32
      %eq3A_391 = arith.cmpi eq, %jit3A_389, %eq3A_390 : i32
      %jit3A_392 = arith.constant 1 : i32
      %select_n3A_393 = arith.select %eq3A_391, %jit3A_392, %jit3A_389 : i32
      %rem3A_394 = arith.remsi %scan3A_249, %select_n3A_393 : i32
      %ne3A_395 = arith.constant 0 : i32
      %ne3A_396 = arith.cmpi ne, %rem3A_394, %ne3A_395 : i32
      %lt3A_397 = arith.constant 0 : i32
      %lt3A_398 = arith.cmpi slt, %rem3A_394, %lt3A_397 : i32
      %lt3A_399 = arith.constant 0 : i32
      %lt3A_400 = arith.cmpi slt, %select_n3A_393, %lt3A_399 : i32
      %ne3A_401 = arith.xori %lt3A_398, %lt3A_400 : i1
      %and3A_402 = arith.andi %ne3A_401, %ne3A_396 : i1
      %add3A_403 = arith.addi %rem3A_394, %select_n3A_393 : i32
      %select_n3A_404 = arith.select %and3A_402, %add3A_403, %rem3A_394 : i32
      %eq3A_405 = arith.constant 7 : i32
      %eq3A_406 = arith.cmpi eq, %select_n3A_404, %eq3A_405 : i32
      %convert_element_type3A_407 = arith.extui %eq3A_406 : i1 to i32
      %cond3A_408 = arith.constant 0 : i32
      %cond3A_409 = arith.cmpi ne, %convert_element_type3A_407, %cond3A_408 : i32
      scf.if %cond3A_409 {
        %ge3A = arith.constant 2 : i32
        %ge3A_411 = arith.cmpi sge, %scan3A_249, %ge3A : i32
        %convert_element_type3A_412 = arith.extui %ge3A_411 : i1 to i32
        %cond3A_413 = arith.constant 0 : i32
        %cond3A_414 = arith.cmpi ne, %convert_element_type3A_412, %cond3A_413 : i32
        scf.if %cond3A_414 {
          %sub3A_445 = arith.constant 2 : i32
          %sub3A_446 = arith.subi %scan3A_249, %sub3A_445 : i32
          %dma_wait3A_447 = arith.constant 5 : i32
          %dma_wait3A_448 = arith.constant 0 : i32
          %dma_wait3A_449 = arith.constant 0 : i32
          %dma_wait3A_450 = tpu.memref_slice %arg8[%dma_wait3A_447, %dma_wait3A_448, %dma_wait3A_449] : memref<8x128x16xf32, #tpu.memory_space<vmem>> -> memref<1x128x16xf32, #tpu.memory_space<vmem>>
          %dma_wait3A_451 = tpu.memref_squeeze %dma_wait3A_450 : memref<1x128x16xf32, #tpu.memory_space<vmem>> -> memref<128x16xf32, #tpu.memory_space<vmem>>
          %dma_wait3A_452 = arith.constant 0 : i32
          %dma_wait3A_453 = tpu.memref_slice %arg7[%sub3A_446, %dma_wait3A_452] : memref<80x128xi32, #tpu.memory_space<vmem>> -> memref<1x128xi32, #tpu.memory_space<vmem>>
          %dma_wait3A_454 = tpu.memref_squeeze %dma_wait3A_453 : memref<1x128xi32, #tpu.memory_space<vmem>> -> memref<128xi32, #tpu.memory_space<vmem>>
          %dma_wait3A_455 = arith.constant 0 : i32
          %dma_wait3A_456 = arith.constant 0 : i32
          %dma_wait3A_457 = tpu.memref_slice %arg9[%dma_wait3A_455, %dma_wait3A_456] : memref<10240x16xf32, #tpu.memory_space<vmem_shared>> -> memref<10240x16xf32, #tpu.memory_space<vmem_shared>>
          tpu.wait_indirect_dma semaphore(%arg19 : memref<!tpu.dma_semaphore, #tpu.memory_space<semaphore_mem>>) src(%dma_wait3A_451 : memref<128x16xf32, #tpu.memory_space<vmem>>) dst(%dma_wait3A_457 : memref<10240x16xf32, #tpu.memory_space<vmem_shared>>)
        } else {
        }
        %add3A_415 = arith.constant 8 : i32
        %add3A_416 = arith.addi %scan3A_249, %add3A_415 : i32
        %sub3A = arith.constant 2 : i32
        %sub3A_417 = arith.subi %add3A_416, %sub3A : i32
        %lt3A_418 = arith.constant 80 : i32
        %lt3A_419 = arith.cmpi slt, %sub3A_417, %lt3A_418 : i32
        %convert_element_type3A_420 = arith.extui %lt3A_419 : i1 to i32
        %cond3A_421 = arith.constant 0 : i32
        %cond3A_422 = arith.cmpi ne, %convert_element_type3A_420, %cond3A_421 : i32
        scf.if %cond3A_422 {
          %add3A_445 = arith.constant 8 : i32
          %add3A_446 = arith.addi %scan3A_249, %add3A_445 : i32
          %sub3A_447 = arith.constant 2 : i32
          %sub3A_448 = arith.subi %add3A_446, %sub3A_447 : i32
          %dma_start3A_449 = arith.constant 5 : i32
          %dma_start3A_450 = arith.constant 0 : i32
          %dma_start3A_451 = arith.constant 0 : i32
          %dma_start3A_452 = tpu.memref_slice %arg8[%dma_start3A_449, %dma_start3A_450, %dma_start3A_451] : memref<8x128x16xf32, #tpu.memory_space<vmem>> -> memref<1x128x16xf32, #tpu.memory_space<vmem>>
          %dma_start3A_453 = tpu.memref_squeeze %dma_start3A_452 : memref<1x128x16xf32, #tpu.memory_space<vmem>> -> memref<128x16xf32, #tpu.memory_space<vmem>>
          %dma_start3A_454 = arith.constant 0 : i32
          %dma_start3A_455 = tpu.memref_slice %arg6[%sub3A_448, %dma_start3A_454] : memref<80x128xi32, #tpu.memory_space<vmem>> -> memref<1x128xi32, #tpu.memory_space<vmem>>
          %dma_start3A_456 = tpu.memref_squeeze %dma_start3A_455 : memref<1x128xi32, #tpu.memory_space<vmem>> -> memref<128xi32, #tpu.memory_space<vmem>>
          %dma_start3A_457 = arith.constant 0 : i32
          %dma_start3A_458 = arith.constant 0 : i32
          %dma_start3A_459 = tpu.memref_slice %arg2[%dma_start3A_457, %dma_start3A_458] : memref<10240x16xf32, #tpu.memory_space<hbm>> -> memref<10240x16xf32, #tpu.memory_space<hbm>>
          tpu.enqueue_indirect_dma source(%dma_start3A_459 : memref<10240x16xf32, #tpu.memory_space<hbm>>) target(%dma_start3A_453 : memref<128x16xf32, #tpu.memory_space<vmem>>) offsets(%dma_start3A_456 : memref<128xi32, #tpu.memory_space<vmem>>) semaphore(%arg15 : memref<!tpu.dma_semaphore, #tpu.memory_space<semaphore_mem>>)
        } else {
        }
        %dma_wait3A_423 = arith.constant 7 : i32
        %dma_wait3A_424 = arith.constant 0 : i32
        %dma_wait3A_425 = arith.constant 0 : i32
        %dma_wait3A_426 = tpu.memref_slice %arg8[%dma_wait3A_423, %dma_wait3A_424, %dma_wait3A_425] : memref<8x128x16xf32, #tpu.memory_space<vmem>> -> memref<1x128x16xf32, #tpu.memory_space<vmem>>
        %dma_wait3A_427 = tpu.memref_squeeze %dma_wait3A_426 : memref<1x128x16xf32, #tpu.memory_space<vmem>> -> memref<128x16xf32, #tpu.memory_space<vmem>>
        %dma_wait3A_428 = arith.constant 0 : i32
        %dma_wait3A_429 = tpu.memref_slice %arg6[%scan3A_249, %dma_wait3A_428] : memref<80x128xi32, #tpu.memory_space<vmem>> -> memref<1x128xi32, #tpu.memory_space<vmem>>
        %dma_wait3A_430 = tpu.memref_squeeze %dma_wait3A_429 : memref<1x128xi32, #tpu.memory_space<vmem>> -> memref<128xi32, #tpu.memory_space<vmem>>
        %dma_wait3A_431 = arith.constant 0 : i32
        %dma_wait3A_432 = arith.constant 0 : i32
        %dma_wait3A_433 = tpu.memref_slice %arg2[%dma_wait3A_431, %dma_wait3A_432] : memref<10240x16xf32, #tpu.memory_space<hbm>> -> memref<10240x16xf32, #tpu.memory_space<hbm>>
        tpu.wait_indirect_dma semaphore(%arg17 : memref<!tpu.dma_semaphore, #tpu.memory_space<semaphore_mem>>) src(%dma_wait3A_433 : memref<10240x16xf32, #tpu.memory_space<hbm>>) dst(%dma_wait3A_427 : memref<128x16xf32, #tpu.memory_space<vmem>>)
        %dma_start3A_434 = arith.constant 7 : i32
        %dma_start3A_435 = arith.constant 0 : i32
        %dma_start3A_436 = arith.constant 0 : i32
        %dma_start3A_437 = tpu.memref_slice %arg8[%dma_start3A_434, %dma_start3A_435, %dma_start3A_436] : memref<8x128x16xf32, #tpu.memory_space<vmem>> -> memref<1x128x16xf32, #tpu.memory_space<vmem>>
        %dma_start3A_438 = tpu.memref_squeeze %dma_start3A_437 : memref<1x128x16xf32, #tpu.memory_space<vmem>> -> memref<128x16xf32, #tpu.memory_space<vmem>>
        %dma_start3A_439 = arith.constant 0 : i32
        %dma_start3A_440 = tpu.memref_slice %arg7[%scan3A_249, %dma_start3A_439] : memref<80x128xi32, #tpu.memory_space<vmem>> -> memref<1x128xi32, #tpu.memory_space<vmem>>
        %dma_start3A_441 = tpu.memref_squeeze %dma_start3A_440 : memref<1x128xi32, #tpu.memory_space<vmem>> -> memref<128xi32, #tpu.memory_space<vmem>>
        %dma_start3A_442 = arith.constant 0 : i32
        %dma_start3A_443 = arith.constant 0 : i32
        %dma_start3A_444 = tpu.memref_slice %arg9[%dma_start3A_442, %dma_start3A_443] : memref<10240x16xf32, #tpu.memory_space<vmem_shared>> -> memref<10240x16xf32, #tpu.memory_space<vmem_shared>>
        tpu.enqueue_indirect_dma source(%dma_start3A_438 : memref<128x16xf32, #tpu.memory_space<vmem>>) target(%dma_start3A_444 : memref<10240x16xf32, #tpu.memory_space<vmem_shared>>) offsets(%dma_start3A_441 : memref<128xi32, #tpu.memory_space<vmem>>) semaphore(%arg19 : memref<!tpu.dma_semaphore, #tpu.memory_space<semaphore_mem>>) {add = true}
      } else {
      }
      %scan3A_410 = arith.constant 0 : i32
      scf.yield %scan3A_410 : i32
    }
    %scan3A_223 = arith.constant 80 : i32
    %dma_wait3A_224 = arith.constant 6 : i32
    %dma_wait3A_225 = arith.constant 78 : i32
    %dma_wait3A_226 = arith.constant 0 : i32
    %dma_wait3A_227 = arith.constant 0 : i32
    %dma_wait3A_228 = tpu.memref_slice %arg8[%dma_wait3A_224, %dma_wait3A_226, %dma_wait3A_227] : memref<8x128x16xf32, #tpu.memory_space<vmem>> -> memref<1x128x16xf32, #tpu.memory_space<vmem>>
    %dma_wait3A_229 = tpu.memref_squeeze %dma_wait3A_228 : memref<1x128x16xf32, #tpu.memory_space<vmem>> -> memref<128x16xf32, #tpu.memory_space<vmem>>
    %dma_wait3A_230 = arith.constant 0 : i32
    %dma_wait3A_231 = tpu.memref_slice %arg7[%dma_wait3A_225, %dma_wait3A_230] : memref<80x128xi32, #tpu.memory_space<vmem>> -> memref<1x128xi32, #tpu.memory_space<vmem>>
    %dma_wait3A_232 = tpu.memref_squeeze %dma_wait3A_231 : memref<1x128xi32, #tpu.memory_space<vmem>> -> memref<128xi32, #tpu.memory_space<vmem>>
    %dma_wait3A_233 = arith.constant 0 : i32
    %dma_wait3A_234 = arith.constant 0 : i32
    %dma_wait3A_235 = tpu.memref_slice %arg9[%dma_wait3A_233, %dma_wait3A_234] : memref<10240x16xf32, #tpu.memory_space<vmem_shared>> -> memref<10240x16xf32, #tpu.memory_space<vmem_shared>>
    tpu.wait_indirect_dma semaphore(%arg18 : memref<!tpu.dma_semaphore, #tpu.memory_space<semaphore_mem>>) src(%dma_wait3A_229 : memref<128x16xf32, #tpu.memory_space<vmem>>) dst(%dma_wait3A_235 : memref<10240x16xf32, #tpu.memory_space<vmem_shared>>)
    %dma_wait3A_236 = arith.constant 7 : i32
    %dma_wait3A_237 = arith.constant 79 : i32
    %dma_wait3A_238 = arith.constant 0 : i32
    %dma_wait3A_239 = arith.constant 0 : i32
    %dma_wait3A_240 = tpu.memref_slice %arg8[%dma_wait3A_236, %dma_wait3A_238, %dma_wait3A_239] : memref<8x128x16xf32, #tpu.memory_space<vmem>> -> memref<1x128x16xf32, #tpu.memory_space<vmem>>
    %dma_wait3A_241 = tpu.memref_squeeze %dma_wait3A_240 : memref<1x128x16xf32, #tpu.memory_space<vmem>> -> memref<128x16xf32, #tpu.memory_space<vmem>>
    %dma_wait3A_242 = arith.constant 0 : i32
    %dma_wait3A_243 = tpu.memref_slice %arg7[%dma_wait3A_237, %dma_wait3A_242] : memref<80x128xi32, #tpu.memory_space<vmem>> -> memref<1x128xi32, #tpu.memory_space<vmem>>
    %dma_wait3A_244 = tpu.memref_squeeze %dma_wait3A_243 : memref<1x128xi32, #tpu.memory_space<vmem>> -> memref<128xi32, #tpu.memory_space<vmem>>
    %dma_wait3A_245 = arith.constant 0 : i32
    %dma_wait3A_246 = arith.constant 0 : i32
    %dma_wait3A_247 = tpu.memref_slice %arg9[%dma_wait3A_245, %dma_wait3A_246] : memref<10240x16xf32, #tpu.memory_space<vmem_shared>> -> memref<10240x16xf32, #tpu.memory_space<vmem_shared>>
    tpu.wait_indirect_dma semaphore(%arg19 : memref<!tpu.dma_semaphore, #tpu.memory_space<semaphore_mem>>) src(%dma_wait3A_241 : memref<128x16xf32, #tpu.memory_space<vmem>>) dst(%dma_wait3A_247 : memref<10240x16xf32, #tpu.memory_space<vmem_shared>>)
    %barrier3A_248 = arith.constant 0 : index
    tpu.barrier barrier_id(%barrier3A_248)
    "tpu.region"() ({
      %run_scoped3A = tpu.sem_alloc : memref<!tpu.dma_semaphore, #tpu.memory_space<semaphore_mem>>
      %dma_start3A_249 = arith.constant 0 : i32
      %dma_start3A_250 = tpu.memref_slice %arg5[%arg0, %mul3A_7, %dma_start3A_249] : memref<2x10240x16xf32, #tpu.memory_space<hbm>> -> memref<1x640x16xf32, #tpu.memory_space<hbm>>
      %dma_start3A_251 = tpu.memref_squeeze %dma_start3A_250 : memref<1x640x16xf32, #tpu.memory_space<hbm>> -> memref<640x16xf32, #tpu.memory_space<hbm>>
      %dma_start3A_252 = arith.constant 0 : i32
      %dma_start3A_253 = tpu.memref_slice %arg9[%mul3A_7, %dma_start3A_252] : memref<10240x16xf32, #tpu.memory_space<vmem_shared>> -> memref<640x16xf32, #tpu.memory_space<vmem_shared>>
      tpu.enqueue_dma source(%dma_start3A_253 : memref<640x16xf32, #tpu.memory_space<vmem_shared>>) target(%dma_start3A_251 : memref<640x16xf32, #tpu.memory_space<hbm>>) target_semaphore(%run_scoped3A : memref<!tpu.dma_semaphore, #tpu.memory_space<semaphore_mem>>)
      %dma_wait3A_254 = arith.constant 0 : i32
      %dma_wait3A_255 = tpu.memref_slice %arg5[%arg0, %mul3A_7, %dma_wait3A_254] : memref<2x10240x16xf32, #tpu.memory_space<hbm>> -> memref<1x640x16xf32, #tpu.memory_space<hbm>>
      %dma_wait3A_256 = tpu.memref_squeeze %dma_wait3A_255 : memref<1x640x16xf32, #tpu.memory_space<hbm>> -> memref<640x16xf32, #tpu.memory_space<hbm>>
      %dma_wait3A_257 = arith.constant 0 : i32
      %dma_wait3A_258 = tpu.memref_slice %arg9[%mul3A_7, %dma_wait3A_257] : memref<10240x16xf32, #tpu.memory_space<vmem_shared>> -> memref<640x16xf32, #tpu.memory_space<vmem_shared>>
      tpu.wait_dma2 semaphore(%run_scoped3A : memref<!tpu.dma_semaphore, #tpu.memory_space<semaphore_mem>>) src(%dma_wait3A_258 : memref<640x16xf32, #tpu.memory_space<vmem_shared>>) dst(%dma_wait3A_256 : memref<640x16xf32, #tpu.memory_space<hbm>>)
      tpu.yield
    }) : () -> ()
    return
  }
}

module attributes {stable_mosaic.version = 14 : i64} {
  func.func @body(%arg0: i32, %arg1: memref<2000x128xf32, #tpu.memory_space<vmem>>, %arg2: memref<128x128xf32, #tpu.memory_space<vmem>>, %arg3: memref<2000x128xf32, #tpu.memory_space<vmem>>) attributes {dimension_semantics = [#tpu.dimension_semantics<arbitrary>], iteration_bounds = array<i64: 5>, scalar_prefetch = 0 : i64, scratch_operands = 0 : i64, tpu.core_type = #tpu.core_type<tc>, window_params = [{transform_indices = @transform_0, window_bounds = array<i64: 2000, 128>}, {pipeline_mode = #tpu.pipeline_mode<synchronous>, transform_indices = @transform_1, window_bounds = array<i64: 128, 128>}, {transform_indices = @transform_2, window_bounds = array<i64: 2000, 128>}]} {
    %get3A = arith.constant 0 : index
    %get3A_0 = arith.constant 0 : index
    %get3A_1 = vector.load %arg1[%get3A, %get3A_0] : memref<2000x128xf32, #tpu.memory_space<vmem>>, vector<2000x128xf32>
    %get3A_2 = arith.constant 0 : index
    %get3A_3 = arith.constant 0 : index
    %get3A_4 = vector.load %arg2[%get3A_2, %get3A_3] : memref<128x128xf32, #tpu.memory_space<vmem>>, vector<128x128xf32>
    %dot_general3A = arith.constant dense<0.000000e+00> : vector<2000x128xf32>
    %dot_general3A_5 = tpu.matmul %get3A_1, %get3A_4, %dot_general3A {dimension_numbers = #tpu.dot_dimension_numbers<[1], [0], [0], [1], [0, 0, 1, 1], [], []>, transpose_lhs_hint = false} : vector<2000x128xf32>, vector<128x128xf32>, vector<2000x128xf32> -> vector<2000x128xf32>
    %swap3A = arith.constant 0 : index
    %swap3A_6 = arith.constant 0 : index
    %swap3A_7 = vector.load %arg3[%swap3A, %swap3A_6] : memref<2000x128xf32, #tpu.memory_space<vmem>>, vector<2000x128xf32>
    tpu.vector_store %arg3[%swap3A, %swap3A_6], %dot_general3A_5 {strides = array<i32>} : memref<2000x128xf32, #tpu.memory_space<vmem>>, vector<2000x128xf32>,
    return
  }
  func.func @transform_0(%arg0: i32) -> (i32, i32) {
    %c0_i32 = arith.constant 0 : i32
    %c0_i32_0 = arith.constant 0 : i32
    return %arg0, %c0_i32 : i32, i32
  }
  func.func @transform_1(%arg0: i32) -> (i32, i32) {
    %c0_i32 = arith.constant 0 : i32
    %c0_i32_0 = arith.constant 0 : i32
    %c0_i32_1 = arith.constant 0 : i32
    return %c0_i32, %c0_i32_0 : i32, i32
  }
  func.func @transform_2(%arg0: i32) -> (i32, i32) {
    %c0_i32 = arith.constant 0 : i32
    %c0_i32_0 = arith.constant 0 : i32
    return %arg0, %c0_i32 : i32, i32
  }
}

module attributes {stable_mosaic.version = 14 : i64} {
  func.func @body(%arg0: i32, %arg1: memref<1x1024x128xf32, #tpu.memory_space<vmem>>, %arg2: memref<1x1024x128xf32, #tpu.memory_space<vmem>>, %arg3: memref<1x1x128xf32, #tpu.memory_space<vmem>>, %arg4: memref<1x1x128xf32, #tpu.memory_space<vmem>>, %arg5: memref<1x128x32xf32, #tpu.memory_space<vmem>>, %arg6: memref<1x128x32xf32, #tpu.memory_space<vmem>>, %arg7: memref<1024x32xf32, #tpu.memory_space<vmem>>) attributes {dimension_semantics = [#tpu.dimension_semantics<arbitrary>], iteration_bounds = array<i64: 5>, scalar_prefetch = 0 : i64, scratch_operands = 0 : i64, tpu.core_type = #tpu.core_type<tc>, window_params = [{transform_indices = @transform_0, window_bounds = array<i64: 1, 1024, 128>}, {transform_indices = @transform_1, window_bounds = array<i64: 1, 1024, 128>}, {transform_indices = @transform_2, window_bounds = array<i64: 1, 1, 128>}, {transform_indices = @transform_3, window_bounds = array<i64: 1, 1, 128>}, {transform_indices = @transform_4, window_bounds = array<i64: 1, 128, 32>}, {transform_indices = @transform_5, window_bounds = array<i64: 1, 128, 32>}, {transform_indices = @transform_6, window_bounds = array<i64: 1024, 32>}]} {
    %get3A = arith.constant 0 : index
    %get3A_0 = arith.constant 0 : index
    %get3A_1 = arith.constant 0 : index
    %get3A_2 = vector.load %arg1[%get3A, %get3A_0, %get3A_1] : memref<1x1024x128xf32, #tpu.memory_space<vmem>>, vector<1x1024x128xf32>
    %get3A_3 = vector.shape_cast %get3A_2 : vector<1x1024x128xf32> to vector<1024x128xf32>
    %get3A_4 = arith.constant 0 : index
    %get3A_5 = arith.constant 0 : index
    %get3A_6 = arith.constant 0 : index
    %get3A_7 = vector.load %arg3[%get3A_4, %get3A_5, %get3A_6] : memref<1x1x128xf32, #tpu.memory_space<vmem>>, vector<1x1x128xf32>
    %get3A_8 = vector.shape_cast %get3A_7 : vector<1x1x128xf32> to vector<1x128xf32>
    %add3A = vector.broadcast %get3A_8 : vector<1x128xf32> to vector<1024x128xf32>
    %add3A_9 = arith.addf %get3A_3, %add3A : vector<1024x128xf32>
    %max3A = arith.constant 0.000000e+00 : f32
    %max3A_10 = vector.broadcast %max3A : f32 to vector<1024x128xf32>
    %max3A_11 = arith.maximumf %add3A_9, %max3A_10 : vector<1024x128xf32>
    %get3A_12 = arith.constant 0 : index
    %get3A_13 = arith.constant 0 : index
    %get3A_14 = arith.constant 0 : index
    %get3A_15 = vector.load %arg2[%get3A_12, %get3A_13, %get3A_14] : memref<1x1024x128xf32, #tpu.memory_space<vmem>>, vector<1x1024x128xf32>
    %get3A_16 = vector.shape_cast %get3A_15 : vector<1x1024x128xf32> to vector<1024x128xf32>
    %get3A_17 = arith.constant 0 : index
    %get3A_18 = arith.constant 0 : index
    %get3A_19 = arith.constant 0 : index
    %get3A_20 = vector.load %arg4[%get3A_17, %get3A_18, %get3A_19] : memref<1x1x128xf32, #tpu.memory_space<vmem>>, vector<1x1x128xf32>
    %get3A_21 = vector.shape_cast %get3A_20 : vector<1x1x128xf32> to vector<1x128xf32>
    %add3A_22 = vector.broadcast %get3A_21 : vector<1x128xf32> to vector<1024x128xf32>
    %add3A_23 = arith.addf %get3A_16, %add3A_22 : vector<1024x128xf32>
    %max3A_24 = arith.constant 0.000000e+00 : f32
    %max3A_25 = vector.broadcast %max3A_24 : f32 to vector<1024x128xf32>
    %max3A_26 = arith.maximumf %add3A_23, %max3A_25 : vector<1024x128xf32>
    %get3A_27 = arith.constant 0 : index
    %get3A_28 = arith.constant 0 : index
    %get3A_29 = arith.constant 0 : index
    %get3A_30 = vector.load %arg5[%get3A_27, %get3A_28, %get3A_29] : memref<1x128x32xf32, #tpu.memory_space<vmem>>, vector<1x128x32xf32>
    %get3A_31 = vector.shape_cast %get3A_30 : vector<1x128x32xf32> to vector<128x32xf32>
    %dot_general3A = arith.constant dense<0.000000e+00> : vector<1024x32xf32>
    %dot_general3A_32 = tpu.matmul %max3A_11, %get3A_31, %dot_general3A {dimension_numbers = #tpu.dot_dimension_numbers<[1], [0], [0], [1], [0, 0, 1, 1], [], []>, transpose_lhs_hint = false} : vector<1024x128xf32>, vector<128x32xf32>, vector<1024x32xf32> -> vector<1024x32xf32>
    %get3A_33 = arith.constant 0 : index
    %get3A_34 = arith.constant 0 : index
    %get3A_35 = arith.constant 0 : index
    %get3A_36 = vector.load %arg6[%get3A_33, %get3A_34, %get3A_35] : memref<1x128x32xf32, #tpu.memory_space<vmem>>, vector<1x128x32xf32>
    %get3A_37 = vector.shape_cast %get3A_36 : vector<1x128x32xf32> to vector<128x32xf32>
    %dot_general3A_38 = arith.constant dense<0.000000e+00> : vector<1024x32xf32>
    %dot_general3A_39 = tpu.matmul %max3A_26, %get3A_37, %dot_general3A_38 {dimension_numbers = #tpu.dot_dimension_numbers<[1], [0], [0], [1], [0, 0, 1, 1], [], []>, transpose_lhs_hint = false} : vector<1024x128xf32>, vector<128x32xf32>, vector<1024x32xf32> -> vector<1024x32xf32>
    %add3A_40 = arith.addf %dot_general3A_32, %dot_general3A_39 : vector<1024x32xf32>
    %swap3A = arith.constant 0 : index
    %swap3A_41 = arith.constant 0 : index
    %swap3A_42 = vector.load %arg7[%swap3A, %swap3A_41] : memref<1024x32xf32, #tpu.memory_space<vmem>>, vector<1024x32xf32>
    tpu.vector_store %arg7[%swap3A, %swap3A_41], %add3A_40 {strides = array<i32>} : memref<1024x32xf32, #tpu.memory_space<vmem>>, vector<1024x32xf32>,
    return
  }
  func.func @transform_0(%arg0: i32) -> (i32, i32, i32) {
    %c0_i32 = arith.constant 0 : i32
    %c0_i32_0 = arith.constant 0 : i32
    %c0_i32_1 = arith.constant 0 : i32
    return %c0_i32, %arg0, %c0_i32_0 : i32, i32, i32
  }
  func.func @transform_1(%arg0: i32) -> (i32, i32, i32) {
    %c1_i32 = arith.constant 1 : i32
    %c0_i32 = arith.constant 0 : i32
    %c0_i32_0 = arith.constant 0 : i32
    return %c1_i32, %arg0, %c0_i32 : i32, i32, i32
  }
  func.func @transform_2(%arg0: i32) -> (i32, i32, i32) {
    %c0_i32 = arith.constant 0 : i32
    %c0_i32_0 = arith.constant 0 : i32
    %c0_i32_1 = arith.constant 0 : i32
    %c0_i32_2 = arith.constant 0 : i32
    return %c0_i32, %c0_i32_0, %c0_i32_1 : i32, i32, i32
  }
  func.func @transform_3(%arg0: i32) -> (i32, i32, i32) {
    %c1_i32 = arith.constant 1 : i32
    %c0_i32 = arith.constant 0 : i32
    %c0_i32_0 = arith.constant 0 : i32
    %c0_i32_1 = arith.constant 0 : i32
    return %c1_i32, %c0_i32, %c0_i32_0 : i32, i32, i32
  }
  func.func @transform_4(%arg0: i32) -> (i32, i32, i32) {
    %c0_i32 = arith.constant 0 : i32
    %c0_i32_0 = arith.constant 0 : i32
    %c0_i32_1 = arith.constant 0 : i32
    %c0_i32_2 = arith.constant 0 : i32
    return %c0_i32, %c0_i32_0, %c0_i32_1 : i32, i32, i32
  }
  func.func @transform_5(%arg0: i32) -> (i32, i32, i32) {
    %c1_i32 = arith.constant 1 : i32
    %c0_i32 = arith.constant 0 : i32
    %c0_i32_0 = arith.constant 0 : i32
    %c0_i32_1 = arith.constant 0 : i32
    return %c1_i32, %c0_i32, %c0_i32_0 : i32, i32, i32
  }
  func.func @transform_6(%arg0: i32) -> (i32, i32) {
    %c0_i32 = arith.constant 0 : i32
    %c0_i32_0 = arith.constant 0 : i32
    return %arg0, %c0_i32 : i32, i32
  }
}

module attributes {stable_mosaic.version = 14 : i64} {
  func.func @body(%arg0: i32, %arg1: memref<2x1280x128xf32, #tpu.memory_space<vmem>>, %arg2: memref<1x128xf32, #tpu.memory_space<vmem>>, %arg3: memref<1280x128xf32, #tpu.memory_space<vmem>>) attributes {dimension_semantics = [#tpu.dimension_semantics<arbitrary>], iteration_bounds = array<i64: 1>, scalar_prefetch = 0 : i64, scratch_operands = 0 : i64, tpu.core_type = #tpu.core_type<tc>, window_params = [{pipeline_mode = #tpu.pipeline_mode<synchronous>, transform_indices = @transform_0, window_bounds = array<i64: 2, 1280, 128>}, {pipeline_mode = #tpu.pipeline_mode<synchronous>, transform_indices = @transform_1, window_bounds = array<i64: 1, 128>}, {pipeline_mode = #tpu.pipeline_mode<synchronous>, transform_indices = @transform_2, window_bounds = array<i64: 1280, 128>}]} {
    %get3A = arith.constant 0 : index
    %get3A_0 = arith.constant 0 : index
    %get3A_1 = arith.constant 0 : index
    %get3A_2 = vector.load %arg1[%get3A, %get3A_0, %get3A_1] : memref<2x1280x128xf32, #tpu.memory_space<vmem>>, vector<1x1280x128xf32>
    %get3A_3 = vector.shape_cast %get3A_2 : vector<1x1280x128xf32> to vector<1280x128xf32>
    %get3A_4 = arith.constant 1 : index
    %get3A_5 = arith.constant 0 : index
    %get3A_6 = arith.constant 0 : index
    %get3A_7 = vector.load %arg1[%get3A_4, %get3A_5, %get3A_6] : memref<2x1280x128xf32, #tpu.memory_space<vmem>>, vector<1x1280x128xf32>
    %get3A_8 = vector.shape_cast %get3A_7 : vector<1x1280x128xf32> to vector<1280x128xf32>
    %add3A = arith.addf %get3A_3, %get3A_8 : vector<1280x128xf32>
    %get3A_9 = arith.constant 0 : index
    %get3A_10 = arith.constant 0 : index
    %get3A_11 = vector.load %arg2[%get3A_9, %get3A_10] : memref<1x128xf32, #tpu.memory_space<vmem>>, vector<1x128xf32>
    %add3A_12 = vector.broadcast %get3A_11 : vector<1x128xf32> to vector<1280x128xf32>
    %add3A_13 = arith.addf %add3A, %add3A_12 : vector<1280x128xf32>
    %iota3A = tpu.iota {dimensions = array<i32: 1>} : vector<1280x128xi32>
    %jit3A = arith.constant 16 : i32
    %eq3A = arith.constant 0 : i32
    %eq3A_14 = arith.cmpi eq, %jit3A, %eq3A : i32
    %jit3A_15 = arith.constant 1 : i32
    %select_n3A = arith.select %eq3A_14, %jit3A_15, %jit3A : i32
    %rem3A = vector.broadcast %select_n3A : i32 to vector<1280x128xi32>
    %rem3A_16 = arith.remsi %iota3A, %rem3A : vector<1280x128xi32>
    %ne3A = arith.constant 0 : i32
    %ne3A_17 = vector.broadcast %ne3A : i32 to vector<1280x128xi32>
    %ne3A_18 = arith.cmpi ne, %rem3A_16, %ne3A_17 : vector<1280x128xi32>
    %lt3A = arith.constant 0 : i32
    %lt3A_19 = vector.broadcast %lt3A : i32 to vector<1280x128xi32>
    %lt3A_20 = arith.cmpi slt, %rem3A_16, %lt3A_19 : vector<1280x128xi32>
    %lt3A_21 = arith.constant 0 : i32
    %lt3A_22 = arith.cmpi slt, %select_n3A, %lt3A_21 : i32
    %ne3A_23 = vector.broadcast %lt3A_22 : i1 to vector<1280x128xi1>
    %ne3A_24 = vector.broadcast %ne3A_23 : vector<1280x128xi1> to vector<1280x128xi1>
    %ne3A_25 = arith.xori %lt3A_20, %ne3A_24 : vector<1280x128xi1>
    %and3A = arith.andi %ne3A_25, %ne3A_18 : vector<1280x128xi1>
    %add3A_26 = vector.broadcast %select_n3A : i32 to vector<1280x128xi32>
    %add3A_27 = arith.addi %rem3A_16, %add3A_26 : vector<1280x128xi32>
    %select_n3A_28 = arith.select %and3A, %add3A_27, %rem3A_16 : vector<1280x128xi1>, vector<1280x128xi32>
    %roll3A = arith.constant 127 : i32
    %roll3A_29 = tpu.dynamic_rotate %add3A_13 by %roll3A dim 1 : vector<1280x128xf32>, i32 -> vector<1280x128xf32>
    %le3A = arith.constant 14 : i32
    %le3A_30 = vector.broadcast %le3A : i32 to vector<1280x128xi32>
    %le3A_31 = arith.cmpi sle, %select_n3A_28, %le3A_30 : vector<1280x128xi32>
    %jit3A_32 = arith.constant -1.000000e+30 : f32
    %broadcast_in_dim3A = vector.broadcast %jit3A_32 : f32 to vector<1280x128xf32>
    %select_n3A_33 = arith.select %le3A_31, %roll3A_29, %broadcast_in_dim3A : vector<1280x128xi1>, vector<1280x128xf32>
    %max3A = arith.maximumf %add3A_13, %select_n3A_33 : vector<1280x128xf32>
    %roll3A_34 = arith.constant 126 : i32
    %roll3A_35 = tpu.dynamic_rotate %max3A by %roll3A_34 dim 1 : vector<1280x128xf32>, i32 -> vector<1280x128xf32>
    %le3A_36 = arith.constant 13 : i32
    %le3A_37 = vector.broadcast %le3A_36 : i32 to vector<1280x128xi32>
    %le3A_38 = arith.cmpi sle, %select_n3A_28, %le3A_37 : vector<1280x128xi32>
    %jit3A_39 = arith.constant -1.000000e+30 : f32
    %broadcast_in_dim3A_40 = vector.broadcast %jit3A_39 : f32 to vector<1280x128xf32>
    %select_n3A_41 = arith.select %le3A_38, %roll3A_35, %broadcast_in_dim3A_40 : vector<1280x128xi1>, vector<1280x128xf32>
    %max3A_42 = arith.maximumf %max3A, %select_n3A_41 : vector<1280x128xf32>
    %roll3A_43 = arith.constant 124 : i32
    %roll3A_44 = tpu.dynamic_rotate %max3A_42 by %roll3A_43 dim 1 : vector<1280x128xf32>, i32 -> vector<1280x128xf32>
    %le3A_45 = arith.constant 11 : i32
    %le3A_46 = vector.broadcast %le3A_45 : i32 to vector<1280x128xi32>
    %le3A_47 = arith.cmpi sle, %select_n3A_28, %le3A_46 : vector<1280x128xi32>
    %jit3A_48 = arith.constant -1.000000e+30 : f32
    %broadcast_in_dim3A_49 = vector.broadcast %jit3A_48 : f32 to vector<1280x128xf32>
    %select_n3A_50 = arith.select %le3A_47, %roll3A_44, %broadcast_in_dim3A_49 : vector<1280x128xi1>, vector<1280x128xf32>
    %max3A_51 = arith.maximumf %max3A_42, %select_n3A_50 : vector<1280x128xf32>
    %roll3A_52 = arith.constant 120 : i32
    %roll3A_53 = tpu.dynamic_rotate %max3A_51 by %roll3A_52 dim 1 : vector<1280x128xf32>, i32 -> vector<1280x128xf32>
    %le3A_54 = arith.constant 7 : i32
    %le3A_55 = vector.broadcast %le3A_54 : i32 to vector<1280x128xi32>
    %le3A_56 = arith.cmpi sle, %select_n3A_28, %le3A_55 : vector<1280x128xi32>
    %jit3A_57 = arith.constant -1.000000e+30 : f32
    %broadcast_in_dim3A_58 = vector.broadcast %jit3A_57 : f32 to vector<1280x128xf32>
    %select_n3A_59 = arith.select %le3A_56, %roll3A_53, %broadcast_in_dim3A_58 : vector<1280x128xi1>, vector<1280x128xf32>
    %max3A_60 = arith.maximumf %max3A_51, %select_n3A_59 : vector<1280x128xf32>
    %roll3A_61 = arith.constant 1 : i32
    %roll3A_62 = tpu.dynamic_rotate %max3A_60 by %roll3A_61 dim 1 : vector<1280x128xf32>, i32 -> vector<1280x128xf32>
    %ge3A = arith.constant 1 : i32
    %ge3A_63 = vector.broadcast %ge3A : i32 to vector<1280x128xi32>
    %ge3A_64 = arith.cmpi sge, %select_n3A_28, %ge3A_63 : vector<1280x128xi32>
    %jit3A_65 = arith.constant -1.000000e+30 : f32
    %broadcast_in_dim3A_66 = vector.broadcast %jit3A_65 : f32 to vector<1280x128xf32>
    %select_n3A_67 = arith.select %ge3A_64, %roll3A_62, %broadcast_in_dim3A_66 : vector<1280x128xi1>, vector<1280x128xf32>
    %max3A_68 = arith.maximumf %max3A_60, %select_n3A_67 : vector<1280x128xf32>
    %roll3A_69 = arith.constant 2 : i32
    %roll3A_70 = tpu.dynamic_rotate %max3A_68 by %roll3A_69 dim 1 : vector<1280x128xf32>, i32 -> vector<1280x128xf32>
    %ge3A_71 = arith.constant 2 : i32
    %ge3A_72 = vector.broadcast %ge3A_71 : i32 to vector<1280x128xi32>
    %ge3A_73 = arith.cmpi sge, %select_n3A_28, %ge3A_72 : vector<1280x128xi32>
    %jit3A_74 = arith.constant -1.000000e+30 : f32
    %broadcast_in_dim3A_75 = vector.broadcast %jit3A_74 : f32 to vector<1280x128xf32>
    %select_n3A_76 = arith.select %ge3A_73, %roll3A_70, %broadcast_in_dim3A_75 : vector<1280x128xi1>, vector<1280x128xf32>
    %max3A_77 = arith.maximumf %max3A_68, %select_n3A_76 : vector<1280x128xf32>
    %roll3A_78 = arith.constant 4 : i32
    %roll3A_79 = tpu.dynamic_rotate %max3A_77 by %roll3A_78 dim 1 : vector<1280x128xf32>, i32 -> vector<1280x128xf32>
    %ge3A_80 = arith.constant 4 : i32
    %ge3A_81 = vector.broadcast %ge3A_80 : i32 to vector<1280x128xi32>
    %ge3A_82 = arith.cmpi sge, %select_n3A_28, %ge3A_81 : vector<1280x128xi32>
    %jit3A_83 = arith.constant -1.000000e+30 : f32
    %broadcast_in_dim3A_84 = vector.broadcast %jit3A_83 : f32 to vector<1280x128xf32>
    %select_n3A_85 = arith.select %ge3A_82, %roll3A_79, %broadcast_in_dim3A_84 : vector<1280x128xi1>, vector<1280x128xf32>
    %max3A_86 = arith.maximumf %max3A_77, %select_n3A_85 : vector<1280x128xf32>
    %roll3A_87 = arith.constant 8 : i32
    %roll3A_88 = tpu.dynamic_rotate %max3A_86 by %roll3A_87 dim 1 : vector<1280x128xf32>, i32 -> vector<1280x128xf32>
    %ge3A_89 = arith.constant 8 : i32
    %ge3A_90 = vector.broadcast %ge3A_89 : i32 to vector<1280x128xi32>
    %ge3A_91 = arith.cmpi sge, %select_n3A_28, %ge3A_90 : vector<1280x128xi32>
    %jit3A_92 = arith.constant -1.000000e+30 : f32
    %broadcast_in_dim3A_93 = vector.broadcast %jit3A_92 : f32 to vector<1280x128xf32>
    %select_n3A_94 = arith.select %ge3A_91, %roll3A_88, %broadcast_in_dim3A_93 : vector<1280x128xi1>, vector<1280x128xf32>
    %max3A_95 = arith.maximumf %max3A_86, %select_n3A_94 : vector<1280x128xf32>
    %sub3A = arith.subf %add3A_13, %max3A_95 : vector<1280x128xf32>
    %exp3A = math.exp %sub3A : vector<1280x128xf32>
    %iota3A_96 = tpu.iota {dimensions = array<i32: 0>} : vector<128x128xi32>
    %jit3A_97 = arith.constant 16 : i32
    %div3A = vector.broadcast %jit3A_97 : i32 to vector<128x128xi32>
    %div3A_98 = arith.divsi %iota3A_96, %div3A : vector<128x128xi32>
    %sign3A = arith.constant 0 : i32
    %sign3A_99 = vector.broadcast %sign3A : i32 to vector<128x128xi32>
    %sign3A_100 = arith.cmpi sgt, %iota3A_96, %sign3A_99 : vector<128x128xi32>
    %sign3A_101 = arith.extui %sign3A_100 : vector<128x128xi1> to vector<128x128xi32>
    %sign3A_102 = arith.constant 0 : i32
    %sign3A_103 = vector.broadcast %sign3A_102 : i32 to vector<128x128xi32>
    %sign3A_104 = arith.cmpi slt, %iota3A_96, %sign3A_103 : vector<128x128xi32>
    %sign3A_105 = arith.extui %sign3A_104 : vector<128x128xi1> to vector<128x128xi32>
    %sign3A_106 = arith.subi %sign3A_101, %sign3A_105 : vector<128x128xi32>
    %sign3A_107 = arith.constant 0 : i32
    %sign3A_108 = arith.cmpi sgt, %jit3A_97, %sign3A_107 : i32
    %sign3A_109 = arith.extui %sign3A_108 : i1 to i32
    %sign3A_110 = arith.constant 0 : i32
    %sign3A_111 = arith.cmpi slt, %jit3A_97, %sign3A_110 : i32
    %sign3A_112 = arith.extui %sign3A_111 : i1 to i32
    %sign3A_113 = arith.subi %sign3A_109, %sign3A_112 : i32
    %ne3A_114 = vector.broadcast %sign3A_113 : i32 to vector<128x128xi32>
    %ne3A_115 = arith.cmpi ne, %sign3A_106, %ne3A_114 : vector<128x128xi32>
    %rem3A_116 = vector.broadcast %jit3A_97 : i32 to vector<128x128xi32>
    %rem3A_117 = arith.remsi %iota3A_96, %rem3A_116 : vector<128x128xi32>
    %ne3A_118 = arith.constant 0 : i32
    %ne3A_119 = vector.broadcast %ne3A_118 : i32 to vector<128x128xi32>
    %ne3A_120 = arith.cmpi ne, %rem3A_117, %ne3A_119 : vector<128x128xi32>
    %and3A_121 = arith.andi %ne3A_115, %ne3A_120 : vector<128x128xi1>
    %sub3A_122 = arith.constant 1 : i32
    %sub3A_123 = vector.broadcast %sub3A_122 : i32 to vector<128x128xi32>
    %sub3A_124 = arith.subi %div3A_98, %sub3A_123 : vector<128x128xi32>
    %select_n3A_125 = arith.select %and3A_121, %sub3A_124, %div3A_98 : vector<128x128xi1>, vector<128x128xi32>
    %iota3A_126 = tpu.iota {dimensions = array<i32: 1>} : vector<128x128xi32>
    %jit3A_127 = arith.constant 16 : i32
    %div3A_128 = vector.broadcast %jit3A_127 : i32 to vector<128x128xi32>
    %div3A_129 = arith.divsi %iota3A_126, %div3A_128 : vector<128x128xi32>
    %sign3A_130 = arith.constant 0 : i32
    %sign3A_131 = vector.broadcast %sign3A_130 : i32 to vector<128x128xi32>
    %sign3A_132 = arith.cmpi sgt, %iota3A_126, %sign3A_131 : vector<128x128xi32>
    %sign3A_133 = arith.extui %sign3A_132 : vector<128x128xi1> to vector<128x128xi32>
    %sign3A_134 = arith.constant 0 : i32
    %sign3A_135 = vector.broadcast %sign3A_134 : i32 to vector<128x128xi32>
    %sign3A_136 = arith.cmpi slt, %iota3A_126, %sign3A_135 : vector<128x128xi32>
    %sign3A_137 = arith.extui %sign3A_136 : vector<128x128xi1> to vector<128x128xi32>
    %sign3A_138 = arith.subi %sign3A_133, %sign3A_137 : vector<128x128xi32>
    %sign3A_139 = arith.constant 0 : i32
    %sign3A_140 = arith.cmpi sgt, %jit3A_127, %sign3A_139 : i32
    %sign3A_141 = arith.extui %sign3A_140 : i1 to i32
    %sign3A_142 = arith.constant 0 : i32
    %sign3A_143 = arith.cmpi slt, %jit3A_127, %sign3A_142 : i32
    %sign3A_144 = arith.extui %sign3A_143 : i1 to i32
    %sign3A_145 = arith.subi %sign3A_141, %sign3A_144 : i32
    %ne3A_146 = vector.broadcast %sign3A_145 : i32 to vector<128x128xi32>
    %ne3A_147 = arith.cmpi ne, %sign3A_138, %ne3A_146 : vector<128x128xi32>
    %rem3A_148 = vector.broadcast %jit3A_127 : i32 to vector<128x128xi32>
    %rem3A_149 = arith.remsi %iota3A_126, %rem3A_148 : vector<128x128xi32>
    %ne3A_150 = arith.constant 0 : i32
    %ne3A_151 = vector.broadcast %ne3A_150 : i32 to vector<128x128xi32>
    %ne3A_152 = arith.cmpi ne, %rem3A_149, %ne3A_151 : vector<128x128xi32>
    %and3A_153 = arith.andi %ne3A_147, %ne3A_152 : vector<128x128xi1>
    %sub3A_154 = arith.constant 1 : i32
    %sub3A_155 = vector.broadcast %sub3A_154 : i32 to vector<128x128xi32>
    %sub3A_156 = arith.subi %div3A_129, %sub3A_155 : vector<128x128xi32>
    %select_n3A_157 = arith.select %and3A_153, %sub3A_156, %div3A_129 : vector<128x128xi1>, vector<128x128xi32>
    %eq3A_158 = arith.cmpi eq, %select_n3A_125, %select_n3A_157 : vector<128x128xi32>
    %convert_element_type3A = arith.extui %eq3A_158 : vector<128x128xi1> to vector<128x128xi32>
    %convert_element_type3A_159 = arith.sitofp %convert_element_type3A : vector<128x128xi32> to vector<128x128xf32>
    %dot_general3A = arith.constant dense<0.000000e+00> : vector<1280x128xf32>
    %dot_general3A_160 = tpu.matmul %exp3A, %convert_element_type3A_159, %dot_general3A {dimension_numbers = #tpu.dot_dimension_numbers<[1], [0], [0], [1], [0, 0, 1, 1], [], []>, transpose_lhs_hint = false} : vector<1280x128xf32>, vector<128x128xf32>, vector<1280x128xf32> -> vector<1280x128xf32>
    %div3A_161 = arith.divf %exp3A, %dot_general3A_160 : vector<1280x128xf32>
    %swap3A = arith.constant 0 : index
    %swap3A_162 = arith.constant 0 : index
    %swap3A_163 = vector.load %arg3[%swap3A, %swap3A_162] : memref<1280x128xf32, #tpu.memory_space<vmem>>, vector<1280x128xf32>
    tpu.vector_store %arg3[%swap3A, %swap3A_162], %div3A_161 {strides = array<i32>} : memref<1280x128xf32, #tpu.memory_space<vmem>>, vector<1280x128xf32>,
    return
  }
  func.func @transform_0(%arg0: i32) -> (i32, i32, i32) {
    %c0_i32 = arith.constant 0 : i32
    %c0_i32_0 = arith.constant 0 : i32
    %c0_i32_1 = arith.constant 0 : i32
    %c0_i32_2 = arith.constant 0 : i32
    return %c0_i32, %c0_i32_0, %c0_i32_1 : i32, i32, i32
  }
  func.func @transform_1(%arg0: i32) -> (i32, i32) {
    %c0_i32 = arith.constant 0 : i32
    %c0_i32_0 = arith.constant 0 : i32
    %c0_i32_1 = arith.constant 0 : i32
    return %c0_i32, %c0_i32_0 : i32, i32
  }
  func.func @transform_2(%arg0: i32) -> (i32, i32) {
    %c0_i32 = arith.constant 0 : i32
    %c0_i32_0 = arith.constant 0 : i32
    %c0_i32_1 = arith.constant 0 : i32
    return %c0_i32, %c0_i32_0 : i32, i32
  }
}

</mosaic_0001>

<sc_bundles>
// kernel: kernel.10.cloned.1.call-start
scs
__scs_entry_jumppad:
0x0: {  	(pc) =	sbr.rel $0x88, $3  }
0x1: {  	(tag) =	ssettag $0x0;
	lr =	simm.s32 $0x1  }
0x2: {  	[smem:$0x3F9B] =	sst lr;
	_ =	strace $0xD0000000  }
0x3: {  	_ = 	snop  }
0x4: {  	_ = 	snop  }
0x5: {  	_ = 	snop  }
0x6: {  	_ = 	snop  }
0x7: {  	_ = 	snop  }
__scs_overlays_trampoline_lowered:
0x8: {  	[smem:$0x3FAA] =	sst s0  }
0x9: {  	[smem:$0x3FAB] =	sst s1  }
0xa: {  	[smem:$0x3FAC] =	sst s2  }
0xb: {  	[smem:$0x3FAD] =	sst s3  }
0xc: {  	[smem:$0x3FAE] =	sst s4  }
0xd: {  	[smem:$0x3FAF] =	sst s5  }
0xe: {  	[smem:$0x3FB0] =	sst s6  }
0xf: {  	[smem:$0x3FB1] =	sst s7  }
0x10: {  	[smem:$0x3FB2] =	sst s8  }
0x11: {  	[smem:$0x3FB3] =	sst s9;
	s0 =	simm.s32 @!p0 $0x0  }
0x12: {  	s1 =	sld [smem:$0x3F99];
	s0 =	simm.s32 @p0 $0x1  }
0x13: {  	[smem:$0x3FB4] =	sst s0;
	s0 =	simm.s32 @!p1 $0x0  }
0x14: {  	s2 =	sld [smem:$0x3F98];
	s0 =	simm.s32 @p1 $0x1  }
0x15: {  	[smem:$0x3FB5] =	sst s0;
	s0 =	simm.s32 @!p2 $0x0  }
0x16: {  	s3 =	sld [smem:$0x3FDB];
	s0 =	simm.s32 @p2 $0x1  }
0x17: {  	s4 =	simm.s32 $0x1BF5;
	[smem:$0x3FB7] =	sst s0  }
0x18: {  	s0 =	sld [smem:$0x3F9A];
	_ =	swait.ge [sflag:s4], $0x0  }
0x19: {  	s7 =	sld [smem:$0x3F9B]  }
0x1a: {  	s8 =	sadd.s32 $0xFFFFE003, lr  }
0x1b: {  	s9 =	sadd.s32 $0xFFFFFEF7, lr;
	s5 =	simm.s32 $0xFFFFFFFF;
	p2 =	slt.u32 s8, $0xFFFFF086  }
0x1c: {  	p1 =	slt.u32 s9, $0xF7A;
	s5 =	simm.s32 @!p2 $0x0  }
0x1d: {  	s5 =	simm.s32 @p1 $0x1;
	p0 =	seq.s32 s7, s2  }
0x1e: {  	s7 =	smul.u32 @!p0 $0xF7A, s2;
	p2 =	seq.s32 @!p0 s5, $0x0  }
0x1f: {  	s9 =	smul.u32 $0xF7A, s1;
	s8 =	simm.s32 @!p0 $0x1BF5;
	p2 =	por !p2, p0  }
0x20: {  	[sflag:s8] =	ssyncset.s32 @!p0 $0xFFFFF086;
	s6 =	sadd.s32 @!p0 s3, s7;
	s7 =	simm.s32 @!p0 $0x108  }
0x21: {  	s3 =	sadd.s32 s3, s9;
	s6 =	sadd.s32 @!p0 $0x88, s6;
	s7 =	simm.s32 @p2 $0x1082  }
0x22: {  	[simem:s7], [sflag:s8] =	dma.local @!p0 [hbm:s6], $0xF7A  }
0x23: {  	s9 =	sor.u32 $0xD0000000, s2;
	s6 =	simm.s32 $0x108;
	_ =	swait.ge @!p0 [sflag:s8], $0x0  }
0x24: {  	s3 =	sadd.s32 $0x88, s3;
	s6 =	simm.s32 @!p1 $0x1082;
	[sflag:s4] =	ssyncset.s32 $0xFFFFF086  }
0x25: {  	[simem:s6], [sflag:s4] =	dma.local [hbm:s3], $0xF7A  }
0x26: {  	[smem:$0x3F9B] =	sst s1;
	(tag) =	ssettag s2;
	_ =	strace s9  }
0x27: {  	s1 =	sld [smem:$0x3FAB]  }
0x28: {  	s2 =	sld [smem:$0x3FAC]  }
0x29: {  	s4 =	sld [smem:$0x3FAE]  }
0x2a: {  	p0 =	seq.s32 s5, $0x0;
	s5 =	sld [smem:$0x3FAF]  }
0x2b: {  	s6 =	sld [smem:$0x3FB0]  }
0x2c: {  	s7 =	sld [smem:$0x3FB1]  }
0x2d: {  	s3 =	simm.s32 $0x108;
	s8 =	sld [smem:$0x3FB2]  }
0x2e: {  	s3 =	simm.s32 @!p0 $0x1082;
	s9 =	sld [smem:$0x3FB3]  }
0x2f: {  	lr =	sadd.s32 s0, s3;
	s0 =	sld [smem:$0x3FAA]  }
0x30: {  	s3 =	sld [smem:$0x3FAD]  }
0x31: {  	[smem:$0x3FB6] =	sst s10  }
0x32: {  	s10 =	sld [smem:$0x3FB4];
	_ =	sdelay $0x3  }
0x33: {  	p0 =	seq.s32 s10, $0x1;
	s10 =	sld [smem:$0x3FB6];
	_ =	sdelay $0x3  }
0x34: {  	[smem:$0x3FB6] =	sst s10  }
0x35: {  	s10 =	sld [smem:$0x3FB5];
	_ =	sdelay $0x3  }
0x36: {  	p1 =	seq.s32 s10, $0x1;
	s10 =	sld [smem:$0x3FB6];
	_ =	sdelay $0x3  }
0x37: {  	[smem:$0x3FB6] =	sst s10  }
0x38: {  	s10 =	sld [smem:$0x3FB7]  }
0x39: {  	_ = 	snop;
	(pc) =	sbr.ind lr, $3  }
0x3a: {  	_ = 	snop  }
0x3b: {  	_ = 	snop  }
0x3c: {  	p2 =	seq.s32 s10, $0x1;
	s10 =	sld [smem:$0x3FB6]  }
0x3d: {  	_ =	shalt  }
0x3e: {  	_ =	shalt  }
0x3f: {  	_ =	shalt  }
0x40: {  	_ =	shalt  }
0x41: {  	_ =	shalt  }
0x42: {  	_ =	shalt  }
0x43: {  	_ =	shalt  }
0x44: {  	_ =	shalt  }
0x45: {  	_ =	shalt  }
0x46: {  	_ =	shalt  }
0x47: {  	_ =	shalt  }
0x48: {  	_ =	shalt  }
0x49: {  	_ =	shalt  }
0x4a: {  	_ =	shalt  }
0x4b: {  	_ =	shalt  }
0x4c: {  	_ =	shalt  }
0x4d: {  	_ =	shalt  }
0x4e: {  	_ =	shalt  }
0x4f: {  	_ =	shalt  }
0x50: {  	_ =	shalt  }
0x51: {  	_ =	shalt  }
0x52: {  	_ =	shalt  }
0x53: {  	_ =	shalt  }
0x54: {  	_ =	shalt  }
0x55: {  	_ =	shalt  }
0x56: {  	_ =	shalt  }
0x57: {  	_ =	shalt  }
0x58: {  	_ =	shalt  }
0x59: {  	_ =	shalt  }
0x5a: {  	_ =	shalt  }
0x5b: {  	_ =	shalt  }
0x5c: {  	_ =	shalt  }
0x5d: {  	_ =	shalt  }
0x5e: {  	_ =	shalt  }
0x5f: {  	_ =	shalt  }
0x60: {  	_ =	shalt  }
0x61: {  	_ =	shalt  }
0x62: {  	_ =	shalt  }
0x63: {  	_ =	shalt  }
0x64: {  	_ =	shalt  }
0x65: {  	_ =	shalt  }
0x66: {  	_ =	shalt  }
0x67: {  	_ =	shalt  }
0x68: {  	_ =	shalt  }
0x69: {  	_ =	shalt  }
0x6a: {  	_ =	shalt  }
0x6b: {  	_ =	shalt  }
0x6c: {  	_ =	shalt  }
0x6d: {  	_ =	shalt  }
0x6e: {  	_ =	shalt  }
0x6f: {  	_ =	shalt  }
0x70: {  	_ =	shalt  }
0x71: {  	_ =	shalt  }
0x72: {  	_ =	shalt  }
0x73: {  	_ =	shalt  }
0x74: {  	_ =	shalt  }
0x75: {  	_ =	shalt  }
0x76: {  	_ =	shalt  }
0x77: {  	_ =	shalt  }
0x78: {  	_ =	shalt  }
0x79: {  	_ =	shalt  }
0x7a: {  	_ =	shalt  }
0x7b: {  	_ =	shalt  }
0x7c: {  	_ =	shalt  }
0x7d: {  	_ =	shalt  }
0x7e: {  	_ =	shalt  }
0x7f: {  	_ =	shalt  }
0x80: {  	_ =	shalt  }
0x81: {  	_ =	shalt  }
0x82: {  	_ =	shalt  }
0x83: {  	_ =	shalt  }
0x84: {  	_ =	shalt  }
0x85: {  	_ =	shalt  }
0x86: {  	_ =	shalt  }
0x87: {  	_ =	shalt  }
.Lfunc_end0:
.L_simem_size_0:
called_computation.1_lowered:
.L_overlay_start_0:
0x88: {  	s2 =	sld [smem:$0x3FD9]  }
0x89: {  	s3 =	sld [smem:$0x3FFE];
	_ =	sdelay $0x1  }
0x8a: {  	s1 =	srdreg.scid  }
0x8b: {  	s0 =	sand.u32 $0x1, s1  }
0x8c: {  	s16 =	sshll.u32 s0, $0xA;
	s2 =	sadd.s32 s3, s2  }
0x8d: {  	s2 =	sadd.s32 s2, s16  }
0x8e: {  	[smem:$0x3FC2] =	sst s2  }
0x8f: {  	_ = 	snop  }
0x90: {  	(tm) =	ssettm $0x1  }
0x91: {  	s17 =	sld [smem:$0x3FFB];
	_ =	sdelay $0x3  }
0x92: {  	_ =	strace s17  }
0x93: {  	s2 =	sld [smem:$0x3FFC];
	_ =	sdelay $0x3  }
0x94: {  	_ =	strace s2  }
0x95: {  	s2 =	sld [smem:$0x3FFD];
	_ =	sdelay $0x3  }
0x96: {  	_ =	strace s2  }
0x97: {  	_ =	strace $0x8FFFFFFF  }
0x98: {  	s18 =	sld [smem:$0x3FDB];
	_ =	sdelay $0x1  }
0x99: {  	s19 =	simm.s32 $_scs_section_size  }
0x9a: {  	s4 =	simm.s32 $_size__tile_overlayer_lowered;
	s5 =	simm.s32 $_tile_overlayer_lowered  }
0x9b: {  	s22 =	simm.s32 $0x1BFF;
	s21 =	sshll.u32 s5, $0x1;
	s2 =	sadd.s32 s19, s18  }
0x9c: {  	s6 =	simm.s32 $0x0;
	s20 =	sshll.u32 s4, $0x1;
	s4 =	sadd.s32 s21, s2  }
0x9d: {  	[timem:s6], [sflag:s22] =	dma.local [hbm:s4], s20  }
0x9e: {  	_ =	swait.ge [sflag:s22], s20  }
0x9f: {  	s3 =	ssub.s32 $0x0, s20;
	[sflag:s22] =	ssyncset.done $0x0  }
0xa0: {  	[sflag:s22] =	ssyncadd.s32 s3;
	_ =	sdelay $0x1  }
0xa1: {  	s23 =	simm.s32 $0x1B8B  }
0xa2: {  	_ =	swait.ge [sflag:s23], $0x1  }
0xa3: {  	[sflag:s23] =	ssyncset.done $0x0  }
0xa4: {  	s25 =	simm.s32 $0x1B8E;
	s24 =	sld [smem:$0x3FFE];
	[sflag:s23] =	ssyncadd.s32 $0xFFFFFFFF  }
0xa5: {  	s26 =	simm.s32 $execute0_lowered;
	[smem:$0x3FD2] =	sst s25  }
0xa6: {  	s4 =	sshll.u32 s26, $0x1;
	_ =	strace $0x80000049;
	[dreg:$0x1] =	wrdreg $0xFFFFFFFF  }
0xa7: {  	s28 =	simm.s32 $_size_execute0_lowered;
	s2 =	sadd.s32 s2, s4;
	[dreg:$0x0] =	wrdreg $0x0  }
0xa8: {  	s4 =	sshll.u32 s28, $0x1;
	[dreg:$0x2] =	wrdreg s2  }
0xa9: {  	[dreg:$0x3] =	wrdreg s4  }
0xaa: {  	[dreg:$0x4] =	wrdreg $0xC0  }
0xab: {  	_ =	task [dreg:s6], $0x5FFFF  }
0xac: {  	[dreg:$0x1] =	wrdreg $0xFFFFFFFF  }
0xad: {  	[dreg:$0x0] =	wrdreg $0x60  }
0xae: {  	[dreg:$0x2] =	wrdreg s24  }
0xaf: {  	[dreg:$0x3] =	wrdreg $0x90000  }
0xb0: {  	[dreg:$0x4] =	wrdreg $0x9  }
0xb1: {  	_ =	task.clear_ibuf [dreg:s6], $0x5FFFF;
	_ =	strace $0x90000049  }
0xb2: {  	s29 =	simm.s32 $0x9;
	_ =	strace $0x8000004B  }
0xb3: {  	_ =	swait.ge [sflag:s29], $0x1  }
0xb4: {  	[sflag:s29] =	ssyncadd.s32 $0xFFFFFFFF  }
0xb5: {  	_ =	strace $0x9000004B  }
0xb6: {  	_ =	sfence  }
0xb7: {  	s30 =	sld [smem:$0x0];
	_ =	sdelay $0x2  }
0xb8: {  	s31 =	sshll.u32 s1, $0xD;
	s1 =	sshrl.u32 s1, $0x2  }
0xb9: {  	s3 =	sand.u32 $0x4000, s31;
	s1 =	sadd.s32 s1, s30  }
0xba: {  	s0 =	sor.u32 s3, s0;
	s1 =	sshll.u32 s1, $0x11  }
0xbb: {  	s0 =	sor.u32 s1, s0  }
0xbc: {  	s0 =	sadd.s32 $0x8F2B, s0  }
0xbd: {  	[sflag:s0] =	ssyncadd.remote.s32 $0x1  }
0xbe: {  	_ =	sfence.sel $0xFFFF  }
0xbf: {  	[dreg:$0x0] =	wrdreg $0xFFFFFFFF;
	(pc) =	sbr.abs _section_cstart, $3  }
0xc0: {  	[dreg:$0x1] =	wrdreg $0xFFFFFFFF  }
0xc1: {  	_ =	task.clear_ibuf [dreg:s6], $0x2FFFF;
	_ =	strace $0x9FFFFFFF  }
0xc2: {  	(tm) =	ssettm $0x7FFFFFFF  }
0xc3: {  	_ =	shalt  }
tec
execute0_lowered:
.L_overlay_start_1:
0x0: {  	(tag) =	ssettag $0x1  }
0x1: {  	s0 =	rddreg [dreg:$0x0]  }
0x2: {  	s1 =	rddreg [dreg:$0x1]  }
0x3: {  	s2 =	srdreg.scid;
	s5 =	simm.s32 $0x0;
	s4 =	stileid.u32  }
0x4: {  	s14 =	simm.s32 $0xB;
	s16 =	simm.s32 $0x5000;
	s17 =	simm.s32 $0x9  }
0x5: {  	s18 =	simm.s32 $0x80;
	s19 =	simm.s32 $0x5800;
	s28 =	simm.s32 $0x7800  }
0x6: {  	s29 =	simm.s32 $0x8000;
	s30 =	simm.s32 $0x1;
	s31 =	simm.s32 $0x8800  }
0x7: {  	s15 =	simm.s32 $0x4;
	s2 =	sand.u32 $0x1, s2;
	s20 =	smul.u32 $0x2800, s4  }
0x8: {  	[smem:$0x7FF] =	sst s5;
	s6 =	smul.u32 $0xA000, s4;
	s4 =	sadd.s32 $0x1200, s0  }
0x9: {  	s5 =	simm.s32 $0x0;
	s3 =	smul.u32 $0x28000, s2;
	s2 =	ssub.s32 $0x2, s2  }
0xa: {  	_ =	strace $0x8000004A;
	s7 =	sshrl.u32 s2, $0x1;
	s21 =	sshrl.u32 s6, $0x2  }
0xb: {  	s3 =	sadd.s32 s20, s3;
	s2 =	ssub.s32 s2, s7;
	s7 =	sadd.s32 s20, s1  }
0xc: {  	s20 =	simm.s32 $0xA;
	s3 =	sshrl.u32 s3, $0x3;
	s13 =	smax.u32 s2, $0x1  }
0xd: {  	s2 =	simm.s32 $0x3;
	s0 =	sadd.s32 s3, s0;
	s3 =	sadd.s32 s21, s1  }
0xe: {  	s21 =	simm.s32 $0x6000;
	s22 =	sadd.s32 $0x28400, s0;
	s23 =	sadd.s32 $0x32400, s0  }
0xf: {  	s24 =	sadd.s32 $0x800, s3;
	s25 =	sadd.s32 $0x1000, s3;
	[dreg:$0x3] =	wrdreg s22  }
.Ltmp0:
0x10: {  	s26 =	sadd.s32 $0x1800, s3;
	[dreg:$0x4] =	wrdreg s23;
	(pc) =	sbr.rel .LBB2_1-.Ltmp0, $4  }
0x11: {  	s11 =	sadd.s32 $0x2000, s3;
	s12 =	sadd.s32 $0x6200, s0;
	[dreg:$0x5] =	wrdreg s24  }
0x12: {  	s0 =	simm.s32 $0x2;
	s3 =	simm.s32 $0x8;
	[dreg:$0x6] =	wrdreg s25  }
0x13: {  	[dreg:$0x7] =	wrdreg s26;
	s23 =	simm.s32 $0x6800;
	s25 =	simm.s32 $0x7000  }
0x14: {  	v0 =	vimm.f32 $0.0e+00;
	s22 =	simm.s32 $0x5;
	s24 =	simm.s32 $0x6;
	s26 =	simm.s32 $0x7  }
.LBB2_20:
0x15: {  	_ =	swait.ge [sflag:s17], $0x800  }
0x16: {  	[sflag:s17] =	ssyncset.done $0x0  }
0x17: {  	[sflag:s17] =	ssyncadd.s32 $0xFFFFF800  }
0x18: {  	s6 =	stileid.u32;
	_ =	swait.ge [sflag:s20], $0x800  }
0x19: {  	s8 =	sshrl.u32 s7, $0x3;
	s5 =	sadd.s32 $0x1, s5;
	[sflag:s20] =	ssyncset.done $0x0  }
0x1a: {  	s6 =	sshll.u32 s6, $0x6;
	p0 =	sne.s32 s5, s13;
	[sflag:s20] =	ssyncadd.s32 $0xFFFFF800  }
.Ltmp1:
0x1b: {  	s6 =	sor.u32 $0x1C0B, s6;
	[bflag:$0x0] =	sbarrier.arrive $0xFFFF;
	(pc) =	sbr.rel @!p0 .LBB2_21-.Ltmp1, $4  }
0x1c: {  	[hbm:s12], [sflag:s6] =	dma.local [spmem:s8], $0x500  }
0x1d: {  	_ =	swait.ge [sflag:s14], $0x500  }
0x1e: {  	[sflag:s14] =	ssyncset.done $0x0  }
0x1f: {  	[sflag:s14] =	ssyncadd.s32 $0xFFFFFB00  }
.LBB2_1:
0x20: {  	s6 =	simm.s32 $0x0;
	s8 =	rddreg [dreg:$0x3]  }
0x21: {  	[tilespmem:s6], [sflag:$0xB] =	stream.linear.gather [hbm4b:s8+s6], $0x2800, $0x38;
	[tilespmem:$0xB800] =	vst v63  }
0x22: {  	_ =	swait.ge [sflag:s14], $0x2800  }
0x23: {  	[sflag:s14] =	ssyncset.done $0x0  }
0x24: {  	s9 =	simm.s32 $0x2800;
	s10 =	rddreg [dreg:$0x4];
	[sflag:s14] =	ssyncadd.s32 $0xFFFFD800  }
0x25: {  	[tilespmem:s9], [sflag:$0xB] =	stream.linear.gather [hbm4b:s10+s6], $0x2800, $0x38;
	[tilespmem:$0xB800] =	vst v63  }
0x26: {  	_ =	swait.ge [sflag:s14], $0x2800  }
0x27: {  	[sflag:s14] =	ssyncset.done $0x0  }
0x28: {  	s8 =	simm.s32 $0x0;
	s6 =	simm.s32 $0x40;
	[sflag:s14] =	ssyncadd.s32 $0xFFFFD800  }
.LBB2_2:
0x29: {  	p0 =	sne.s32 s6, $0x1FC0;
	[tilespmem:s8+$0x5000] =	vst v0;
	s8 =	smov.u32 s6;
	s6 =	sadd.s32 $0x40, s6  }
.Ltmp2:
0x2a: {  	(pc) =	sbr.rel @p0 .LBB2_2-.Ltmp2, $2  }
0x2b: {  	_ =	sdelay $0x2  }
0x2c: {  	s8 =	sshra.s32 s8, $0x2  }
0x2d: {  	[tilespmem:s8+$0x5000] =	vst v0  }
0x2e: {  	[spmem:s7] =	stream.linear.scatter [tilespmem:s16], [sflag:$0x9], $0x800, $0x38;
	[tilespmem:$0xB800] =	vst v63  }
0x2f: {  	s6 =	rddreg [dreg:$0x5]  }
0x30: {  	[spmem:s6] =	stream.linear.scatter [tilespmem:s16], [sflag:$0x9], $0x800, $0x38;
	[tilespmem:$0xB800] =	vst v63  }
0x31: {  	s10 =	rddreg [dreg:$0x6]  }
0x32: {  	[spmem:s10] =	stream.linear.scatter [tilespmem:s16], [sflag:$0x9], $0x800, $0x38;
	[tilespmem:$0xB800] =	vst v63  }
0x33: {  	s8 =	rddreg [dreg:$0x7]  }
0x34: {  	[spmem:s8] =	stream.linear.scatter [tilespmem:s16], [sflag:$0x9], $0x800, $0x38;
	[tilespmem:$0xB800] =	vst v63  }
0x35: {  	_ = 	snop  }
0x36: {  	[spmem:s11] =	stream.linear.scatter [tilespmem:s16], [sflag:$0x9], $0x800, $0x38;
	[tilespmem:$0xB800] =	vst v63  }
0x37: {  	_ =	swait.ge [sflag:s17], $0x800  }
0x38: {  	[sflag:s17] =	ssyncset.done $0x0  }
0x39: {  	[sflag:s17] =	ssyncadd.s32 $0xFFFFF800  }
0x3a: {  	_ =	swait.ge [sflag:s17], $0x800  }
0x3b: {  	[sflag:s17] =	ssyncset.done $0x0  }
0x3c: {  	[sflag:s17] =	ssyncadd.s32 $0xFFFFF800  }
0x3d: {  	_ =	swait.ge [sflag:s17], $0x800  }
0x3e: {  	[sflag:s17] =	ssyncset.done $0x0  }
0x3f: {  	[sflag:s17] =	ssyncadd.s32 $0xFFFFF800  }
0x40: {  	_ =	swait.ge [sflag:s17], $0x800  }
0x41: {  	[sflag:s17] =	ssyncset.done $0x0  }
0x42: {  	[sflag:s17] =	ssyncadd.s32 $0xFFFFF800  }
0x43: {  	_ =	swait.ge [sflag:s17], $0x800  }
0x44: {  	[sflag:s17] =	ssyncset.done $0x0  }
0x45: {  	[sflag:s17] =	ssyncadd.s32 $0xFFFFF800  }
0x46: {  	s6 =	simm.s32 $0x0;
	[bflag:$0x0] =	sbarrier.arrive $0xFFFF  }
0x47: {  	[tilespmem:s16], [sflag:$0x1] =	stream.indirect.gather [hbm4b:s4+s18], $0x10, s6, s18, $0xb8;
	[tilespmem:$0xB800] =	vst v63  }
0x48: {  	_ = 	snop  }
0x49: {  	[tilespmem:s19], [sflag:$0x2] =	stream.indirect.gather [hbm4b:s4+s18], $0x10, s18, s18, $0xb8;
	[tilespmem:$0xB800] =	vst v63  }
0x4a: {  	s9 =	simm.s32 $0x100  }
0x4b: {  	[tilespmem:s21], [sflag:$0x3] =	stream.indirect.gather [hbm4b:s4+s18], $0x10, s9, s18, $0xb8;
	[tilespmem:$0xB800] =	vst v63  }
0x4c: {  	s10 =	simm.s32 $0x180  }
0x4d: {  	[tilespmem:s23], [sflag:$0x4] =	stream.indirect.gather [hbm4b:s4+s18], $0x10, s10, s18, $0xb8;
	[tilespmem:$0xB800] =	vst v63  }
.Ltmp3:
0x4e: {  	_ = 	snop;
	(pc) =	sbr.rel .LBB2_4-.Ltmp3, $4  }
0x4f: {  	s9 =	simm.s32 $0x200  }
0x50: {  	[tilespmem:s25], [sflag:$0x5] =	stream.indirect.gather [hbm4b:s4+s18], $0x10, s9, s18, $0xb8;
	[tilespmem:$0xB800] =	vst v63  }
0x51: {  	s8 =	simm.s32 $0x2800;
	s10 =	simm.s32 $0x280;
	s9 =	simm.s32 $0x300  }
0x52: {  	[tilespmem:s28], [sflag:$0x6] =	stream.indirect.gather [hbm4b:s4+s18], $0x10, s10, s18, $0xb8;
	[tilespmem:$0xB800] =	vst v63  }
.LBB2_18:
0x53: {  	s10 =	simm.s32 @!p0 $0xA  }
0x54: {  	_ =	swait.ge @!p0 [sflag:s10], $0x800  }
0x55: {  	[sflag:s10] =	ssyncset.done @!p0 $0x0  }
0x56: {  	p1 =	por p0, !p1;
	[sflag:s10] =	ssyncadd.s32 @!p0 $0xFFFFF800  }
0x57: {  	[tilespmem:s28], [sflag:$0x6] =	stream.indirect.gather @p1 [hbm4b:s4+s18], $0x10, s9, s18, $0xb8;
	[tilespmem:$0xB800] =	vst v63  }
0x58: {  	_ =	swait.ge [sflag:s3], $0x800  }
0x59: {  	[sflag:s3] =	ssyncset.done $0x0  }
0x5a: {  	[sflag:s3] =	ssyncadd.s32 $0xFFFFF800  }
0x5b: {  	[spmem:s1] =	stream.indirect.scatter.add.f32 [tilespmem:s31], [sflag:$0xA], $0x10, s8, s18, $0xb8;
	[tilespmem:$0xB800] =	vst v63  }
.LBB2_19:
0x5c: {  	s6 =	sadd.s32 $0x1, s6  }
0x5d: {  	p0 =	sne.s32 s6, $0x50  }
.Ltmp4:
0x5e: {  	_ = 	snop;
	(pc) =	sbr.rel @!p0 .LBB2_20-.Ltmp4, $2  }
0x5f: {  	_ =	sdelay $0x2  }
0x60: {  	s8 =	sadd.s32 $0x80, s8;
	s9 =	sadd.s32 $0x80, s9  }
.LBB2_4:
0x61: {  	s10 =	sand.u32 $0x7, s6  }
0x62: {  	p0 =	sgt.s32 s10, $0x3  }
.Ltmp5:
0x63: {  	_ = 	snop;
	(pc) =	sbr.rel @p0 .LBB2_8-.Ltmp5, $1  }
0x64: {  	_ =	sdelay $0x3  }
0x65: {  	p0 =	sgt.s32 s10, $0x1  }
.Ltmp6:
0x66: {  	_ = 	snop;
	(pc) =	sbr.rel @p0 .LBB2_13-.Ltmp6, $1  }
0x67: {  	_ =	sdelay $0x3  }
0x68: {  	p0 =	seq.s32 s10, $0x0  }
.Ltmp7:
0x69: {  	_ = 	snop;
	(pc) =	sbr.rel @!p0 .LBB2_11-.Ltmp7, $1  }
0x6a: {  	_ =	sdelay $0x3  }
0x6b: {  	p0 =	slt.u32 s6, $0x2  }
0x6c: {  	s10 =	simm.s32 @!p0 $0x9  }
0x6d: {  	_ =	swait.ge @!p0 [sflag:s10], $0x800  }
0x6e: {  	p1 =	sgt.u32 @!p0 s6, $0x49;
	[sflag:s10] =	ssyncset.done @!p0 $0x0  }
0x6f: {  	p1 =	por p0, !p1;
	[sflag:s10] =	ssyncadd.s32 @!p0 $0xFFFFF800  }
0x70: {  	[tilespmem:s29], [sflag:$0x7] =	stream.indirect.gather @p1 [hbm4b:s4+s18], $0x10, s9, s18, $0xb8;
	[tilespmem:$0xB800] =	vst v63  }
.Ltmp8:
0x71: {  	_ = 	snop;
	(pc) =	sbr.rel .LBB2_19-.Ltmp8, $4  }
0x72: {  	_ =	swait.ge [sflag:s30], $0x800  }
0x73: {  	[sflag:s30] =	ssyncset.done $0x0  }
0x74: {  	[sflag:s30] =	ssyncadd.s32 $0xFFFFF800  }
0x75: {  	[spmem:s1] =	stream.indirect.scatter.add.f32 [tilespmem:s16], [sflag:$0x9], $0x10, s8, s18, $0xb8;
	[tilespmem:$0xB800] =	vst v63  }
.LBB2_8:
0x76: {  	p0 =	sgt.s32 s10, $0x5  }
.Ltmp9:
0x77: {  	_ = 	snop;
	(pc) =	sbr.rel @p0 .LBB2_17-.Ltmp9, $1  }
0x78: {  	_ =	sdelay $0x3  }
0x79: {  	p0 =	seq.s32 s10, $0x4  }
.Ltmp10:
0x7a: {  	_ = 	snop;
	(pc) =	sbr.rel @!p0 .LBB2_15-.Ltmp10, $1  }
0x7b: {  	_ =	sdelay $0x3  }
0x7c: {  	p0 =	slt.u32 s6, $0x2  }
0x7d: {  	s10 =	simm.s32 @!p0 $0x9  }
0x7e: {  	_ =	swait.ge @!p0 [sflag:s10], $0x800  }
0x7f: {  	p1 =	sgt.u32 @!p0 s6, $0x49;
	[sflag:s10] =	ssyncset.done @!p0 $0x0  }
0x80: {  	p1 =	por p0, !p1;
	[sflag:s10] =	ssyncadd.s32 @!p0 $0xFFFFF800  }
0x81: {  	[tilespmem:s21], [sflag:$0x3] =	stream.indirect.gather @p1 [hbm4b:s4+s18], $0x10, s9, s18, $0xb8;
	[tilespmem:$0xB800] =	vst v63  }
.Ltmp11:
0x82: {  	_ = 	snop;
	(pc) =	sbr.rel .LBB2_19-.Ltmp11, $4  }
0x83: {  	_ =	swait.ge [sflag:s22], $0x800  }
0x84: {  	[sflag:s22] =	ssyncset.done $0x0  }
0x85: {  	[sflag:s22] =	ssyncadd.s32 $0xFFFFF800  }
0x86: {  	[spmem:s1] =	stream.indirect.scatter.add.f32 [tilespmem:s25], [sflag:$0x9], $0x10, s8, s18, $0xb8;
	[tilespmem:$0xB800] =	vst v63  }
.LBB2_13:
0x87: {  	p0 =	seq.s32 s10, $0x2  }
.Ltmp12:
0x88: {  	_ = 	snop;
	(pc) =	sbr.rel @!p0 .LBB2_14-.Ltmp12, $1  }
0x89: {  	_ =	sdelay $0x3  }
0x8a: {  	p0 =	slt.u32 s6, $0x2  }
0x8b: {  	s10 =	simm.s32 @!p0 $0x9  }
0x8c: {  	_ =	swait.ge @!p0 [sflag:s10], $0x800  }
0x8d: {  	p1 =	sgt.u32 @!p0 s6, $0x49;
	[sflag:s10] =	ssyncset.done @!p0 $0x0  }
0x8e: {  	p1 =	por p0, !p1;
	[sflag:s10] =	ssyncadd.s32 @!p0 $0xFFFFF800  }
0x8f: {  	[tilespmem:s16], [sflag:$0x1] =	stream.indirect.gather @p1 [hbm4b:s4+s18], $0x10, s9, s18, $0xb8;
	[tilespmem:$0xB800] =	vst v63  }
.Ltmp13:
0x90: {  	_ = 	snop;
	(pc) =	sbr.rel .LBB2_19-.Ltmp13, $4  }
0x91: {  	_ =	swait.ge [sflag:s2], $0x800  }
0x92: {  	[sflag:s2] =	ssyncset.done $0x0  }
0x93: {  	[sflag:s2] =	ssyncadd.s32 $0xFFFFF800  }
0x94: {  	[spmem:s1] =	stream.indirect.scatter.add.f32 [tilespmem:s21], [sflag:$0x9], $0x10, s8, s18, $0xb8;
	[tilespmem:$0xB800] =	vst v63  }
.LBB2_17:
0x95: {  	p2 =	seq.s32 s10, $0x6  }
.Ltmp14:
0x96: {  	_ = 	snop;
	(pc) =	sbr.rel @!p2 .LBB2_18-.Ltmp14, $3  }
0x97: {  	_ =	sdelay $0x1  }
0x98: {  	p0 =	slt.u32 s6, $0x2  }
0x99: {  	p1 =	sgt.u32 @!p0 s6, $0x49  }
0x9a: {  	s10 =	simm.s32 @!p0 $0x9  }
0x9b: {  	_ =	swait.ge @!p0 [sflag:s10], $0x800  }
0x9c: {  	[sflag:s10] =	ssyncset.done @!p0 $0x0  }
0x9d: {  	p1 =	por p0, !p1;
	[sflag:s10] =	ssyncadd.s32 @!p0 $0xFFFFF800  }
0x9e: {  	[tilespmem:s25], [sflag:$0x5] =	stream.indirect.gather @p1 [hbm4b:s4+s18], $0x10, s9, s18, $0xb8;
	[tilespmem:$0xB800] =	vst v63  }
.Ltmp15:
0x9f: {  	_ = 	snop;
	(pc) =	sbr.rel .LBB2_19-.Ltmp15, $4  }
0xa0: {  	_ =	swait.ge [sflag:s26], $0x800  }
0xa1: {  	[sflag:s26] =	ssyncset.done $0x0  }
0xa2: {  	[sflag:s26] =	ssyncadd.s32 $0xFFFFF800  }
0xa3: {  	[spmem:s1] =	stream.indirect.scatter.add.f32 [tilespmem:s29], [sflag:$0x9], $0x10, s8, s18, $0xb8;
	[tilespmem:$0xB800] =	vst v63  }
.LBB2_11:
0xa4: {  	p0 =	slt.u32 s6, $0x2  }
0xa5: {  	s10 =	simm.s32 @!p0 $0xA  }
0xa6: {  	_ =	swait.ge @!p0 [sflag:s10], $0x800  }
0xa7: {  	p1 =	sgt.u32 @!p0 s6, $0x49;
	[sflag:s10] =	ssyncset.done @!p0 $0x0  }
0xa8: {  	p1 =	por p0, !p1;
	[sflag:s10] =	ssyncadd.s32 @!p0 $0xFFFFF800  }
0xa9: {  	[tilespmem:s31], [sflag:$0x8] =	stream.indirect.gather @p1 [hbm4b:s4+s18], $0x10, s9, s18, $0xb8;
	[tilespmem:$0xB800] =	vst v63  }
.Ltmp16:
0xaa: {  	_ = 	snop;
	(pc) =	sbr.rel .LBB2_19-.Ltmp16, $4  }
0xab: {  	_ =	swait.ge [sflag:s0], $0x800  }
0xac: {  	[sflag:s0] =	ssyncset.done $0x0  }
0xad: {  	[sflag:s0] =	ssyncadd.s32 $0xFFFFF800  }
0xae: {  	[spmem:s1] =	stream.indirect.scatter.add.f32 [tilespmem:s19], [sflag:$0xA], $0x10, s8, s18, $0xb8;
	[tilespmem:$0xB800] =	vst v63  }
.LBB2_15:
0xaf: {  	p0 =	slt.u32 s6, $0x2  }
0xb0: {  	s10 =	simm.s32 @!p0 $0xA  }
0xb1: {  	_ =	swait.ge @!p0 [sflag:s10], $0x800  }
0xb2: {  	p1 =	sgt.u32 @!p0 s6, $0x49;
	[sflag:s10] =	ssyncset.done @!p0 $0x0  }
0xb3: {  	p1 =	por p0, !p1;
	[sflag:s10] =	ssyncadd.s32 @!p0 $0xFFFFF800  }
0xb4: {  	[tilespmem:s23], [sflag:$0x4] =	stream.indirect.gather @p1 [hbm4b:s4+s18], $0x10, s9, s18, $0xb8;
	[tilespmem:$0xB800] =	vst v63  }
.Ltmp17:
0xb5: {  	_ = 	snop;
	(pc) =	sbr.rel .LBB2_19-.Ltmp17, $4  }
0xb6: {  	_ =	swait.ge [sflag:s24], $0x800  }
0xb7: {  	[sflag:s24] =	ssyncset.done $0x0  }
0xb8: {  	[sflag:s24] =	ssyncadd.s32 $0xFFFFF800  }
0xb9: {  	[spmem:s1] =	stream.indirect.scatter.add.f32 [tilespmem:s28], [sflag:$0xA], $0x10, s8, s18, $0xb8;
	[tilespmem:$0xB800] =	vst v63  }
.LBB2_14:
0xba: {  	p0 =	slt.u32 s6, $0x2  }
0xbb: {  	s10 =	simm.s32 @!p0 $0xA  }
0xbc: {  	_ =	swait.ge @!p0 [sflag:s10], $0x800  }
0xbd: {  	p1 =	sgt.u32 @!p0 s6, $0x49;
	[sflag:s10] =	ssyncset.done @!p0 $0x0  }
0xbe: {  	p1 =	por p0, !p1;
	[sflag:s10] =	ssyncadd.s32 @!p0 $0xFFFFF800  }
0xbf: {  	[tilespmem:s19], [sflag:$0x2] =	stream.indirect.gather @p1 [hbm4b:s4+s18], $0x10, s9, s18, $0xb8;
	[tilespmem:$0xB800] =	vst v63  }
.Ltmp18:
0xc0: {  	_ = 	snop;
	(pc) =	sbr.rel .LBB2_19-.Ltmp18, $4  }
0xc1: {  	_ =	swait.ge [sflag:s15], $0x800  }
0xc2: {  	[sflag:s15] =	ssyncset.done $0x0  }
0xc3: {  	[sflag:s15] =	ssyncadd.s32 $0xFFFFF800  }
0xc4: {  	[spmem:s1] =	stream.indirect.scatter.add.f32 [tilespmem:s23], [sflag:$0xA], $0x10, s8, s18, $0xb8;
	[tilespmem:$0xB800] =	vst v63  }
.LBB2_21:
0xc5: {  	_ =	sfence.sel $0x180000  }
0xc6: {  	[bflag:$0x0] =	sbarrier.arrive $0xFFFF  }
0xc7: {  	_ =	strace $0x9000004A  }
0xc8: {  	s0 =	stileid.u32;
	[bflag:$0x2] =	sbarrier.arrive $0xFFFF  }
0xc9: {  	p0 =	sne.s32 s0, $0x0;
	s0 =	rddreg [dreg:$0x2]  }
0xca: {  	s0 =	sadd.s32 @!p0 $0x100000, s0  }
0xcb: {  	[sflag:s0] =	ssyncadd.tile.s32 @!p0 $0x1;
	_ =	shalt  }
.Lfunc_end2:
_tile_overlayer_lowered:
.L_overlay_start_2:
0xcc: {  	(tag) =	ssettag $0x2  }
0xcd: {  	s0 =	rddreg [dreg:$0x0];
	s2 =	stileid.u32  }
0xce: {  	s1 =	rddreg [dreg:$0x1];
	p0 =	sne.s32 s2, $0x0  }
0xcf: {  	s3 =	rddreg [dreg:$0x2];
	[bflag:$0x3] =	sbarrier.arrive $0xFFFF;
	s2 =	simm.s32 @!p0 $0x1C0B  }
0xd0: {  	[timem:s3], [sflag:s2] =	dma.local @!p0 [hbm:s0], s1  }
0xd1: {  	s0 =	simm.s32 @!p0 $0xB  }
0xd2: {  	_ =	swait.ge @!p0 [sflag:s0], s1  }
0xd3: {  	s1 =	ssub.s32 @!p0 $0x0, s1;
	[sflag:s0] =	ssyncset.done @!p0 $0x0  }
0xd4: {  	[sflag:s0] =	ssyncadd.s32 @!p0 s1  }
0xd5: {  	[bflag:$0x3] =	sbarrier.arrive $0xFFFF  }
0xd6: {  	_ =	shalt  }

// kernel: kernel.7.cloned.1.call-start
scs
__scs_entry_jumppad:
0x0: {  	(pc) =	sbr.rel $0x88, $3  }
0x1: {  	(tag) =	ssettag $0x0;
	lr =	simm.s32 $0x1  }
0x2: {  	[smem:$0x3F9B] =	sst lr;
	_ =	strace $0xD0000000  }
0x3: {  	_ = 	snop  }
0x4: {  	_ = 	snop  }
0x5: {  	_ = 	snop  }
0x6: {  	_ = 	snop  }
0x7: {  	_ = 	snop  }
__scs_overlays_trampoline_lowered:
0x8: {  	[smem:$0x3FAA] =	sst s0  }
0x9: {  	[smem:$0x3FAB] =	sst s1  }
0xa: {  	[smem:$0x3FAC] =	sst s2  }
0xb: {  	[smem:$0x3FAD] =	sst s3  }
0xc: {  	[smem:$0x3FAE] =	sst s4  }
0xd: {  	[smem:$0x3FAF] =	sst s5  }
0xe: {  	[smem:$0x3FB0] =	sst s6  }
0xf: {  	[smem:$0x3FB1] =	sst s7  }
0x10: {  	[smem:$0x3FB2] =	sst s8  }
0x11: {  	[smem:$0x3FB3] =	sst s9;
	s0 =	simm.s32 @!p0 $0x0  }
0x12: {  	s1 =	sld [smem:$0x3F99];
	s0 =	simm.s32 @p0 $0x1  }
0x13: {  	[smem:$0x3FB4] =	sst s0;
	s0 =	simm.s32 @!p1 $0x0  }
0x14: {  	s2 =	sld [smem:$0x3F98];
	s0 =	simm.s32 @p1 $0x1  }
0x15: {  	[smem:$0x3FB5] =	sst s0;
	s0 =	simm.s32 @!p2 $0x0  }
0x16: {  	s3 =	sld [smem:$0x3FDB];
	s0 =	simm.s32 @p2 $0x1  }
0x17: {  	s4 =	simm.s32 $0x1BF5;
	[smem:$0x3FB7] =	sst s0  }
0x18: {  	s0 =	sld [smem:$0x3F9A];
	_ =	swait.ge [sflag:s4], $0x0  }
0x19: {  	s7 =	sld [smem:$0x3F9B]  }
0x1a: {  	s8 =	sadd.s32 $0xFFFFE003, lr  }
0x1b: {  	s9 =	sadd.s32 $0xFFFFFEF7, lr;
	s5 =	simm.s32 $0xFFFFFFFF;
	p2 =	slt.u32 s8, $0xFFFFF086  }
0x1c: {  	p1 =	slt.u32 s9, $0xF7A;
	s5 =	simm.s32 @!p2 $0x0  }
0x1d: {  	s5 =	simm.s32 @p1 $0x1;
	p0 =	seq.s32 s7, s2  }
0x1e: {  	s7 =	smul.u32 @!p0 $0xF7A, s2;
	p2 =	seq.s32 @!p0 s5, $0x0  }
0x1f: {  	s9 =	smul.u32 $0xF7A, s1;
	s8 =	simm.s32 @!p0 $0x1BF5;
	p2 =	por !p2, p0  }
0x20: {  	[sflag:s8] =	ssyncset.s32 @!p0 $0xFFFFF086;
	s6 =	sadd.s32 @!p0 s3, s7;
	s7 =	simm.s32 @!p0 $0x108  }
0x21: {  	s3 =	sadd.s32 s3, s9;
	s6 =	sadd.s32 @!p0 $0x88, s6;
	s7 =	simm.s32 @p2 $0x1082  }
0x22: {  	[simem:s7], [sflag:s8] =	dma.local @!p0 [hbm:s6], $0xF7A  }
0x23: {  	s9 =	sor.u32 $0xD0000000, s2;
	s6 =	simm.s32 $0x108;
	_ =	swait.ge @!p0 [sflag:s8], $0x0  }
0x24: {  	s3 =	sadd.s32 $0x88, s3;
	s6 =	simm.s32 @!p1 $0x1082;
	[sflag:s4] =	ssyncset.s32 $0xFFFFF086  }
0x25: {  	[simem:s6], [sflag:s4] =	dma.local [hbm:s3], $0xF7A  }
0x26: {  	[smem:$0x3F9B] =	sst s1;
	(tag) =	ssettag s2;
	_ =	strace s9  }
0x27: {  	s1 =	sld [smem:$0x3FAB]  }
0x28: {  	s2 =	sld [smem:$0x3FAC]  }
0x29: {  	s4 =	sld [smem:$0x3FAE]  }
0x2a: {  	p0 =	seq.s32 s5, $0x0;
	s5 =	sld [smem:$0x3FAF]  }
0x2b: {  	s6 =	sld [smem:$0x3FB0]  }
0x2c: {  	s7 =	sld [smem:$0x3FB1]  }
0x2d: {  	s3 =	simm.s32 $0x108;
	s8 =	sld [smem:$0x3FB2]  }
0x2e: {  	s3 =	simm.s32 @!p0 $0x1082;
	s9 =	sld [smem:$0x3FB3]  }
0x2f: {  	lr =	sadd.s32 s0, s3;
	s0 =	sld [smem:$0x3FAA]  }
0x30: {  	s3 =	sld [smem:$0x3FAD]  }
0x31: {  	[smem:$0x3FB6] =	sst s10  }
0x32: {  	s10 =	sld [smem:$0x3FB4];
	_ =	sdelay $0x3  }
0x33: {  	p0 =	seq.s32 s10, $0x1;
	s10 =	sld [smem:$0x3FB6];
	_ =	sdelay $0x3  }
0x34: {  	[smem:$0x3FB6] =	sst s10  }
0x35: {  	s10 =	sld [smem:$0x3FB5];
	_ =	sdelay $0x3  }
0x36: {  	p1 =	seq.s32 s10, $0x1;
	s10 =	sld [smem:$0x3FB6];
	_ =	sdelay $0x3  }
0x37: {  	[smem:$0x3FB6] =	sst s10  }
0x38: {  	s10 =	sld [smem:$0x3FB7]  }
0x39: {  	_ = 	snop;
	(pc) =	sbr.ind lr, $3  }
0x3a: {  	_ = 	snop  }
0x3b: {  	_ = 	snop  }
0x3c: {  	p2 =	seq.s32 s10, $0x1;
	s10 =	sld [smem:$0x3FB6]  }
0x3d: {  	_ =	shalt  }
0x3e: {  	_ =	shalt  }
0x3f: {  	_ =	shalt  }
0x40: {  	_ =	shalt  }
0x41: {  	_ =	shalt  }
0x42: {  	_ =	shalt  }
0x43: {  	_ =	shalt  }
0x44: {  	_ =	shalt  }
0x45: {  	_ =	shalt  }
0x46: {  	_ =	shalt  }
0x47: {  	_ =	shalt  }
0x48: {  	_ =	shalt  }
0x49: {  	_ =	shalt  }
0x4a: {  	_ =	shalt  }
0x4b: {  	_ =	shalt  }
0x4c: {  	_ =	shalt  }
0x4d: {  	_ =	shalt  }
0x4e: {  	_ =	shalt  }
0x4f: {  	_ =	shalt  }
0x50: {  	_ =	shalt  }
0x51: {  	_ =	shalt  }
0x52: {  	_ =	shalt  }
0x53: {  	_ =	shalt  }
0x54: {  	_ =	shalt  }
0x55: {  	_ =	shalt  }
0x56: {  	_ =	shalt  }
0x57: {  	_ =	shalt  }
0x58: {  	_ =	shalt  }
0x59: {  	_ =	shalt  }
0x5a: {  	_ =	shalt  }
0x5b: {  	_ =	shalt  }
0x5c: {  	_ =	shalt  }
0x5d: {  	_ =	shalt  }
0x5e: {  	_ =	shalt  }
0x5f: {  	_ =	shalt  }
0x60: {  	_ =	shalt  }
0x61: {  	_ =	shalt  }
0x62: {  	_ =	shalt  }
0x63: {  	_ =	shalt  }
0x64: {  	_ =	shalt  }
0x65: {  	_ =	shalt  }
0x66: {  	_ =	shalt  }
0x67: {  	_ =	shalt  }
0x68: {  	_ =	shalt  }
0x69: {  	_ =	shalt  }
0x6a: {  	_ =	shalt  }
0x6b: {  	_ =	shalt  }
0x6c: {  	_ =	shalt  }
0x6d: {  	_ =	shalt  }
0x6e: {  	_ =	shalt  }
0x6f: {  	_ =	shalt  }
0x70: {  	_ =	shalt  }
0x71: {  	_ =	shalt  }
0x72: {  	_ =	shalt  }
0x73: {  	_ =	shalt  }
0x74: {  	_ =	shalt  }
0x75: {  	_ =	shalt  }
0x76: {  	_ =	shalt  }
0x77: {  	_ =	shalt  }
0x78: {  	_ =	shalt  }
0x79: {  	_ =	shalt  }
0x7a: {  	_ =	shalt  }
0x7b: {  	_ =	shalt  }
0x7c: {  	_ =	shalt  }
0x7d: {  	_ =	shalt  }
0x7e: {  	_ =	shalt  }
0x7f: {  	_ =	shalt  }
0x80: {  	_ =	shalt  }
0x81: {  	_ =	shalt  }
0x82: {  	_ =	shalt  }
0x83: {  	_ =	shalt  }
0x84: {  	_ =	shalt  }
0x85: {  	_ =	shalt  }
0x86: {  	_ =	shalt  }
0x87: {  	_ =	shalt  }
.Lfunc_end0:
.L_simem_size_0:
called_computation_lowered:
.L_overlay_start_0:
0x88: {  	s2 =	sld [smem:$0x3FD9]  }
0x89: {  	s3 =	sld [smem:$0x3FFE];
	_ =	sdelay $0x1  }
0x8a: {  	s1 =	srdreg.scid  }
0x8b: {  	s0 =	sand.u32 $0x1, s1  }
0x8c: {  	s16 =	sshll.u32 s0, $0xA;
	s2 =	sadd.s32 s3, s2  }
0x8d: {  	s2 =	sadd.s32 s2, s16  }
0x8e: {  	[smem:$0x3FC2] =	sst s2  }
0x8f: {  	_ = 	snop  }
0x90: {  	(tm) =	ssettm $0x1  }
0x91: {  	s17 =	sld [smem:$0x3FFB];
	_ =	sdelay $0x3  }
0x92: {  	_ =	strace s17  }
0x93: {  	s2 =	sld [smem:$0x3FFC];
	_ =	sdelay $0x3  }
0x94: {  	_ =	strace s2  }
0x95: {  	s2 =	sld [smem:$0x3FFD];
	_ =	sdelay $0x3  }
0x96: {  	_ =	strace s2  }
0x97: {  	_ =	strace $0x8FFFFFFF  }
0x98: {  	s18 =	sld [smem:$0x3FDB];
	_ =	sdelay $0x1  }
0x99: {  	s19 =	simm.s32 $_scs_section_size  }
0x9a: {  	s4 =	simm.s32 $_size__tile_overlayer_lowered;
	s5 =	simm.s32 $_tile_overlayer_lowered  }
0x9b: {  	s22 =	simm.s32 $0x1BFF;
	s21 =	sshll.u32 s5, $0x1;
	s2 =	sadd.s32 s19, s18  }
0x9c: {  	s6 =	simm.s32 $0x0;
	s20 =	sshll.u32 s4, $0x1;
	s4 =	sadd.s32 s21, s2  }
0x9d: {  	[timem:s6], [sflag:s22] =	dma.local [hbm:s4], s20  }
0x9e: {  	_ =	swait.ge [sflag:s22], s20  }
0x9f: {  	s3 =	ssub.s32 $0x0, s20;
	[sflag:s22] =	ssyncset.done $0x0  }
0xa0: {  	[sflag:s22] =	ssyncadd.s32 s3;
	_ =	sdelay $0x1  }
0xa1: {  	s23 =	simm.s32 $0x1B8B  }
0xa2: {  	_ =	swait.ge [sflag:s23], $0x1  }
0xa3: {  	[sflag:s23] =	ssyncset.done $0x0  }
0xa4: {  	s25 =	simm.s32 $0x1B8E;
	s24 =	sld [smem:$0x3FFE];
	[sflag:s23] =	ssyncadd.s32 $0xFFFFFFFF  }
0xa5: {  	s26 =	simm.s32 $execute0_lowered;
	[smem:$0x3FD2] =	sst s25  }
0xa6: {  	s4 =	sshll.u32 s26, $0x1;
	_ =	strace $0x80000046;
	[dreg:$0x1] =	wrdreg $0xFFFFFFFF  }
0xa7: {  	s28 =	simm.s32 $_size_execute0_lowered;
	s2 =	sadd.s32 s2, s4;
	[dreg:$0x0] =	wrdreg $0x0  }
0xa8: {  	s4 =	sshll.u32 s28, $0x1;
	[dreg:$0x2] =	wrdreg s2  }
0xa9: {  	[dreg:$0x3] =	wrdreg s4  }
0xaa: {  	[dreg:$0x4] =	wrdreg $0xC0  }
0xab: {  	_ =	task [dreg:s6], $0x5FFFF  }
0xac: {  	[dreg:$0x1] =	wrdreg $0xFFFFFFFF  }
0xad: {  	[dreg:$0x0] =	wrdreg $0x60  }
0xae: {  	[dreg:$0x2] =	wrdreg s24  }
0xaf: {  	[dreg:$0x3] =	wrdreg $0x160000  }
0xb0: {  	[dreg:$0x4] =	wrdreg $0x9  }
0xb1: {  	_ =	task.clear_ibuf [dreg:s6], $0x5FFFF;
	_ =	strace $0x90000046  }
0xb2: {  	s29 =	simm.s32 $0x9;
	_ =	strace $0x80000048  }
0xb3: {  	_ =	swait.ge [sflag:s29], $0x1  }
0xb4: {  	[sflag:s29] =	ssyncadd.s32 $0xFFFFFFFF  }
0xb5: {  	_ =	strace $0x90000048  }
0xb6: {  	_ =	sfence  }
0xb7: {  	s30 =	sld [smem:$0x0];
	_ =	sdelay $0x2  }
0xb8: {  	s31 =	sshll.u32 s1, $0xD;
	s1 =	sshrl.u32 s1, $0x2  }
0xb9: {  	s3 =	sand.u32 $0x4000, s31;
	s1 =	sadd.s32 s1, s30  }
0xba: {  	s0 =	sor.u32 s3, s0;
	s1 =	sshll.u32 s1, $0x11  }
0xbb: {  	s0 =	sor.u32 s1, s0  }
0xbc: {  	s0 =	sadd.s32 $0x8F2B, s0  }
0xbd: {  	[sflag:s0] =	ssyncadd.remote.s32 $0x1  }
0xbe: {  	_ =	sfence.sel $0xFFFF  }
0xbf: {  	[dreg:$0x0] =	wrdreg $0xFFFFFFFF;
	(pc) =	sbr.abs _section_cstart, $3  }
0xc0: {  	[dreg:$0x1] =	wrdreg $0xFFFFFFFF  }
0xc1: {  	_ =	task.clear_ibuf [dreg:s6], $0x2FFFF;
	_ =	strace $0x9FFFFFFF  }
0xc2: {  	(tm) =	ssettm $0x7FFFFFFF  }
0xc3: {  	_ =	shalt  }
tec
execute0_lowered:
.L_overlay_start_1:
0x0: {  	(tag) =	ssettag $0x1  }
0x1: {  	s0 =	rddreg [dreg:$0x0]  }
0x2: {  	s2 =	rddreg [dreg:$0x1];
	s9 =	stileid.u32  }
0x3: {  	s1 =	srdreg.scid;
	s3 =	simm.s32 $0x0;
	s14 =	simm.s32 $0x9  }
0x4: {  	s16 =	simm.s32 $0xA000;
	s17 =	simm.s32 $0x7;
	s18 =	simm.s32 $0x80  }
0x5: {  	s19 =	simm.s32 $0xC000;
	s21 =	simm.s32 $0xE000;
	s24 =	simm.s32 $0x12000  }
0x6: {  	s25 =	simm.s32 $0x1;
	s28 =	simm.s32 $0x2;
	s7 =	smul.u32 $0xA000, s9  }
0x7: {  	s29 =	simm.s32 $0x3;
	s30 =	simm.s32 $0x8;
	s6 =	smul.u32 $0xA00, s9  }
0x8: {  	s31 =	simm.s32 $0x0;
	s1 =	sand.u32 $0x1, s1;
	s9 =	smul.u32 $0x28000, s9  }
0x9: {  	[smem:$0x7FF] =	sst s3;
	s4 =	sadd.s32 $0x1200, s0;
	s5 =	smul.u32 $0xA0000, s1  }
0xa: {  	_ =	strace $0x80000047;
	s8 =	ssub.s32 $0x2, s1;
	s6 =	sadd.s32 s6, s0  }
0xb: {  	s10 =	sshrl.u32 s8, $0x1;
	s26 =	sshrl.u32 s9, $0x2;
	s5 =	sadd.s32 s7, s5  }
.Ltmp0:
0xc: {  	s13 =	ssub.s32 s8, s10;
	s11 =	sadd.s32 s26, s2;
	(pc) =	sbr.rel .LBB2_1-.Ltmp0, $4  }
0xd: {  	s7 =	sadd.s32 s7, s2;
	s26 =	simm.s32 $0x14000;
	s5 =	sshrl.u32 s5, $0x3  }
0xe: {  	s8 =	sadd.s32 $0x2000, s11;
	s9 =	sadd.s32 $0x4000, s11;
	s10 =	sadd.s32 $0x6000, s11  }
0xf: {  	s11 =	sadd.s32 $0x8000, s11;
	s13 =	smax.u32 s13, $0x1;
	s0 =	sadd.s32 s5, s0  }
0x10: {  	v1 =	vimm.f32 $0.0e+00;
	v0 =	vmov s1;
	s5 =	sadd.s32 $0x28400, s6;
	s6 =	sadd.s32 $0x32400, s6;
	s12 =	sadd.s32 $0x3C400, s0  }
.LBB2_14:
0x11: {  	_ =	swait.ge [sflag:s17], $0x2000  }
0x12: {  	[sflag:s17] =	ssyncset.done $0x0  }
0x13: {  	[sflag:s17] =	ssyncadd.s32 $0xFFFFE000  }
0x14: {  	s0 =	stileid.u32;
	_ =	swait.ge [sflag:s30], $0x2000  }
0x15: {  	s1 =	sshrl.u32 s7, $0x3;
	s31 =	sadd.s32 $0x1, s31;
	[sflag:s30] =	ssyncset.done $0x0  }
0x16: {  	s0 =	sshll.u32 s0, $0x6;
	p0 =	sne.s32 s31, s13;
	[sflag:s30] =	ssyncadd.s32 $0xFFFFE000  }
.Ltmp1:
0x17: {  	s0 =	sor.u32 $0x1C09, s0;
	[bflag:$0x0] =	sbarrier.arrive $0xFFFF;
	(pc) =	sbr.rel @!p0 .LBB2_15-.Ltmp1, $4  }
0x18: {  	[hbm:s12], [sflag:s0] =	dma.local [spmem:s1], $0x1400  }
0x19: {  	_ =	swait.ge [sflag:s14], $0x1400  }
0x1a: {  	[sflag:s14] =	ssyncset.done $0x0  }
0x1b: {  	[sflag:s14] =	ssyncadd.s32 $0xFFFFEC00  }
.LBB2_1:
0x1c: {  	[tilespmem:s3], [sflag:$0x9] =	stream.linear.gather [hbm4b:s5+s3], $0x5000, $0x38;
	v63 =	vld [tilespmem:$0x0]  }
0x1d: {  	_ =	swait.ge [sflag:s14], $0x5000  }
0x1e: {  	[sflag:s14] =	ssyncset.done $0x0  }
0x1f: {  	s0 =	simm.s32 $0x5000;
	[sflag:s14] =	ssyncadd.s32 $0xFFFFB000  }
0x20: {  	[tilespmem:s0], [sflag:$0x9] =	stream.linear.gather [hbm4b:s6+s3], $0x5000, $0x38;
	v63 =	vld [tilespmem:$0x0]  }
0x21: {  	_ =	swait.ge [sflag:s14], $0x5000  }
0x22: {  	[sflag:s14] =	ssyncset.done $0x0  }
0x23: {  	s0 =	simm.s32 $0x0;
	[sflag:s14] =	ssyncadd.s32 $0xFFFFB000  }
0x24: {  	v3 =	vld [tilespmem:s0+$0x0]  }
0x25: {  	v4 =	vld [tilespmem:s0+$0x10]  }
0x26: {  	v6 =	vld [tilespmem:s0+$0x20]  }
0x27: {  	v5 =	vld [tilespmem:s0+$0x30]  }
0x28: {  	v2 =	vld [tilespmem:s0+$0x40]  }
0x29: {  	v7 =	vshll.u32 v3, $0x1;
	v3 =	vld [tilespmem:s0+$0x50]  }
0x2a: {  	s15 =	simm.s32 $0x200;
	v8 =	vshll.u32 v4, $0x1;
	v4 =	vld [tilespmem:s0+$0x60];
	v7 =	vor.u32 v0, v7  }
.LBB2_2:
0x2b: {  	s1 =	sshra.s32 s15, $0x2;
	p0 =	sne.s32 s15, $0x13E00;
	[tilespmem:s0+$0x0] =	vst v7;
	v7 =	vor.u32 v0, v8;
	v6 =	vshll.u32 v6, $0x1;
	v8 =	vld [tilespmem:s0+$0x70]  }
0x2c: {  	v9 =	vld [tilespmem:s1+$0x0];
	[tilespmem:s0+$0x10] =	vst v7;
	v6 =	vor.u32 v0, v6;
	v5 =	vshll.u32 v5, $0x1  }
0x2d: {  	v10 =	vld [tilespmem:s1+$0x10];
	[tilespmem:s0+$0x20] =	vst v6;
	v5 =	vor.u32 v0, v5;
	v2 =	vshll.u32 v2, $0x1  }
.Ltmp2:
0x2e: {  	v6 =	vld [tilespmem:s1+$0x20];
	[tilespmem:s0+$0x30] =	vst v5;
	v2 =	vor.u32 v0, v2;
	v3 =	vshll.u32 v3, $0x1;
	(pc) =	sbr.rel @p0 .LBB2_2-.Ltmp2, $4  }
0x2f: {  	v5 =	vld [tilespmem:s1+$0x30];
	[tilespmem:s0+$0x40] =	vst v2;
	v3 =	vor.u32 v0, v3;
	v4 =	vshll.u32 v4, $0x1  }
0x30: {  	v2 =	vld [tilespmem:s1+$0x40];
	[tilespmem:s0+$0x50] =	vst v3;
	v4 =	vor.u32 v0, v4;
	v7 =	vshll.u32 v8, $0x1  }
0x31: {  	v8 =	vshll.u32 v9, $0x1;
	v3 =	vld [tilespmem:s1+$0x50];
	[tilespmem:s0+$0x60] =	vst v4;
	v9 =	vor.u32 v0, v7  }
0x32: {  	s15 =	sadd.s32 $0x200, s15;
	v7 =	vor.u32 v0, v8;
	v8 =	vshll.u32 v10, $0x1;
	v4 =	vld [tilespmem:s1+$0x60];
	[tilespmem:s0+$0x70] =	vst v9;
	s0 =	smov.u32 s1  }
0x33: {  	[tilespmem:s0+$0x0] =	vst v7;
	v61 =	vor.u32 v0, v8;
	v6 =	vshll.u32 v6, $0x1;
	v62 =	vld [tilespmem:s0+$0x70]  }
0x34: {  	[tilespmem:s0+$0x10] =	vst v61;
	v6 =	vor.u32 v0, v6;
	v5 =	vshll.u32 v5, $0x1  }
0x35: {  	[tilespmem:s0+$0x20] =	vst v6;
	v5 =	vor.u32 v0, v5;
	v2 =	vshll.u32 v2, $0x1  }
0x36: {  	[tilespmem:s0+$0x30] =	vst v5;
	v2 =	vor.u32 v0, v2;
	v3 =	vshll.u32 v3, $0x1  }
0x37: {  	[tilespmem:s0+$0x40] =	vst v2;
	v2 =	vor.u32 v0, v3;
	v3 =	vshll.u32 v4, $0x1  }
0x38: {  	[tilespmem:s0+$0x50] =	vst v2;
	v2 =	vor.u32 v0, v3;
	v3 =	vshll.u32 v62, $0x1  }
0x39: {  	[tilespmem:s0+$0x60] =	vst v2;
	v2 =	vor.u32 v0, v3  }
0x3a: {  	s1 =	simm.s32 $0x100;
	[tilespmem:s0+$0x70] =	vst v2;
	s0 =	simm.s32 $0x0  }
.LBB2_4:
0x3b: {  	p0 =	sne.s32 s1, $0x7F00;
	[tilespmem:s0+$0xA030] =	vst v1;
	s15 =	smov.u32 s1;
	s1 =	sadd.s32 $0x100, s1  }
.Ltmp3:
0x3c: {  	[tilespmem:s0+$0xA020] =	vst v1;
	(pc) =	sbr.rel @p0 .LBB2_4-.Ltmp3, $3  }
0x3d: {  	[tilespmem:s0+$0xA000] =	vst v1  }
0x3e: {  	[tilespmem:s0+$0xA010] =	vst v1;
	_ =	sdelay $0x1  }
0x3f: {  	s0 =	sshra.s32 s15, $0x2  }
0x40: {  	[tilespmem:s0+$0xA030] =	vst v1  }
0x41: {  	[tilespmem:s0+$0xA020] =	vst v1  }
0x42: {  	[tilespmem:s0+$0xA000] =	vst v1  }
0x43: {  	[tilespmem:s0+$0xA010] =	vst v1  }
0x44: {  	[spmem:s7] =	stream.linear.scatter [tilespmem:s16], [sflag:$0x7], $0x2000, $0x38;
	v63 =	vld [tilespmem:$0x0]  }
0x45: {  	_ = 	snop  }
0x46: {  	[spmem:s8] =	stream.linear.scatter [tilespmem:s16], [sflag:$0x7], $0x2000, $0x38;
	v63 =	vld [tilespmem:$0x0]  }
0x47: {  	_ = 	snop  }
0x48: {  	[spmem:s9] =	stream.linear.scatter [tilespmem:s16], [sflag:$0x7], $0x2000, $0x38;
	v63 =	vld [tilespmem:$0x0]  }
0x49: {  	_ = 	snop  }
0x4a: {  	[spmem:s10] =	stream.linear.scatter [tilespmem:s16], [sflag:$0x7], $0x2000, $0x38;
	v63 =	vld [tilespmem:$0x0]  }
0x4b: {  	_ = 	snop  }
0x4c: {  	[spmem:s11] =	stream.linear.scatter [tilespmem:s16], [sflag:$0x7], $0x2000, $0x38;
	v63 =	vld [tilespmem:$0x0]  }
0x4d: {  	_ =	swait.ge [sflag:s17], $0x2000  }
0x4e: {  	[sflag:s17] =	ssyncset.done $0x0  }
0x4f: {  	[sflag:s17] =	ssyncadd.s32 $0xFFFFE000  }
0x50: {  	_ =	swait.ge [sflag:s17], $0x2000  }
0x51: {  	[sflag:s17] =	ssyncset.done $0x0  }
0x52: {  	[sflag:s17] =	ssyncadd.s32 $0xFFFFE000  }
0x53: {  	_ =	swait.ge [sflag:s17], $0x2000  }
0x54: {  	[sflag:s17] =	ssyncset.done $0x0  }
0x55: {  	[sflag:s17] =	ssyncadd.s32 $0xFFFFE000  }
0x56: {  	_ =	swait.ge [sflag:s17], $0x2000  }
0x57: {  	[sflag:s17] =	ssyncset.done $0x0  }
0x58: {  	[sflag:s17] =	ssyncadd.s32 $0xFFFFE000  }
0x59: {  	_ =	swait.ge [sflag:s17], $0x2000  }
0x5a: {  	[sflag:s17] =	ssyncset.done $0x0  }
0x5b: {  	[sflag:s17] =	ssyncadd.s32 $0xFFFFE000  }
0x5c: {  	s0 =	simm.s32 $0x0;
	[bflag:$0x0] =	sbarrier.arrive $0xFFFF  }
0x5d: {  	[tilespmem:s16], [sflag:$0x1] =	stream.indirect.gather [hbm4b:s4+s18], $0x40, s0, s18, $0xb8;
	v63 =	vld [tilespmem:$0x0]  }
0x5e: {  	_ = 	snop  }
0x5f: {  	[tilespmem:s19], [sflag:$0x2] =	stream.indirect.gather [hbm4b:s4+s18], $0x40, s18, s18, $0xb8;
	v63 =	vld [tilespmem:$0x0]  }
.Ltmp4:
0x60: {  	s1 =	simm.s32 $0x100;
	(pc) =	sbr.rel .LBB2_6-.Ltmp4, $4  }
0x61: {  	[tilespmem:s21], [sflag:$0x3] =	stream.indirect.gather [hbm4b:s4+s18], $0x40, s1, s18, $0xb8;
	v63 =	vld [tilespmem:$0x0]  }
0x62: {  	s23 =	simm.s32 $0x180;
	s15 =	simm.s32 $0x10000  }
0x63: {  	[tilespmem:s15], [sflag:$0x4] =	stream.indirect.gather [hbm4b:s4+s18], $0x40, s23, s18, $0xb8;
	v63 =	vld [tilespmem:$0x0]  }
0x64: {  	s20 =	simm.s32 $0x200;
	s15 =	simm.s32 $0x5000  }
.LBB2_10:
0x65: {  	p0 =	seq.s32 s1, $0x3  }
0x66: {  	s22 =	simm.s32 @p0 $0x8  }
0x67: {  	p1 =	sgt.u32 @p0 s0, $0x9B;
	_ =	swait.ge @p0 [sflag:s22], $0x2000  }
0x68: {  	p1 =	por p1, !p0;
	[sflag:s22] =	ssyncset.done @p0 $0x0  }
0x69: {  	s23 =	simm.s32 @!p1 $0xC000;
	[sflag:s22] =	ssyncadd.s32 @p0 $0xFFFFE000;
	s22 =	simm.s32 @!p1 $0x80  }
0x6a: {  	[tilespmem:s23], [sflag:$0x2] =	stream.indirect.gather @!p1 [hbm4b:s4+s22], $0x40, s20, s22, $0xb8;
	v63 =	vld [tilespmem:$0x0]  }
0x6b: {  	s22 =	simm.s32 @p0 $0x4;
	p1 =	seq.s32 @!p0 s1, $0x4  }
0x6c: {  	_ =	swait.ge @p0 [sflag:s22], $0x2000;
	p2 =	por !p1, p0  }
0x6d: {  	s23 =	simm.s32 @p0 $0x10000;
	[sflag:s22] =	ssyncset.done @p0 $0x0;
	s1 =	simm.s32 @!p2 $0x7  }
0x6e: {  	p3 =	sgt.u32 @!p2 s0, $0x9B;
	[sflag:s22] =	ssyncadd.s32 @p0 $0xFFFFE000;
	s22 =	simm.s32 @p0 $0x80  }
0x6f: {  	[spmem:s2] =	stream.indirect.scatter.add.f32 @p0 [tilespmem:s23], [sflag:$0x8], $0x40, s15, s22, $0xb8;
	v63 =	vld [tilespmem:$0x0]  }
0x70: {  	p3 =	por @!p0 p3, !p1;
	_ =	swait.ge @!p2 [sflag:s1], $0x2000  }
0x71: {  	p3 =	por p3, p0;
	[sflag:s1] =	ssyncset.done @!p2 $0x0  }
0x72: {  	s22 =	simm.s32 @!p3 $0xE000;
	[sflag:s1] =	ssyncadd.s32 @!p2 $0xFFFFE000;
	s1 =	simm.s32 @!p3 $0x80  }
0x73: {  	[tilespmem:s22], [sflag:$0x3] =	stream.indirect.gather @!p3 [hbm4b:s4+s1], $0x40, s20, s1, $0xb8;
	v63 =	vld [tilespmem:$0x0]  }
0x74: {  	s1 =	simm.s32 @!p2 $0x5  }
0x75: {  	_ =	swait.ge @!p2 [sflag:s1], $0x2000  }
0x76: {  	[sflag:s1] =	ssyncset.done @!p2 $0x0  }
0x77: {  	s22 =	simm.s32 @!p2 $0x12000;
	[sflag:s1] =	ssyncadd.s32 @!p2 $0xFFFFE000;
	s1 =	simm.s32 @!p2 $0x80  }
0x78: {  	[spmem:s2] =	stream.indirect.scatter.add.f32 @!p2 [tilespmem:s22], [sflag:$0x7], $0x40, s15, s1, $0xb8;
	v63 =	vld [tilespmem:$0x0]  }
0x79: {  	p2 =	por p1, p0  }
0x7a: {  	s1 =	simm.s32 @!p2 $0x8;
	p3 =	sgt.u32 @!p2 s0, $0x9B  }
0x7b: {  	_ =	swait.ge @!p2 [sflag:s1], $0x2000;
	p1 =	por @!p0 p3, p1  }
0x7c: {  	[sflag:s1] =	ssyncset.done @!p2 $0x0;
	p0 =	por p1, p0  }
0x7d: {  	[sflag:s1] =	ssyncadd.s32 @!p2 $0xFFFFE000;
	s1 =	simm.s32 @!p0 $0x80;
	s22 =	simm.s32 @!p0 $0x10000  }
0x7e: {  	[tilespmem:s22], [sflag:$0x4] =	stream.indirect.gather @!p0 [hbm4b:s4+s1], $0x40, s20, s1, $0xb8;
	v63 =	vld [tilespmem:$0x0]  }
0x7f: {  	s1 =	simm.s32 @!p2 $0x6  }
0x80: {  	_ =	swait.ge @!p2 [sflag:s1], $0x2000  }
0x81: {  	[sflag:s1] =	ssyncset.done @!p2 $0x0  }
0x82: {  	s22 =	simm.s32 @!p2 $0x14000;
	[sflag:s1] =	ssyncadd.s32 @!p2 $0xFFFFE000;
	s1 =	simm.s32 @!p2 $0x80  }
0x83: {  	[spmem:s2] =	stream.indirect.scatter.add.f32 @!p2 [tilespmem:s22], [sflag:$0x8], $0x40, s15, s1, $0xb8;
	v63 =	vld [tilespmem:$0x0]  }
.LBB2_13:
0x84: {  	s0 =	sadd.s32 $0x1, s0  }
0x85: {  	p0 =	sne.s32 s0, $0xA0  }
.Ltmp5:
0x86: {  	_ = 	snop;
	(pc) =	sbr.rel @!p0 .LBB2_14-.Ltmp5, $2  }
0x87: {  	_ =	sdelay $0x2  }
0x88: {  	s15 =	sadd.s32 $0x80, s15;
	s20 =	sadd.s32 $0x80, s20  }
.LBB2_6:
0x89: {  	s1 =	smul.u32 $0xAB, s0;
	_ =	sdelay $0x1  }
0x8a: {  	s1 =	sshrl.u32 s1, $0xA  }
0x8b: {  	s1 =	sand.u32 $0x3F, s1  }
0x8c: {  	s1 =	smul.u32 $0x6, s1;
	_ =	sdelay $0x1  }
0x8d: {  	s1 =	ssub.s32 s0, s1  }
0x8e: {  	s1 =	sand.u32 $0xFF, s1  }
0x8f: {  	p0 =	sgt.s32 s1, $0x2  }
.Ltmp6:
0x90: {  	_ = 	snop;
	(pc) =	sbr.rel @p0 .LBB2_10-.Ltmp6, $1  }
0x91: {  	_ =	sdelay $0x3  }
0x92: {  	p0 =	seq.s32 s1, $0x0  }
.Ltmp7:
0x93: {  	_ = 	snop;
	(pc) =	sbr.rel @p0 .LBB2_11-.Ltmp7, $1  }
0x94: {  	_ =	sdelay $0x3  }
0x95: {  	p0 =	seq.s32 s1, $0x1  }
.Ltmp8:
0x96: {  	_ = 	snop;
	(pc) =	sbr.rel @!p0 .LBB2_12-.Ltmp8, $1  }
0x97: {  	_ =	sdelay $0x3  }
0x98: {  	p0 =	slt.u32 s0, $0x2  }
0x99: {  	s1 =	simm.s32 @!p0 $0x8  }
0x9a: {  	_ =	swait.ge @!p0 [sflag:s1], $0x2000  }
0x9b: {  	p1 =	sgt.u32 @!p0 s0, $0x9B;
	[sflag:s1] =	ssyncset.done @!p0 $0x0  }
0x9c: {  	p1 =	por p0, !p1;
	[sflag:s1] =	ssyncadd.s32 @!p0 $0xFFFFE000  }
0x9d: {  	[tilespmem:s26], [sflag:$0x6] =	stream.indirect.gather @p1 [hbm4b:s4+s18], $0x40, s20, s18, $0xb8;
	v63 =	vld [tilespmem:$0x0]  }
.Ltmp9:
0x9e: {  	_ = 	snop;
	(pc) =	sbr.rel .LBB2_13-.Ltmp9, $4  }
0x9f: {  	_ =	swait.ge [sflag:s28], $0x2000  }
0xa0: {  	[sflag:s28] =	ssyncset.done $0x0  }
0xa1: {  	[sflag:s28] =	ssyncadd.s32 $0xFFFFE000  }
0xa2: {  	[spmem:s2] =	stream.indirect.scatter.add.f32 [tilespmem:s19], [sflag:$0x8], $0x40, s15, s18, $0xb8;
	v63 =	vld [tilespmem:$0x0]  }
.LBB2_11:
0xa3: {  	p0 =	slt.u32 s0, $0x2  }
0xa4: {  	s1 =	simm.s32 @!p0 $0x7  }
0xa5: {  	_ =	swait.ge @!p0 [sflag:s1], $0x2000  }
0xa6: {  	p1 =	sgt.u32 @!p0 s0, $0x9B;
	[sflag:s1] =	ssyncset.done @!p0 $0x0  }
0xa7: {  	p1 =	por p0, !p1;
	[sflag:s1] =	ssyncadd.s32 @!p0 $0xFFFFE000  }
0xa8: {  	[tilespmem:s24], [sflag:$0x5] =	stream.indirect.gather @p1 [hbm4b:s4+s18], $0x40, s20, s18, $0xb8;
	v63 =	vld [tilespmem:$0x0]  }
.Ltmp10:
0xa9: {  	_ = 	snop;
	(pc) =	sbr.rel .LBB2_13-.Ltmp10, $4  }
0xaa: {  	_ =	swait.ge [sflag:s25], $0x2000  }
0xab: {  	[sflag:s25] =	ssyncset.done $0x0  }
0xac: {  	[sflag:s25] =	ssyncadd.s32 $0xFFFFE000  }
0xad: {  	[spmem:s2] =	stream.indirect.scatter.add.f32 [tilespmem:s16], [sflag:$0x7], $0x40, s15, s18, $0xb8;
	v63 =	vld [tilespmem:$0x0]  }
.LBB2_12:
0xae: {  	_ =	swait.ge [sflag:s17], $0x2000  }
0xaf: {  	p0 =	sgt.u32 s0, $0x9B;
	[sflag:s17] =	ssyncset.done $0x0  }
0xb0: {  	s1 =	simm.s32 @!p0 $0x80;
	s22 =	simm.s32 @!p0 $0xA000;
	[sflag:s17] =	ssyncadd.s32 $0xFFFFE000  }
0xb1: {  	[tilespmem:s22], [sflag:$0x1] =	stream.indirect.gather @!p0 [hbm4b:s4+s1], $0x40, s20, s1, $0xb8;
	v63 =	vld [tilespmem:$0x0]  }
.Ltmp11:
0xb2: {  	_ = 	snop;
	(pc) =	sbr.rel .LBB2_13-.Ltmp11, $4  }
0xb3: {  	_ =	swait.ge [sflag:s29], $0x2000  }
0xb4: {  	[sflag:s29] =	ssyncset.done $0x0  }
0xb5: {  	[sflag:s29] =	ssyncadd.s32 $0xFFFFE000  }
0xb6: {  	[spmem:s2] =	stream.indirect.scatter.add.f32 [tilespmem:s21], [sflag:$0x7], $0x40, s15, s18, $0xb8;
	v63 =	vld [tilespmem:$0x0]  }
.LBB2_15:
0xb7: {  	_ =	sfence.sel $0x180000  }
0xb8: {  	[bflag:$0x0] =	sbarrier.arrive $0xFFFF  }
0xb9: {  	_ =	strace $0x90000047  }
0xba: {  	s0 =	stileid.u32;
	[bflag:$0x2] =	sbarrier.arrive $0xFFFF  }
0xbb: {  	p0 =	sne.s32 s0, $0x0;
	s0 =	rddreg [dreg:$0x2]  }
0xbc: {  	s0 =	sadd.s32 @!p0 $0x100000, s0  }
0xbd: {  	[sflag:s0] =	ssyncadd.tile.s32 @!p0 $0x1;
	_ =	shalt  }
.Lfunc_end2:
_tile_overlayer_lowered:
.L_overlay_start_2:
0xbe: {  	(tag) =	ssettag $0x2  }
0xbf: {  	s0 =	rddreg [dreg:$0x0];
	s2 =	stileid.u32  }
0xc0: {  	s1 =	rddreg [dreg:$0x1];
	p0 =	sne.s32 s2, $0x0  }
0xc1: {  	s3 =	rddreg [dreg:$0x2];
	[bflag:$0x3] =	sbarrier.arrive $0xFFFF;
	s2 =	simm.s32 @!p0 $0x1C09  }
0xc2: {  	[timem:s3], [sflag:s2] =	dma.local @!p0 [hbm:s0], s1  }
0xc3: {  	s0 =	simm.s32 @!p0 $0x9  }
0xc4: {  	_ =	swait.ge @!p0 [sflag:s0], s1  }
0xc5: {  	s1 =	ssub.s32 @!p0 $0x0, s1;
	[sflag:s0] =	ssyncset.done @!p0 $0x0  }
0xc6: {  	[sflag:s0] =	ssyncadd.s32 @!p0 s1  }
0xc7: {  	[bflag:$0x3] =	sbarrier.arrive $0xFFFF  }
0xc8: {  	_ =	shalt  }

</sc_bundles>
